<compile_context>
chip_gen: v7x
topology: tpu7x:2x2x1
jax: 0.10.2.dev20260603
libtpu: 0.0.44.dev20260713+nightly
codegen_flags: <defaults>
</compile_context>

<pallas_src>
import dataclasses
import functools

import jax
import jax.numpy as jnp
from jax import lax
from jax.experimental import pallas as pl
from jax.experimental.pallas import tpu as pltpu
from jax.experimental.pallas import tpu_sc as plsc

N = 320000
IN_C = 128
OUT_C = 128
NUM_SEG = 10000
EPS = 0.001

NLANE = 16
NVEC = OUT_C // NLANE

_INFO = plsc.get_sparse_core_info()
NW = _INFO.num_cores * _INFO.num_subcores
SPW = 320
CH = 160
BR = 8000



def _mm_stats_body(in_ref, w1t_ref, g1_ref, b1_ref, x_ref, ab_ref,
                   s_acc, sq_acc):
    x = jnp.dot(in_ref[...], w1t_ref[...], preferred_element_type=jnp.float32)
    x_ref[...] = x

    @pl.when(pl.program_id(0) == 0)
    def _():
        s_acc[...] = jnp.zeros_like(s_acc)
        sq_acc[...] = jnp.zeros_like(sq_acc)

    s_acc[...] += jnp.sum(x, axis=0, keepdims=True)
    sq_acc[...] += jnp.sum(x * x, axis=0, keepdims=True)

    @pl.when(pl.program_id(0) == pl.num_programs(0) - 1)
    def _():
        mu = s_acc[...] / N
        var = sq_acc[...] / N - mu * mu
        a = g1_ref[...] * lax.rsqrt(var + EPS)
        b = b1_ref[...] - a * mu
        ab_ref[...] = jnp.concatenate([a, b], axis=0)


_phase_a = pl.pallas_call(
    _mm_stats_body,
    grid=(N // BR,),
    in_specs=[
        pl.BlockSpec((BR, IN_C), lambda i: (i, 0)),
        pl.BlockSpec((IN_C, OUT_C), lambda i: (0, 0)),
        pl.BlockSpec((1, OUT_C), lambda i: (0, 0)),
        pl.BlockSpec((1, OUT_C), lambda i: (0, 0)),
    ],
    out_specs=[
        pl.BlockSpec((BR, OUT_C), lambda i: (i, 0)),
        pl.BlockSpec((2, OUT_C), lambda i: (0, 0)),
    ],
    out_shape=[
        jax.ShapeDtypeStruct((N, OUT_C), jnp.float32),
        jax.ShapeDtypeStruct((2, OUT_C), jnp.float32),
    ],
    scratch_shapes=[
        pltpu.VMEM((1, OUT_C), jnp.float32),
        pltpu.VMEM((1, OUT_C), jnp.float32),
    ],
)



_SC_PARAMS = pltpu.CompilerParams()
if "needs_layout_passes" in pltpu.CompilerParams.__dataclass_fields__:
    _SC_PARAMS = dataclasses.replace(_SC_PARAMS, needs_layout_passes=False)


def _sc_segreduce(x, unq, starts, ab):
    mesh = plsc.VectorSubcoreMesh(core_axis_name="c", subcore_axis_name="s")

    @functools.partial(
        pl.kernel,
        mesh=mesh,
        compiler_params=_SC_PARAMS,
        out_type=(
            jax.ShapeDtypeStruct((NW * SPW * OUT_C,), jnp.float32),
            jax.ShapeDtypeStruct((NW * SPW * OUT_C,), jnp.float32),
        ),
        scratch_types=[
            pltpu.VMEM((48,), jnp.int32),
            pltpu.VMEM((2 * OUT_C,), jnp.float32),
            pltpu.VMEM((CH, OUT_C), jnp.float32),
            pltpu.VMEM((CH, OUT_C), jnp.float32),
            pltpu.VMEM((CH + NLANE,), jnp.int32),
            pltpu.VMEM((CH + NLANE,), jnp.int32),
            pltpu.VMEM((SPW * OUT_C,), jnp.float32),
            pltpu.VMEM((SPW * OUT_C,), jnp.float32),
            pltpu.SemaphoreType.DMA,
            pltpu.SemaphoreType.DMA,
            pltpu.SemaphoreType.DMA,
            pltpu.SemaphoreType.DMA,
        ],
    )
    def body(x_hbm, u_hbm, st_hbm, ab_hbm, omax_hbm, osum_hbm,
             st_v, ab_v, x_v0, x_v1, u_v0, u_v1, smax_v, ssum_v,
             sx0, sx1, su0, su1):
        cc = lax.axis_index("c")
        ss = lax.axis_index("s")
        wid = ss * _INFO.num_cores + cc
        s_lo = wid * SPW

        pltpu.sync_copy(st_hbm, st_v)
        pltpu.sync_copy(ab_hbm, ab_v)
        stv = st_v[pl.ds(wid, NLANE)]
        r_lo = stv[0]
        r_hi = stv[1]

        zeros16 = jnp.zeros((NLANE,), jnp.float32)

        xbufs = (x_v0, x_v1)
        ubufs = (u_v0, u_v1)
        sxs = (sx0, sx1)
        sus = (su0, su1)
        last_base = (N // CH - 1) * CH

        def start(k, b):
            kb = jnp.minimum(k * CH, last_base)
            pltpu.async_copy(
                x_hbm.at[pl.ds(kb, CH)], xbufs[b], sxs[b])
            pltpu.async_copy(
                u_hbm.at[pl.ds(kb, CH)], ubufs[b].at[pl.ds(0, CH)], sus[b])

        def wait(b):
            pltpu.make_async_copy(
                x_hbm.at[pl.ds(0, CH)], xbufs[b], sxs[b]).wait()
            pltpu.make_async_copy(
                u_hbm.at[pl.ds(0, CH)], ubufs[b].at[pl.ds(0, CH)], sus[b]).wait()

        k0 = r_lo // CH
        nk = (r_hi + CH - 1) // CH - k0

        start(k0, 0)

        @pl.loop(0, SPW)
        def _(i):
            ib = i * OUT_C
            for j in range(NVEC):
                smax_v[pl.ds(ib + NLANE * j, NLANE)] = zeros16
                ssum_v[pl.ds(ib + NLANE * j, NLANE)] = zeros16

        a_vecs = [ab_v[pl.ds(NLANE * j, NLANE)] for j in range(NVEC)]
        b_vecs = [ab_v[pl.ds(OUT_C + NLANE * j, NLANE)] for j in range(NVEC)]

        def process(k, b, carry):
            base = k * CH
            lo = jnp.maximum(r_lo - base, 0)
            hi = jnp.maximum(jnp.minimum(r_hi - base, CH), lo)
            x_v = xbufs[b]
            u_v = ubufs[b]

            def row_body(r, cr):
                cur = cr[0]
                accs = cr[1:1 + NVEC]
                accm = cr[1 + NVEC:]
                seg = u_v[pl.ds(r, NLANE)][0]
                is_new = seg != cur

                @pl.when(is_new & (cur >= 0))
                def _():
                    lb = (cur - s_lo) * OUT_C
                    for j in range(NVEC):
                        ssum_v[pl.ds(lb + NLANE * j, NLANE)] = accs[j]
                        smax_v[pl.ds(lb + NLANE * j, NLANE)] = accm[j]

                keep = jnp.broadcast_to(
                    jnp.where(is_new, 0.0, 1.0).astype(jnp.float32), (NLANE,))
                news = []
                newm = []
                row = x_v.at[r]
                for j in range(NVEC):
                    xv = row[pl.ds(NLANE * j, NLANE)]
                    yv = jnp.maximum(xv * a_vecs[j] + b_vecs[j], 0.0)
                    news.append(accs[j] * keep + yv)
                    newm.append(jnp.maximum(accm[j] * keep, yv))
                return (seg, *news, *newm)

            return lax.fori_loop(lo, hi, row_body, carry)

        def pair_body(i, carry):
            k = k0 + 2 * i
            start(k + 1, 1)
            wait(0)
            carry = process(k, 0, carry)
            start(k + 2, 0)
            wait(1)
            return process(k + 1, 1, carry)

        init = (jnp.int32(-1),) + tuple(zeros16 for _ in range(2 * NVEC))
        fin = lax.fori_loop(0, (nk + 1) // 2, pair_body, init)
        wait(0)
        cur = fin[0]

        @pl.when(cur >= 0)
        def _():
            lb = (cur - s_lo) * OUT_C
            for j in range(NVEC):
                ssum_v[pl.ds(lb + NLANE * j, NLANE)] = fin[1 + j]
                smax_v[pl.ds(lb + NLANE * j, NLANE)] = fin[1 + NVEC + j]

        pltpu.sync_copy(smax_v, omax_hbm.at[pl.ds(s_lo * OUT_C, SPW * OUT_C)])
        pltpu.sync_copy(ssum_v, osum_hbm.at[pl.ds(s_lo * OUT_C, SPW * OUT_C)])

    return body(x, unq, starts, ab)



def _tail_body(xm_ref, gs_ref, w2at_ref, w2bt_ref, g2_ref, b2_ref, o_ref):
    t = (jnp.dot(xm_ref[...], w2at_ref[...], preferred_element_type=jnp.float32)
         + jnp.dot(gs_ref[...], w2bt_ref[...], preferred_element_type=jnp.float32))
    mu = jnp.mean(t, axis=0, keepdims=True)
    d = t - mu
    var = jnp.mean(d * d, axis=0, keepdims=True)
    y = g2_ref[...] * d * lax.rsqrt(var + EPS) + b2_ref[...]
    o_ref[...] = jnp.maximum(y, 0.0)


_phase_c = pl.pallas_call(
    _tail_body,
    out_shape=jax.ShapeDtypeStruct((NUM_SEG, OUT_C), jnp.float32),
)


def kernel(inputs, unq_inv, W1, gamma1, beta1, W2, gamma2, beta2):
    x, ab = _phase_a(inputs, W1.T, gamma1[None], beta1[None])

    qs = jnp.arange(0, (NW + 1) * SPW, SPW, dtype=jnp.int32)
    starts = jnp.searchsorted(unq_inv, qs, method="compare_all").astype(jnp.int32)
    starts = jnp.zeros((48,), jnp.int32).at[: NW + 1].set(starts)

    omax, osum = _sc_segreduce(x, unq_inv, starts, ab.reshape(-1))
    xm = omax.reshape(NW * SPW, OUT_C)[:NUM_SEG]
    gs = osum.reshape(NW * SPW, OUT_C)[:NUM_SEG]

    w2at = W2[:, 0::2].T
    w2bt = W2[:, 1::2].T
    return _phase_c(xm, gs, w2at, w2bt, gamma2[None], beta2[None])

# --- scband reference (transcript-rebuilt; emitter-appended) ---
"""Pipeline reference for scband-sum-plus-max-75033078661468 (READ-ONLY COPY).

The authoritative reference and input builder live on the scoring server;
editing this copy changes nothing except your own understanding.
"""

import jax, jax.numpy as jnp
import numpy as np

N = 320000
IN_C = 128
OUT_C = 128
NUM_SEG = 10000
EPS = 0.001


def _batchnorm(x, gamma, beta):
    mu = jnp.mean(x, axis=0)
    var = jnp.var(x, axis=0)
    return gamma * (x - mu) / jnp.sqrt(var + EPS) + beta


def setup_inputs(seed: int = 0) -> dict:
    key = jax.random.key(seed)
    k1, k2, k3, k4, k5, k6, k7, k8 = jax.random.split(key, 8)
    inputs = jax.random.normal(k1, (N, IN_C), dtype=jnp.float32)
    unq_inv = jnp.sort(jax.random.randint(k2, (N,), 0, NUM_SEG, dtype=jnp.int32))
    W1 = jax.random.normal(k3, (OUT_C, IN_C), dtype=jnp.float32) * (1.0 / np.sqrt(IN_C))
    gamma1 = jnp.ones((OUT_C,), dtype=jnp.float32)
    beta1 = jnp.zeros((OUT_C,), dtype=jnp.float32)
    W2 = jax.random.normal(k4, (OUT_C, 2 * OUT_C), dtype=jnp.float32) * (1.0 / np.sqrt(2 * OUT_C))
    gamma2 = jnp.ones((OUT_C,), dtype=jnp.float32)
    beta2 = jnp.zeros((OUT_C,), dtype=jnp.float32)
    return {"inputs": inputs, "unq_inv": unq_inv, "W1": W1, "gamma1": gamma1,
            "beta1": beta1, "W2": W2, "gamma2": gamma2, "beta2": beta2}


def reference(inputs, unq_inv, W1, gamma1, beta1, W2, gamma2, beta2):
    # linear1 (no bias) -> BN (training-style batch stats) -> ReLU
    x = inputs @ W1.T
    x = _batchnorm(x, gamma1, beta1)
    x = jax.nn.relu(x)
    # scatter_max over segments (torch_scatter fills empty segments with 0)
    x_max = jax.ops.segment_max(x, unq_inv, num_segments=NUM_SEG)
    x_max = jnp.where(jnp.isneginf(x_max), 0.0, x_max)
    # scatter_add over segments
    group_sum = jax.ops.segment_sum(x, unq_inv, num_segments=NUM_SEG)
    x = jnp.concatenate([x_max, group_sum], axis=1)
    # channel_shuffle with groups=2
    P, C = x.shape
    x = x.reshape(P, 2, C // 2)
    x = jnp.transpose(x, (0, 2, 1))
    x = x.reshape(P, -1)
    # linear2 (no bias) -> BN -> ReLU
    x = x @ W2.T
    x = _batchnorm(x, gamma2, beta2)
    x = jax.nn.relu(x)
    return x

if __name__ == "__main__":
    import jax
    _d = setup_inputs()
    print(jax.jit(kernel)(*tuple(_d.values())))

</pallas_src>

<mosaic_0001>
#map = affine_map<(d0, d1) -> (0, 0)>
#map1 = affine_map<(d0, d1) -> (0)>
module attributes {stable_mosaic.version = 14 : i64} {
  func.func @body(%arg0: i32, %arg1: i32, %arg2: memref<320000x128xf32, #tpu.memory_space<hbm>>, %arg3: memref<320000xi32, #tpu.memory_space<hbm>>, %arg4: memref<48xi32, #tpu.memory_space<hbm>>, %arg5: memref<256xf32, #tpu.memory_space<hbm>>, %arg6: memref<1310720xf32, #tpu.memory_space<hbm>>, %arg7: memref<1310720xf32, #tpu.memory_space<hbm>>, %arg8: memref<48xi32, #tpu.memory_space<vmem>>, %arg9: memref<256xf32, #tpu.memory_space<vmem>>, %arg10: memref<160x128xf32, #tpu.memory_space<vmem>>, %arg11: memref<160x128xf32, #tpu.memory_space<vmem>>, %arg12: memref<176xi32, #tpu.memory_space<vmem>>, %arg13: memref<176xi32, #tpu.memory_space<vmem>>, %arg14: memref<40960xf32, #tpu.memory_space<vmem>>, %arg15: memref<40960xf32, #tpu.memory_space<vmem>>, %arg16: memref<!tpu.dma_semaphore, #tpu.memory_space<semaphore_mem>>, %arg17: memref<!tpu.dma_semaphore, #tpu.memory_space<semaphore_mem>>, %arg18: memref<!tpu.dma_semaphore, #tpu.memory_space<semaphore_mem>>, %arg19: memref<!tpu.dma_semaphore, #tpu.memory_space<semaphore_mem>>) attributes {dimension_semantics = [#tpu.dimension_semantics<core_parallel>, #tpu.dimension_semantics<subcore_parallel>], iteration_bounds = array<i64: 2, 16>, scalar_prefetch = 0 : i64, scratch_operands = 12 : i64, tpu.core_type = #tpu.core_type<sc_vector_subcore>, window_params = [{transform_indices = #map}, {transform_indices = #map1}, {transform_indices = #map1}, {transform_indices = #map1}, {transform_indices = #map1}, {transform_indices = #map1}]} {
    %mul3A = arith.constant 2 : i32
    %mul3A_0 = arith.muli %arg1, %mul3A : i32
    %add3A = arith.addi %mul3A_0, %arg0 : i32
    %mul3A_1 = arith.constant 320 : i32
    %mul3A_2 = arith.muli %add3A, %mul3A_1 : i32
    "tpu.region"() ({
      %run_scoped3A = tpu.sem_alloc : memref<!tpu.dma_semaphore, #tpu.memory_space<semaphore_mem>>
      tpu.enqueue_dma source(%arg4 : memref<48xi32, #tpu.memory_space<hbm>>) target(%arg8 : memref<48xi32, #tpu.memory_space<vmem>>) target_semaphore(%run_scoped3A : memref<!tpu.dma_semaphore, #tpu.memory_space<semaphore_mem>>)
      tpu.wait_dma2 semaphore(%run_scoped3A : memref<!tpu.dma_semaphore, #tpu.memory_space<semaphore_mem>>) src(%arg4 : memref<48xi32, #tpu.memory_space<hbm>>) dst(%arg8 : memref<48xi32, #tpu.memory_space<vmem>>)
      tpu.yield
    }) : () -> ()
    "tpu.region"() ({
      %run_scoped3A = tpu.sem_alloc : memref<!tpu.dma_semaphore, #tpu.memory_space<semaphore_mem>>
      tpu.enqueue_dma source(%arg5 : memref<256xf32, #tpu.memory_space<hbm>>) target(%arg9 : memref<256xf32, #tpu.memory_space<vmem>>) target_semaphore(%run_scoped3A : memref<!tpu.dma_semaphore, #tpu.memory_space<semaphore_mem>>)
      tpu.wait_dma2 semaphore(%run_scoped3A : memref<!tpu.dma_semaphore, #tpu.memory_space<semaphore_mem>>) src(%arg5 : memref<256xf32, #tpu.memory_space<hbm>>) dst(%arg9 : memref<256xf32, #tpu.memory_space<vmem>>)
      tpu.yield
    }) : () -> ()
    %get3A = arith.index_cast %add3A : i32 to index
    %get3A_3 = tpu.vector_load %arg8[%get3A] {strides = array<i32>} : memref<48xi32, #tpu.memory_space<vmem>>, vector<16xi32>,
    %slice3A = vector.extract_strided_slice %get3A_3 {offsets = [0], sizes = [1], strides = [1]} : vector<16xi32> to vector<1xi32>
    %squeeze3A = vector.extract %slice3A[0] : i32 from vector<1xi32>
    %slice3A_4 = vector.extract_strided_slice %get3A_3 {offsets = [1], sizes = [1], strides = [1]} : vector<16xi32> to vector<1xi32>
    %squeeze3A_5 = vector.extract %slice3A_4[0] : i32 from vector<1xi32>
    %broadcast_in_dim3A = arith.constant 0.000000e+00 : f32
    %broadcast_in_dim3A_6 = vector.broadcast %broadcast_in_dim3A : f32 to vector<16xf32>
    %jit3A = arith.constant 160 : i32
    %div3A = arith.divsi %squeeze3A, %jit3A : i32
    %sign3A = arith.constant 0 : i32
    %sign3A_7 = arith.cmpi sgt, %squeeze3A, %sign3A : i32
    %sign3A_8 = arith.extui %sign3A_7 : i1 to i32
    %sign3A_9 = arith.constant 0 : i32
    %sign3A_10 = arith.cmpi slt, %squeeze3A, %sign3A_9 : i32
    %sign3A_11 = arith.extui %sign3A_10 : i1 to i32
    %sign3A_12 = arith.subi %sign3A_8, %sign3A_11 : i32
    %sign3A_13 = arith.constant 0 : i32
    %sign3A_14 = arith.cmpi sgt, %jit3A, %sign3A_13 : i32
    %sign3A_15 = arith.extui %sign3A_14 : i1 to i32
    %sign3A_16 = arith.constant 0 : i32
    %sign3A_17 = arith.cmpi slt, %jit3A, %sign3A_16 : i32
    %sign3A_18 = arith.extui %sign3A_17 : i1 to i32
    %sign3A_19 = arith.subi %sign3A_15, %sign3A_18 : i32
    %ne3A = arith.cmpi ne, %sign3A_12, %sign3A_19 : i32
    %rem3A = arith.remsi %squeeze3A, %jit3A : i32
    %ne3A_20 = arith.constant 0 : i32
    %ne3A_21 = arith.cmpi ne, %rem3A, %ne3A_20 : i32
    %and3A = arith.andi %ne3A, %ne3A_21 : i1
    %sub3A = arith.constant 1 : i32
    %sub3A_22 = arith.subi %div3A, %sub3A : i32
    %select_n3A = arith.select %and3A, %sub3A_22, %div3A : i32
    %add3A_23 = arith.constant 160 : i32
    %add3A_24 = arith.addi %squeeze3A_5, %add3A_23 : i32
    %sub3A_25 = arith.constant 1 : i32
    %sub3A_26 = arith.subi %add3A_24, %sub3A_25 : i32
    %jit3A_27 = arith.constant 160 : i32
    %div3A_28 = arith.divsi %sub3A_26, %jit3A_27 : i32
    %sign3A_29 = arith.constant 0 : i32
    %sign3A_30 = arith.cmpi sgt, %sub3A_26, %sign3A_29 : i32
    %sign3A_31 = arith.extui %sign3A_30 : i1 to i32
    %sign3A_32 = arith.constant 0 : i32
    %sign3A_33 = arith.cmpi slt, %sub3A_26, %sign3A_32 : i32
    %sign3A_34 = arith.extui %sign3A_33 : i1 to i32
    %sign3A_35 = arith.subi %sign3A_31, %sign3A_34 : i32
    %sign3A_36 = arith.constant 0 : i32
    %sign3A_37 = arith.cmpi sgt, %jit3A_27, %sign3A_36 : i32
    %sign3A_38 = arith.extui %sign3A_37 : i1 to i32
    %sign3A_39 = arith.constant 0 : i32
    %sign3A_40 = arith.cmpi slt, %jit3A_27, %sign3A_39 : i32
    %sign3A_41 = arith.extui %sign3A_40 : i1 to i32
    %sign3A_42 = arith.subi %sign3A_38, %sign3A_41 : i32
    %ne3A_43 = arith.cmpi ne, %sign3A_35, %sign3A_42 : i32
    %rem3A_44 = arith.remsi %sub3A_26, %jit3A_27 : i32
    %ne3A_45 = arith.constant 0 : i32
    %ne3A_46 = arith.cmpi ne, %rem3A_44, %ne3A_45 : i32
    %and3A_47 = arith.andi %ne3A_43, %ne3A_46 : i1
    %sub3A_48 = arith.constant 1 : i32
    %sub3A_49 = arith.subi %div3A_28, %sub3A_48 : i32
    %select_n3A_50 = arith.select %and3A_47, %sub3A_49, %div3A_28 : i32
    %sub3A_51 = arith.subi %select_n3A_50, %select_n3A : i32
    %mul3A_52 = arith.constant 160 : i32
    %mul3A_53 = arith.muli %select_n3A, %mul3A_52 : i32
    %min3A = arith.constant 319840 : i32
    %min3A_54 = arith.minsi %mul3A_53, %min3A : i32
    %dma_start3A = arith.constant 0 : i32
    %dma_start3A_55 = tpu.memref_slice %arg2[%min3A_54, %dma_start3A] : memref<320000x128xf32, #tpu.memory_space<hbm>> -> memref<160x128xf32, #tpu.memory_space<hbm>>
    %dma_start3A_56 = arith.constant 0 : i32
    %dma_start3A_57 = tpu.memref_slice %arg2[%min3A_54, %dma_start3A_56] : memref<320000x128xf32, #tpu.memory_space<hbm>> -> memref<160x128xf32, #tpu.memory_space<hbm>>
    tpu.enqueue_dma source(%dma_start3A_57 : memref<160x128xf32, #tpu.memory_space<hbm>>) target(%arg10 : memref<160x128xf32, #tpu.memory_space<vmem>>) target_semaphore(%arg16 : memref<!tpu.dma_semaphore, #tpu.memory_space<semaphore_mem>>)
    %dma_start3A_58 = arith.constant 0 : i32
    %dma_start3A_59 = tpu.memref_slice %arg12[%dma_start3A_58] : memref<176xi32, #tpu.memory_space<vmem>> -> memref<160xi32, #tpu.memory_space<vmem>>
    %dma_start3A_60 = tpu.memref_slice %arg3[%min3A_54] : memref<320000xi32, #tpu.memory_space<hbm>> -> memref<160xi32, #tpu.memory_space<hbm>>
    %dma_start3A_61 = arith.constant 0 : i32
    %dma_start3A_62 = tpu.memref_slice %arg12[%dma_start3A_61] : memref<176xi32, #tpu.memory_space<vmem>> -> memref<160xi32, #tpu.memory_space<vmem>>
    %dma_start3A_63 = tpu.memref_slice %arg3[%min3A_54] : memref<320000xi32, #tpu.memory_space<hbm>> -> memref<160xi32, #tpu.memory_space<hbm>>
    tpu.enqueue_dma source(%dma_start3A_63 : memref<160xi32, #tpu.memory_space<hbm>>) target(%dma_start3A_62 : memref<160xi32, #tpu.memory_space<vmem>>) target_semaphore(%arg18 : memref<!tpu.dma_semaphore, #tpu.memory_space<semaphore_mem>>)
    %scan3A = arith.constant 0 : i32
    %scan3A_64 = arith.constant 320 : i32
    %scan3A_65 = arith.addi %scan3A, %scan3A_64 : i32
    %scan3A_66 = arith.constant 1 : i32
    scf.for %scan3A_156 = %scan3A to %scan3A_65 step %scan3A_66  : i32 {
      %mul3A_157 = arith.constant 1 : i32
      %mul3A_158 = arith.muli %scan3A_156, %mul3A_157 : i32
      %add3A_159 = arith.constant 0 : i32
      %add3A_160 = arith.addi %add3A_159, %mul3A_158 : i32
      %mul3A_161 = arith.constant 128 : i32
      %mul3A_162 = arith.muli %add3A_160, %mul3A_161 : i32
      %add3A_163 = arith.constant 0 : i32
      %add3A_164 = arith.addi %mul3A_162, %add3A_163 : i32
      %swap3A = arith.index_cast %add3A_164 : i32 to index
      %swap3A_165 = tpu.vector_load %arg14[%swap3A] {strides = array<i32>} : memref<40960xf32, #tpu.memory_space<vmem>>, vector<16xf32>,
      tpu.vector_store %arg14[%swap3A], %broadcast_in_dim3A_6 {strides = array<i32>} : memref<40960xf32, #tpu.memory_space<vmem>>, vector<16xf32>,
      %add3A_166 = arith.constant 0 : i32
      %add3A_167 = arith.addi %mul3A_162, %add3A_166 : i32
      %swap3A_168 = arith.index_cast %add3A_167 : i32 to index
      %swap3A_169 = tpu.vector_load %arg15[%swap3A_168] {strides = array<i32>} : memref<40960xf32, #tpu.memory_space<vmem>>, vector<16xf32>,
      tpu.vector_store %arg15[%swap3A_168], %broadcast_in_dim3A_6 {strides = array<i32>} : memref<40960xf32, #tpu.memory_space<vmem>>, vector<16xf32>,
      %add3A_170 = arith.constant 16 : i32
      %add3A_171 = arith.addi %mul3A_162, %add3A_170 : i32
      %swap3A_172 = arith.index_cast %add3A_171 : i32 to index
      %swap3A_173 = tpu.vector_load %arg14[%swap3A_172] {strides = array<i32>} : memref<40960xf32, #tpu.memory_space<vmem>>, vector<16xf32>,
      tpu.vector_store %arg14[%swap3A_172], %broadcast_in_dim3A_6 {strides = array<i32>} : memref<40960xf32, #tpu.memory_space<vmem>>, vector<16xf32>,
      %add3A_174 = arith.constant 16 : i32
      %add3A_175 = arith.addi %mul3A_162, %add3A_174 : i32
      %swap3A_176 = arith.index_cast %add3A_175 : i32 to index
      %swap3A_177 = tpu.vector_load %arg15[%swap3A_176] {strides = array<i32>} : memref<40960xf32, #tpu.memory_space<vmem>>, vector<16xf32>,
      tpu.vector_store %arg15[%swap3A_176], %broadcast_in_dim3A_6 {strides = array<i32>} : memref<40960xf32, #tpu.memory_space<vmem>>, vector<16xf32>,
      %add3A_178 = arith.constant 32 : i32
      %add3A_179 = arith.addi %mul3A_162, %add3A_178 : i32
      %swap3A_180 = arith.index_cast %add3A_179 : i32 to index
      %swap3A_181 = tpu.vector_load %arg14[%swap3A_180] {strides = array<i32>} : memref<40960xf32, #tpu.memory_space<vmem>>, vector<16xf32>,
      tpu.vector_store %arg14[%swap3A_180], %broadcast_in_dim3A_6 {strides = array<i32>} : memref<40960xf32, #tpu.memory_space<vmem>>, vector<16xf32>,
      %add3A_182 = arith.constant 32 : i32
      %add3A_183 = arith.addi %mul3A_162, %add3A_182 : i32
      %swap3A_184 = arith.index_cast %add3A_183 : i32 to index
      %swap3A_185 = tpu.vector_load %arg15[%swap3A_184] {strides = array<i32>} : memref<40960xf32, #tpu.memory_space<vmem>>, vector<16xf32>,
      tpu.vector_store %arg15[%swap3A_184], %broadcast_in_dim3A_6 {strides = array<i32>} : memref<40960xf32, #tpu.memory_space<vmem>>, vector<16xf32>,
      %add3A_186 = arith.constant 48 : i32
      %add3A_187 = arith.addi %mul3A_162, %add3A_186 : i32
      %swap3A_188 = arith.index_cast %add3A_187 : i32 to index
      %swap3A_189 = tpu.vector_load %arg14[%swap3A_188] {strides = array<i32>} : memref<40960xf32, #tpu.memory_space<vmem>>, vector<16xf32>,
      tpu.vector_store %arg14[%swap3A_188], %broadcast_in_dim3A_6 {strides = array<i32>} : memref<40960xf32, #tpu.memory_space<vmem>>, vector<16xf32>,
      %add3A_190 = arith.constant 48 : i32
      %add3A_191 = arith.addi %mul3A_162, %add3A_190 : i32
      %swap3A_192 = arith.index_cast %add3A_191 : i32 to index
      %swap3A_193 = tpu.vector_load %arg15[%swap3A_192] {strides = array<i32>} : memref<40960xf32, #tpu.memory_space<vmem>>, vector<16xf32>,
      tpu.vector_store %arg15[%swap3A_192], %broadcast_in_dim3A_6 {strides = array<i32>} : memref<40960xf32, #tpu.memory_space<vmem>>, vector<16xf32>,
      %add3A_194 = arith.constant 64 : i32
      %add3A_195 = arith.addi %mul3A_162, %add3A_194 : i32
      %swap3A_196 = arith.index_cast %add3A_195 : i32 to index
      %swap3A_197 = tpu.vector_load %arg14[%swap3A_196] {strides = array<i32>} : memref<40960xf32, #tpu.memory_space<vmem>>, vector<16xf32>,
      tpu.vector_store %arg14[%swap3A_196], %broadcast_in_dim3A_6 {strides = array<i32>} : memref<40960xf32, #tpu.memory_space<vmem>>, vector<16xf32>,
      %add3A_198 = arith.constant 64 : i32
      %add3A_199 = arith.addi %mul3A_162, %add3A_198 : i32
      %swap3A_200 = arith.index_cast %add3A_199 : i32 to index
      %swap3A_201 = tpu.vector_load %arg15[%swap3A_200] {strides = array<i32>} : memref<40960xf32, #tpu.memory_space<vmem>>, vector<16xf32>,
      tpu.vector_store %arg15[%swap3A_200], %broadcast_in_dim3A_6 {strides = array<i32>} : memref<40960xf32, #tpu.memory_space<vmem>>, vector<16xf32>,
      %add3A_202 = arith.constant 80 : i32
      %add3A_203 = arith.addi %mul3A_162, %add3A_202 : i32
      %swap3A_204 = arith.index_cast %add3A_203 : i32 to index
      %swap3A_205 = tpu.vector_load %arg14[%swap3A_204] {strides = array<i32>} : memref<40960xf32, #tpu.memory_space<vmem>>, vector<16xf32>,
      tpu.vector_store %arg14[%swap3A_204], %broadcast_in_dim3A_6 {strides = array<i32>} : memref<40960xf32, #tpu.memory_space<vmem>>, vector<16xf32>,
      %add3A_206 = arith.constant 80 : i32
      %add3A_207 = arith.addi %mul3A_162, %add3A_206 : i32
      %swap3A_208 = arith.index_cast %add3A_207 : i32 to index
      %swap3A_209 = tpu.vector_load %arg15[%swap3A_208] {strides = array<i32>} : memref<40960xf32, #tpu.memory_space<vmem>>, vector<16xf32>,
      tpu.vector_store %arg15[%swap3A_208], %broadcast_in_dim3A_6 {strides = array<i32>} : memref<40960xf32, #tpu.memory_space<vmem>>, vector<16xf32>,
      %add3A_210 = arith.constant 96 : i32
      %add3A_211 = arith.addi %mul3A_162, %add3A_210 : i32
      %swap3A_212 = arith.index_cast %add3A_211 : i32 to index
      %swap3A_213 = tpu.vector_load %arg14[%swap3A_212] {strides = array<i32>} : memref<40960xf32, #tpu.memory_space<vmem>>, vector<16xf32>,
      tpu.vector_store %arg14[%swap3A_212], %broadcast_in_dim3A_6 {strides = array<i32>} : memref<40960xf32, #tpu.memory_space<vmem>>, vector<16xf32>,
      %add3A_214 = arith.constant 96 : i32
      %add3A_215 = arith.addi %mul3A_162, %add3A_214 : i32
      %swap3A_216 = arith.index_cast %add3A_215 : i32 to index
      %swap3A_217 = tpu.vector_load %arg15[%swap3A_216] {strides = array<i32>} : memref<40960xf32, #tpu.memory_space<vmem>>, vector<16xf32>,
      tpu.vector_store %arg15[%swap3A_216], %broadcast_in_dim3A_6 {strides = array<i32>} : memref<40960xf32, #tpu.memory_space<vmem>>, vector<16xf32>,
      %add3A_218 = arith.constant 112 : i32
      %add3A_219 = arith.addi %mul3A_162, %add3A_218 : i32
      %swap3A_220 = arith.index_cast %add3A_219 : i32 to index
      %swap3A_221 = tpu.vector_load %arg14[%swap3A_220] {strides = array<i32>} : memref<40960xf32, #tpu.memory_space<vmem>>, vector<16xf32>,
      tpu.vector_store %arg14[%swap3A_220], %broadcast_in_dim3A_6 {strides = array<i32>} : memref<40960xf32, #tpu.memory_space<vmem>>, vector<16xf32>,
      %add3A_222 = arith.constant 112 : i32
      %add3A_223 = arith.addi %mul3A_162, %add3A_222 : i32
      %swap3A_224 = arith.index_cast %add3A_223 : i32 to index
      %swap3A_225 = tpu.vector_load %arg15[%swap3A_224] {strides = array<i32>} : memref<40960xf32, #tpu.memory_space<vmem>>, vector<16xf32>,
      tpu.vector_store %arg15[%swap3A_224], %broadcast_in_dim3A_6 {strides = array<i32>} : memref<40960xf32, #tpu.memory_space<vmem>>, vector<16xf32>,
    }
    %scan3A_67 = arith.constant 320 : i32
    %get3A_68 = arith.constant 0 : index
    %get3A_69 = tpu.vector_load %arg9[%get3A_68] {strides = array<i32>} : memref<256xf32, #tpu.memory_space<vmem>>, vector<16xf32>,
    %get3A_70 = arith.constant 16 : index
    %get3A_71 = tpu.vector_load %arg9[%get3A_70] {strides = array<i32>} : memref<256xf32, #tpu.memory_space<vmem>>, vector<16xf32>,
    %get3A_72 = arith.constant 32 : index
    %get3A_73 = tpu.vector_load %arg9[%get3A_72] {strides = array<i32>} : memref<256xf32, #tpu.memory_space<vmem>>, vector<16xf32>,
    %get3A_74 = arith.constant 48 : index
    %get3A_75 = tpu.vector_load %arg9[%get3A_74] {strides = array<i32>} : memref<256xf32, #tpu.memory_space<vmem>>, vector<16xf32>,
    %get3A_76 = arith.constant 64 : index
    %get3A_77 = tpu.vector_load %arg9[%get3A_76] {strides = array<i32>} : memref<256xf32, #tpu.memory_space<vmem>>, vector<16xf32>,
    %get3A_78 = arith.constant 80 : index
    %get3A_79 = tpu.vector_load %arg9[%get3A_78] {strides = array<i32>} : memref<256xf32, #tpu.memory_space<vmem>>, vector<16xf32>,
    %get3A_80 = arith.constant 96 : index
    %get3A_81 = tpu.vector_load %arg9[%get3A_80] {strides = array<i32>} : memref<256xf32, #tpu.memory_space<vmem>>, vector<16xf32>,
    %get3A_82 = arith.constant 112 : index
    %get3A_83 = tpu.vector_load %arg9[%get3A_82] {strides = array<i32>} : memref<256xf32, #tpu.memory_space<vmem>>, vector<16xf32>,
    %get3A_84 = arith.constant 128 : index
    %get3A_85 = tpu.vector_load %arg9[%get3A_84] {strides = array<i32>} : memref<256xf32, #tpu.memory_space<vmem>>, vector<16xf32>,
    %get3A_86 = arith.constant 144 : index
    %get3A_87 = tpu.vector_load %arg9[%get3A_86] {strides = array<i32>} : memref<256xf32, #tpu.memory_space<vmem>>, vector<16xf32>,
    %get3A_88 = arith.constant 160 : index
    %get3A_89 = tpu.vector_load %arg9[%get3A_88] {strides = array<i32>} : memref<256xf32, #tpu.memory_space<vmem>>, vector<16xf32>,
    %get3A_90 = arith.constant 176 : index
    %get3A_91 = tpu.vector_load %arg9[%get3A_90] {strides = array<i32>} : memref<256xf32, #tpu.memory_space<vmem>>, vector<16xf32>,
    %get3A_92 = arith.constant 192 : index
    %get3A_93 = tpu.vector_load %arg9[%get3A_92] {strides = array<i32>} : memref<256xf32, #tpu.memory_space<vmem>>, vector<16xf32>,
    %get3A_94 = arith.constant 208 : index
    %get3A_95 = tpu.vector_load %arg9[%get3A_94] {strides = array<i32>} : memref<256xf32, #tpu.memory_space<vmem>>, vector<16xf32>,
    %get3A_96 = arith.constant 224 : index
    %get3A_97 = tpu.vector_load %arg9[%get3A_96] {strides = array<i32>} : memref<256xf32, #tpu.memory_space<vmem>>, vector<16xf32>,
    %get3A_98 = arith.constant 240 : index
    %get3A_99 = tpu.vector_load %arg9[%get3A_98] {strides = array<i32>} : memref<256xf32, #tpu.memory_space<vmem>>, vector<16xf32>,
    %add3A_100 = arith.constant 1 : i32
    %add3A_101 = arith.addi %sub3A_51, %add3A_100 : i32
    %jit3A_102 = arith.constant 2 : i32
    %div3A_103 = arith.divsi %add3A_101, %jit3A_102 : i32
    %sign3A_104 = arith.constant 0 : i32
    %sign3A_105 = arith.cmpi sgt, %add3A_101, %sign3A_104 : i32
    %sign3A_106 = arith.extui %sign3A_105 : i1 to i32
    %sign3A_107 = arith.constant 0 : i32
    %sign3A_108 = arith.cmpi slt, %add3A_101, %sign3A_107 : i32
    %sign3A_109 = arith.extui %sign3A_108 : i1 to i32
    %sign3A_110 = arith.subi %sign3A_106, %sign3A_109 : i32
    %sign3A_111 = arith.constant 0 : i32
    %sign3A_112 = arith.cmpi sgt, %jit3A_102, %sign3A_111 : i32
    %sign3A_113 = arith.extui %sign3A_112 : i1 to i32
    %sign3A_114 = arith.constant 0 : i32
    %sign3A_115 = arith.cmpi slt, %jit3A_102, %sign3A_114 : i32
    %sign3A_116 = arith.extui %sign3A_115 : i1 to i32
    %sign3A_117 = arith.subi %sign3A_113, %sign3A_116 : i32
    %ne3A_118 = arith.cmpi ne, %sign3A_110, %sign3A_117 : i32
    %rem3A_119 = arith.remsi %add3A_101, %jit3A_102 : i32
    %ne3A_120 = arith.constant 0 : i32
    %ne3A_121 = arith.cmpi ne, %rem3A_119, %ne3A_120 : i32
    %and3A_122 = arith.andi %ne3A_118, %ne3A_121 : i1
    %sub3A_123 = arith.constant 1 : i32
    %sub3A_124 = arith.subi %div3A_103, %sub3A_123 : i32
    %select_n3A_125 = arith.select %and3A_122, %sub3A_124, %div3A_103 : i32
    %while3A = arith.constant 0 : i32
    %while3A_126 = arith.constant -1 : i32
    %while3A_127 = arith.subi %select_n3A_125, %while3A : i32
    %while3A_128 = arith.addi %while3A, %while3A_127 : i32
    %while3A_129 = arith.constant 1 : i32
    %while3A_130 = arith.divsi %while3A_127, %while3A_129 : i32
    %while3A_131 = arith.muli %while3A_130, %while3A_129 : i32
    %while3A_132 = arith.addi %while3A, %while3A_131 : i32
    %while3A_133 = arith.constant 1 : i32
    %while3A_134:17 = scf.for %while3A_156 = %while3A to %while3A_132 step %while3A_133 iter_args(%while3A_157 = %while3A_126, %while3A_158 = %broadcast_in_dim3A_6, %while3A_159 = %broadcast_in_dim3A_6, %while3A_160 = %broadcast_in_dim3A_6, %while3A_161 = %broadcast_in_dim3A_6, %while3A_162 = %broadcast_in_dim3A_6, %while3A_163 = %broadcast_in_dim3A_6, %while3A_164 = %broadcast_in_dim3A_6, %while3A_165 = %broadcast_in_dim3A_6, %while3A_166 = %broadcast_in_dim3A_6, %while3A_167 = %broadcast_in_dim3A_6, %while3A_168 = %broadcast_in_dim3A_6, %while3A_169 = %broadcast_in_dim3A_6, %while3A_170 = %broadcast_in_dim3A_6, %while3A_171 = %broadcast_in_dim3A_6, %while3A_172 = %broadcast_in_dim3A_6, %while3A_173 = %broadcast_in_dim3A_6) -> (i32, vector<16xf32>, vector<16xf32>, vector<16xf32>, vector<16xf32>, vector<16xf32>, vector<16xf32>, vector<16xf32>, vector<16xf32>, vector<16xf32>, vector<16xf32>, vector<16xf32>, vector<16xf32>, vector<16xf32>, vector<16xf32>, vector<16xf32>, vector<16xf32>)  : i32 {
      %mul3A_174 = arith.constant 2 : i32
      %mul3A_175 = arith.muli %mul3A_174, %while3A_156 : i32
      %add3A_176 = arith.addi %select_n3A, %mul3A_175 : i32
      %add3A_177 = arith.constant 1 : i32
      %add3A_178 = arith.addi %add3A_176, %add3A_177 : i32
      %mul3A_179 = arith.constant 160 : i32
      %mul3A_180 = arith.muli %add3A_178, %mul3A_179 : i32
      %min3A_181 = arith.constant 319840 : i32
      %min3A_182 = arith.minsi %mul3A_180, %min3A_181 : i32
      %dma_start3A_183 = arith.constant 0 : i32
      %dma_start3A_184 = tpu.memref_slice %arg2[%min3A_182, %dma_start3A_183] : memref<320000x128xf32, #tpu.memory_space<hbm>> -> memref<160x128xf32, #tpu.memory_space<hbm>>
      %dma_start3A_185 = arith.constant 0 : i32
      %dma_start3A_186 = tpu.memref_slice %arg2[%min3A_182, %dma_start3A_185] : memref<320000x128xf32, #tpu.memory_space<hbm>> -> memref<160x128xf32, #tpu.memory_space<hbm>>
      tpu.enqueue_dma source(%dma_start3A_186 : memref<160x128xf32, #tpu.memory_space<hbm>>) target(%arg11 : memref<160x128xf32, #tpu.memory_space<vmem>>) target_semaphore(%arg17 : memref<!tpu.dma_semaphore, #tpu.memory_space<semaphore_mem>>)
      %dma_start3A_187 = arith.constant 0 : i32
      %dma_start3A_188 = tpu.memref_slice %arg13[%dma_start3A_187] : memref<176xi32, #tpu.memory_space<vmem>> -> memref<160xi32, #tpu.memory_space<vmem>>
      %dma_start3A_189 = tpu.memref_slice %arg3[%min3A_182] : memref<320000xi32, #tpu.memory_space<hbm>> -> memref<160xi32, #tpu.memory_space<hbm>>
      %dma_start3A_190 = arith.constant 0 : i32
      %dma_start3A_191 = tpu.memref_slice %arg13[%dma_start3A_190] : memref<176xi32, #tpu.memory_space<vmem>> -> memref<160xi32, #tpu.memory_space<vmem>>
      %dma_start3A_192 = tpu.memref_slice %arg3[%min3A_182] : memref<320000xi32, #tpu.memory_space<hbm>> -> memref<160xi32, #tpu.memory_space<hbm>>
      tpu.enqueue_dma source(%dma_start3A_192 : memref<160xi32, #tpu.memory_space<hbm>>) target(%dma_start3A_191 : memref<160xi32, #tpu.memory_space<vmem>>) target_semaphore(%arg19 : memref<!tpu.dma_semaphore, #tpu.memory_space<semaphore_mem>>)
      %dma_wait3A_193 = arith.constant 0 : i32
      %dma_wait3A_194 = arith.constant 0 : i32
      %dma_wait3A_195 = tpu.memref_slice %arg2[%dma_wait3A_193, %dma_wait3A_194] : memref<320000x128xf32, #tpu.memory_space<hbm>> -> memref<160x128xf32, #tpu.memory_space<hbm>>
      %dma_wait3A_196 = arith.constant 0 : i32
      %dma_wait3A_197 = arith.constant 0 : i32
      %dma_wait3A_198 = tpu.memref_slice %arg2[%dma_wait3A_196, %dma_wait3A_197] : memref<320000x128xf32, #tpu.memory_space<hbm>> -> memref<160x128xf32, #tpu.memory_space<hbm>>
      tpu.wait_dma2 semaphore(%arg16 : memref<!tpu.dma_semaphore, #tpu.memory_space<semaphore_mem>>) src(%dma_wait3A_198 : memref<160x128xf32, #tpu.memory_space<hbm>>) dst(%arg10 : memref<160x128xf32, #tpu.memory_space<vmem>>)
      %dma_wait3A_199 = arith.constant 0 : i32
      %dma_wait3A_200 = tpu.memref_slice %arg12[%dma_wait3A_199] : memref<176xi32, #tpu.memory_space<vmem>> -> memref<160xi32, #tpu.memory_space<vmem>>
      %dma_wait3A_201 = arith.constant 0 : i32
      %dma_wait3A_202 = tpu.memref_slice %arg3[%dma_wait3A_201] : memref<320000xi32, #tpu.memory_space<hbm>> -> memref<160xi32, #tpu.memory_space<hbm>>
      %dma_wait3A_203 = arith.constant 0 : i32
      %dma_wait3A_204 = tpu.memref_slice %arg12[%dma_wait3A_203] : memref<176xi32, #tpu.memory_space<vmem>> -> memref<160xi32, #tpu.memory_space<vmem>>
      %dma_wait3A_205 = arith.constant 0 : i32
      %dma_wait3A_206 = tpu.memref_slice %arg3[%dma_wait3A_205] : memref<320000xi32, #tpu.memory_space<hbm>> -> memref<160xi32, #tpu.memory_space<hbm>>
      tpu.wait_dma2 semaphore(%arg18 : memref<!tpu.dma_semaphore, #tpu.memory_space<semaphore_mem>>) src(%dma_wait3A_206 : memref<160xi32, #tpu.memory_space<hbm>>) dst(%dma_wait3A_204 : memref<160xi32, #tpu.memory_space<vmem>>)
      %mul3A_207 = arith.constant 160 : i32
      %mul3A_208 = arith.muli %add3A_176, %mul3A_207 : i32
      %sub3A_209 = arith.subi %squeeze3A, %mul3A_208 : i32
      %max3A = arith.constant 0 : i32
      %max3A_210 = arith.maxsi %sub3A_209, %max3A : i32
      %sub3A_211 = arith.subi %squeeze3A_5, %mul3A_208 : i32
      %min3A_212 = arith.constant 160 : i32
      %min3A_213 = arith.minsi %sub3A_211, %min3A_212 : i32
      %max3A_214 = arith.maxsi %min3A_213, %max3A_210 : i32
      %while3A_215 = arith.subi %max3A_214, %max3A_210 : i32
      %while3A_216 = arith.addi %max3A_210, %while3A_215 : i32
      %while3A_217 = arith.constant 1 : i32
      %while3A_218 = arith.divsi %while3A_215, %while3A_217 : i32
      %while3A_219 = arith.muli %while3A_218, %while3A_217 : i32
      %while3A_220 = arith.addi %max3A_210, %while3A_219 : i32
      %while3A_221 = arith.constant 1 : i32
      %while3A_222:17 = scf.for %while3A_276 = %max3A_210 to %while3A_220 step %while3A_221 iter_args(%while3A_277 = %while3A_157, %while3A_278 = %while3A_158, %while3A_279 = %while3A_159, %while3A_280 = %while3A_160, %while3A_281 = %while3A_161, %while3A_282 = %while3A_162, %while3A_283 = %while3A_163, %while3A_284 = %while3A_164, %while3A_285 = %while3A_165, %while3A_286 = %while3A_166, %while3A_287 = %while3A_167, %while3A_288 = %while3A_168, %while3A_289 = %while3A_169, %while3A_290 = %while3A_170, %while3A_291 = %while3A_171, %while3A_292 = %while3A_172, %while3A_293 = %while3A_173) -> (i32, vector<16xf32>, vector<16xf32>, vector<16xf32>, vector<16xf32>, vector<16xf32>, vector<16xf32>, vector<16xf32>, vector<16xf32>, vector<16xf32>, vector<16xf32>, vector<16xf32>, vector<16xf32>, vector<16xf32>, vector<16xf32>, vector<16xf32>, vector<16xf32>)  : i32 {
        %get3A_294 = arith.index_cast %while3A_276 : i32 to index
        %get3A_295 = tpu.vector_load %arg12[%get3A_294] {strides = array<i32>} : memref<176xi32, #tpu.memory_space<vmem>>, vector<16xi32>,
        %slice3A_296 = vector.extract_strided_slice %get3A_295 {offsets = [0], sizes = [1], strides = [1]} : vector<16xi32> to vector<1xi32>
        %squeeze3A_297 = vector.extract %slice3A_296[0] : i32 from vector<1xi32>
        %ne3A_298 = arith.cmpi ne, %squeeze3A_297, %while3A_277 : i32
        %ge3A_299 = arith.constant 0 : i32
        %ge3A_300 = arith.cmpi sge, %while3A_277, %ge3A_299 : i32
        %and3A_301 = arith.andi %ne3A_298, %ge3A_300 : i1
        %convert_element_type3A_302 = arith.extui %and3A_301 : i1 to i32
        %cond3A_303 = arith.constant 0 : i32
        %cond3A_304 = arith.cmpi ne, %convert_element_type3A_302, %cond3A_303 : i32
        scf.if %cond3A_304 {
          %sub3A_421 = arith.subi %while3A_277, %mul3A_2 : i32
          %mul3A_422 = arith.constant 128 : i32
          %mul3A_423 = arith.muli %sub3A_421, %mul3A_422 : i32
          %add3A_424 = arith.constant 0 : i32
          %add3A_425 = arith.addi %mul3A_423, %add3A_424 : i32
          %swap3A = arith.index_cast %add3A_425 : i32 to index
          %swap3A_426 = tpu.vector_load %arg15[%swap3A] {strides = array<i32>} : memref<40960xf32, #tpu.memory_space<vmem>>, vector<16xf32>,
          tpu.vector_store %arg15[%swap3A], %while3A_278 {strides = array<i32>} : memref<40960xf32, #tpu.memory_space<vmem>>, vector<16xf32>,
          %add3A_427 = arith.constant 0 : i32
          %add3A_428 = arith.addi %mul3A_423, %add3A_427 : i32
          %swap3A_429 = arith.index_cast %add3A_428 : i32 to index
          %swap3A_430 = tpu.vector_load %arg14[%swap3A_429] {strides = array<i32>} : memref<40960xf32, #tpu.memory_space<vmem>>, vector<16xf32>,
          tpu.vector_store %arg14[%swap3A_429], %while3A_286 {strides = array<i32>} : memref<40960xf32, #tpu.memory_space<vmem>>, vector<16xf32>,
          %add3A_431 = arith.constant 16 : i32
          %add3A_432 = arith.addi %mul3A_423, %add3A_431 : i32
          %swap3A_433 = arith.index_cast %add3A_432 : i32 to index
          %swap3A_434 = tpu.vector_load %arg15[%swap3A_433] {strides = array<i32>} : memref<40960xf32, #tpu.memory_space<vmem>>, vector<16xf32>,
          tpu.vector_store %arg15[%swap3A_433], %while3A_279 {strides = array<i32>} : memref<40960xf32, #tpu.memory_space<vmem>>, vector<16xf32>,
          %add3A_435 = arith.constant 16 : i32
          %add3A_436 = arith.addi %mul3A_423, %add3A_435 : i32
          %swap3A_437 = arith.index_cast %add3A_436 : i32 to index
          %swap3A_438 = tpu.vector_load %arg14[%swap3A_437] {strides = array<i32>} : memref<40960xf32, #tpu.memory_space<vmem>>, vector<16xf32>,
          tpu.vector_store %arg14[%swap3A_437], %while3A_287 {strides = array<i32>} : memref<40960xf32, #tpu.memory_space<vmem>>, vector<16xf32>,
          %add3A_439 = arith.constant 32 : i32
          %add3A_440 = arith.addi %mul3A_423, %add3A_439 : i32
          %swap3A_441 = arith.index_cast %add3A_440 : i32 to index
          %swap3A_442 = tpu.vector_load %arg15[%swap3A_441] {strides = array<i32>} : memref<40960xf32, #tpu.memory_space<vmem>>, vector<16xf32>,
          tpu.vector_store %arg15[%swap3A_441], %while3A_280 {strides = array<i32>} : memref<40960xf32, #tpu.memory_space<vmem>>, vector<16xf32>,
          %add3A_443 = arith.constant 32 : i32
          %add3A_444 = arith.addi %mul3A_423, %add3A_443 : i32
          %swap3A_445 = arith.index_cast %add3A_444 : i32 to index
          %swap3A_446 = tpu.vector_load %arg14[%swap3A_445] {strides = array<i32>} : memref<40960xf32, #tpu.memory_space<vmem>>, vector<16xf32>,
          tpu.vector_store %arg14[%swap3A_445], %while3A_288 {strides = array<i32>} : memref<40960xf32, #tpu.memory_space<vmem>>, vector<16xf32>,
          %add3A_447 = arith.constant 48 : i32
          %add3A_448 = arith.addi %mul3A_423, %add3A_447 : i32
          %swap3A_449 = arith.index_cast %add3A_448 : i32 to index
          %swap3A_450 = tpu.vector_load %arg15[%swap3A_449] {strides = array<i32>} : memref<40960xf32, #tpu.memory_space<vmem>>, vector<16xf32>,
          tpu.vector_store %arg15[%swap3A_449], %while3A_281 {strides = array<i32>} : memref<40960xf32, #tpu.memory_space<vmem>>, vector<16xf32>,
          %add3A_451 = arith.constant 48 : i32
          %add3A_452 = arith.addi %mul3A_423, %add3A_451 : i32
          %swap3A_453 = arith.index_cast %add3A_452 : i32 to index
          %swap3A_454 = tpu.vector_load %arg14[%swap3A_453] {strides = array<i32>} : memref<40960xf32, #tpu.memory_space<vmem>>, vector<16xf32>,
          tpu.vector_store %arg14[%swap3A_453], %while3A_289 {strides = array<i32>} : memref<40960xf32, #tpu.memory_space<vmem>>, vector<16xf32>,
          %add3A_455 = arith.constant 64 : i32
          %add3A_456 = arith.addi %mul3A_423, %add3A_455 : i32
          %swap3A_457 = arith.index_cast %add3A_456 : i32 to index
          %swap3A_458 = tpu.vector_load %arg15[%swap3A_457] {strides = array<i32>} : memref<40960xf32, #tpu.memory_space<vmem>>, vector<16xf32>,
          tpu.vector_store %arg15[%swap3A_457], %while3A_282 {strides = array<i32>} : memref<40960xf32, #tpu.memory_space<vmem>>, vector<16xf32>,
          %add3A_459 = arith.constant 64 : i32
          %add3A_460 = arith.addi %mul3A_423, %add3A_459 : i32
          %swap3A_461 = arith.index_cast %add3A_460 : i32 to index
          %swap3A_462 = tpu.vector_load %arg14[%swap3A_461] {strides = array<i32>} : memref<40960xf32, #tpu.memory_space<vmem>>, vector<16xf32>,
          tpu.vector_store %arg14[%swap3A_461], %while3A_290 {strides = array<i32>} : memref<40960xf32, #tpu.memory_space<vmem>>, vector<16xf32>,
          %add3A_463 = arith.constant 80 : i32
          %add3A_464 = arith.addi %mul3A_423, %add3A_463 : i32
          %swap3A_465 = arith.index_cast %add3A_464 : i32 to index
          %swap3A_466 = tpu.vector_load %arg15[%swap3A_465] {strides = array<i32>} : memref<40960xf32, #tpu.memory_space<vmem>>, vector<16xf32>,
          tpu.vector_store %arg15[%swap3A_465], %while3A_283 {strides = array<i32>} : memref<40960xf32, #tpu.memory_space<vmem>>, vector<16xf32>,
          %add3A_467 = arith.constant 80 : i32
          %add3A_468 = arith.addi %mul3A_423, %add3A_467 : i32
          %swap3A_469 = arith.index_cast %add3A_468 : i32 to index
          %swap3A_470 = tpu.vector_load %arg14[%swap3A_469] {strides = array<i32>} : memref<40960xf32, #tpu.memory_space<vmem>>, vector<16xf32>,
          tpu.vector_store %arg14[%swap3A_469], %while3A_291 {strides = array<i32>} : memref<40960xf32, #tpu.memory_space<vmem>>, vector<16xf32>,
          %add3A_471 = arith.constant 96 : i32
          %add3A_472 = arith.addi %mul3A_423, %add3A_471 : i32
          %swap3A_473 = arith.index_cast %add3A_472 : i32 to index
          %swap3A_474 = tpu.vector_load %arg15[%swap3A_473] {strides = array<i32>} : memref<40960xf32, #tpu.memory_space<vmem>>, vector<16xf32>,
          tpu.vector_store %arg15[%swap3A_473], %while3A_284 {strides = array<i32>} : memref<40960xf32, #tpu.memory_space<vmem>>, vector<16xf32>,
          %add3A_475 = arith.constant 96 : i32
          %add3A_476 = arith.addi %mul3A_423, %add3A_475 : i32
          %swap3A_477 = arith.index_cast %add3A_476 : i32 to index
          %swap3A_478 = tpu.vector_load %arg14[%swap3A_477] {strides = array<i32>} : memref<40960xf32, #tpu.memory_space<vmem>>, vector<16xf32>,
          tpu.vector_store %arg14[%swap3A_477], %while3A_292 {strides = array<i32>} : memref<40960xf32, #tpu.memory_space<vmem>>, vector<16xf32>,
          %add3A_479 = arith.constant 112 : i32
          %add3A_480 = arith.addi %mul3A_423, %add3A_479 : i32
          %swap3A_481 = arith.index_cast %add3A_480 : i32 to index
          %swap3A_482 = tpu.vector_load %arg15[%swap3A_481] {strides = array<i32>} : memref<40960xf32, #tpu.memory_space<vmem>>, vector<16xf32>,
          tpu.vector_store %arg15[%swap3A_481], %while3A_285 {strides = array<i32>} : memref<40960xf32, #tpu.memory_space<vmem>>, vector<16xf32>,
          %add3A_483 = arith.constant 112 : i32
          %add3A_484 = arith.addi %mul3A_423, %add3A_483 : i32
          %swap3A_485 = arith.index_cast %add3A_484 : i32 to index
          %swap3A_486 = tpu.vector_load %arg14[%swap3A_485] {strides = array<i32>} : memref<40960xf32, #tpu.memory_space<vmem>>, vector<16xf32>,
          tpu.vector_store %arg14[%swap3A_485], %while3A_293 {strides = array<i32>} : memref<40960xf32, #tpu.memory_space<vmem>>, vector<16xf32>,
        } else {
        }
        %jit3A_305 = arith.constant 0.000000e+00 : f32
        %jit3A_306 = arith.constant 1.000000e+00 : f32
        %select_n3A_307 = arith.select %ne3A_298, %jit3A_305, %jit3A_306 : f32
        %broadcast_in_dim3A_308 = vector.broadcast %select_n3A_307 : f32 to vector<16xf32>
        %get3A_309 = arith.constant 0 : i32
        %get3A_310 = tpu.memref_slice %arg10[%while3A_276, %get3A_309] : memref<160x128xf32, #tpu.memory_space<vmem>> -> memref<1x128xf32, #tpu.memory_space<vmem>>
        %get3A_311 = tpu.memref_squeeze %get3A_310 : memref<1x128xf32, #tpu.memory_space<vmem>> -> memref<128xf32, #tpu.memory_space<vmem>>
        %get3A_312 = arith.constant 0 : index
        %get3A_313 = tpu.vector_load %get3A_311[%get3A_312] {strides = array<i32>} : memref<128xf32, #tpu.memory_space<vmem>>, vector<16xf32>,
        %mul3A_314 = arith.mulf %get3A_313, %get3A_69 : vector<16xf32>
        %add3A_315 = arith.addf %mul3A_314, %get3A_85 : vector<16xf32>
        %max3A_316 = arith.constant 0.000000e+00 : f32
        %max3A_317 = vector.broadcast %max3A_316 : f32 to vector<16xf32>
        %max3A_318 = arith.maximumf %add3A_315, %max3A_317 : vector<16xf32>
        %mul3A_319 = arith.mulf %while3A_278, %broadcast_in_dim3A_308 : vector<16xf32>
        %add3A_320 = arith.addf %mul3A_319, %max3A_318 : vector<16xf32>
        %mul3A_321 = arith.mulf %while3A_286, %broadcast_in_dim3A_308 : vector<16xf32>
        %max3A_322 = arith.maximumf %mul3A_321, %max3A_318 : vector<16xf32>
        %get3A_323 = arith.constant 0 : i32
        %get3A_324 = tpu.memref_slice %arg10[%while3A_276, %get3A_323] : memref<160x128xf32, #tpu.memory_space<vmem>> -> memref<1x128xf32, #tpu.memory_space<vmem>>
        %get3A_325 = tpu.memref_squeeze %get3A_324 : memref<1x128xf32, #tpu.memory_space<vmem>> -> memref<128xf32, #tpu.memory_space<vmem>>
        %get3A_326 = arith.constant 16 : index
        %get3A_327 = tpu.vector_load %get3A_325[%get3A_326] {strides = array<i32>} : memref<128xf32, #tpu.memory_space<vmem>>, vector<16xf32>,
        %mul3A_328 = arith.mulf %get3A_327, %get3A_71 : vector<16xf32>
        %add3A_329 = arith.addf %mul3A_328, %get3A_87 : vector<16xf32>
        %max3A_330 = arith.constant 0.000000e+00 : f32
        %max3A_331 = vector.broadcast %max3A_330 : f32 to vector<16xf32>
        %max3A_332 = arith.maximumf %add3A_329, %max3A_331 : vector<16xf32>
        %mul3A_333 = arith.mulf %while3A_279, %broadcast_in_dim3A_308 : vector<16xf32>
        %add3A_334 = arith.addf %mul3A_333, %max3A_332 : vector<16xf32>
        %mul3A_335 = arith.mulf %while3A_287, %broadcast_in_dim3A_308 : vector<16xf32>
        %max3A_336 = arith.maximumf %mul3A_335, %max3A_332 : vector<16xf32>
        %get3A_337 = arith.constant 0 : i32
        %get3A_338 = tpu.memref_slice %arg10[%while3A_276, %get3A_337] : memref<160x128xf32, #tpu.memory_space<vmem>> -> memref<1x128xf32, #tpu.memory_space<vmem>>
        %get3A_339 = tpu.memref_squeeze %get3A_338 : memref<1x128xf32, #tpu.memory_space<vmem>> -> memref<128xf32, #tpu.memory_space<vmem>>
        %get3A_340 = arith.constant 32 : index
        %get3A_341 = tpu.vector_load %get3A_339[%get3A_340] {strides = array<i32>} : memref<128xf32, #tpu.memory_space<vmem>>, vector<16xf32>,
        %mul3A_342 = arith.mulf %get3A_341, %get3A_73 : vector<16xf32>
        %add3A_343 = arith.addf %mul3A_342, %get3A_89 : vector<16xf32>
        %max3A_344 = arith.constant 0.000000e+00 : f32
        %max3A_345 = vector.broadcast %max3A_344 : f32 to vector<16xf32>
        %max3A_346 = arith.maximumf %add3A_343, %max3A_345 : vector<16xf32>
        %mul3A_347 = arith.mulf %while3A_280, %broadcast_in_dim3A_308 : vector<16xf32>
        %add3A_348 = arith.addf %mul3A_347, %max3A_346 : vector<16xf32>
        %mul3A_349 = arith.mulf %while3A_288, %broadcast_in_dim3A_308 : vector<16xf32>
        %max3A_350 = arith.maximumf %mul3A_349, %max3A_346 : vector<16xf32>
        %get3A_351 = arith.constant 0 : i32
        %get3A_352 = tpu.memref_slice %arg10[%while3A_276, %get3A_351] : memref<160x128xf32, #tpu.memory_space<vmem>> -> memref<1x128xf32, #tpu.memory_space<vmem>>
        %get3A_353 = tpu.memref_squeeze %get3A_352 : memref<1x128xf32, #tpu.memory_space<vmem>> -> memref<128xf32, #tpu.memory_space<vmem>>
        %get3A_354 = arith.constant 48 : index
        %get3A_355 = tpu.vector_load %get3A_353[%get3A_354] {strides = array<i32>} : memref<128xf32, #tpu.memory_space<vmem>>, vector<16xf32>,
        %mul3A_356 = arith.mulf %get3A_355, %get3A_75 : vector<16xf32>
        %add3A_357 = arith.addf %mul3A_356, %get3A_91 : vector<16xf32>
        %max3A_358 = arith.constant 0.000000e+00 : f32
        %max3A_359 = vector.broadcast %max3A_358 : f32 to vector<16xf32>
        %max3A_360 = arith.maximumf %add3A_357, %max3A_359 : vector<16xf32>
        %mul3A_361 = arith.mulf %while3A_281, %broadcast_in_dim3A_308 : vector<16xf32>
        %add3A_362 = arith.addf %mul3A_361, %max3A_360 : vector<16xf32>
        %mul3A_363 = arith.mulf %while3A_289, %broadcast_in_dim3A_308 : vector<16xf32>
        %max3A_364 = arith.maximumf %mul3A_363, %max3A_360 : vector<16xf32>
        %get3A_365 = arith.constant 0 : i32
        %get3A_366 = tpu.memref_slice %arg10[%while3A_276, %get3A_365] : memref<160x128xf32, #tpu.memory_space<vmem>> -> memref<1x128xf32, #tpu.memory_space<vmem>>
        %get3A_367 = tpu.memref_squeeze %get3A_366 : memref<1x128xf32, #tpu.memory_space<vmem>> -> memref<128xf32, #tpu.memory_space<vmem>>
        %get3A_368 = arith.constant 64 : index
        %get3A_369 = tpu.vector_load %get3A_367[%get3A_368] {strides = array<i32>} : memref<128xf32, #tpu.memory_space<vmem>>, vector<16xf32>,
        %mul3A_370 = arith.mulf %get3A_369, %get3A_77 : vector<16xf32>
        %add3A_371 = arith.addf %mul3A_370, %get3A_93 : vector<16xf32>
        %max3A_372 = arith.constant 0.000000e+00 : f32
        %max3A_373 = vector.broadcast %max3A_372 : f32 to vector<16xf32>
        %max3A_374 = arith.maximumf %add3A_371, %max3A_373 : vector<16xf32>
        %mul3A_375 = arith.mulf %while3A_282, %broadcast_in_dim3A_308 : vector<16xf32>
        %add3A_376 = arith.addf %mul3A_375, %max3A_374 : vector<16xf32>
        %mul3A_377 = arith.mulf %while3A_290, %broadcast_in_dim3A_308 : vector<16xf32>
        %max3A_378 = arith.maximumf %mul3A_377, %max3A_374 : vector<16xf32>
        %get3A_379 = arith.constant 0 : i32
        %get3A_380 = tpu.memref_slice %arg10[%while3A_276, %get3A_379] : memref<160x128xf32, #tpu.memory_space<vmem>> -> memref<1x128xf32, #tpu.memory_space<vmem>>
        %get3A_381 = tpu.memref_squeeze %get3A_380 : memref<1x128xf32, #tpu.memory_space<vmem>> -> memref<128xf32, #tpu.memory_space<vmem>>
        %get3A_382 = arith.constant 80 : index
        %get3A_383 = tpu.vector_load %get3A_381[%get3A_382] {strides = array<i32>} : memref<128xf32, #tpu.memory_space<vmem>>, vector<16xf32>,
        %mul3A_384 = arith.mulf %get3A_383, %get3A_79 : vector<16xf32>
        %add3A_385 = arith.addf %mul3A_384, %get3A_95 : vector<16xf32>
        %max3A_386 = arith.constant 0.000000e+00 : f32
        %max3A_387 = vector.broadcast %max3A_386 : f32 to vector<16xf32>
        %max3A_388 = arith.maximumf %add3A_385, %max3A_387 : vector<16xf32>
        %mul3A_389 = arith.mulf %while3A_283, %broadcast_in_dim3A_308 : vector<16xf32>
        %add3A_390 = arith.addf %mul3A_389, %max3A_388 : vector<16xf32>
        %mul3A_391 = arith.mulf %while3A_291, %broadcast_in_dim3A_308 : vector<16xf32>
        %max3A_392 = arith.maximumf %mul3A_391, %max3A_388 : vector<16xf32>
        %get3A_393 = arith.constant 0 : i32
        %get3A_394 = tpu.memref_slice %arg10[%while3A_276, %get3A_393] : memref<160x128xf32, #tpu.memory_space<vmem>> -> memref<1x128xf32, #tpu.memory_space<vmem>>
        %get3A_395 = tpu.memref_squeeze %get3A_394 : memref<1x128xf32, #tpu.memory_space<vmem>> -> memref<128xf32, #tpu.memory_space<vmem>>
        %get3A_396 = arith.constant 96 : index
        %get3A_397 = tpu.vector_load %get3A_395[%get3A_396] {strides = array<i32>} : memref<128xf32, #tpu.memory_space<vmem>>, vector<16xf32>,
        %mul3A_398 = arith.mulf %get3A_397, %get3A_81 : vector<16xf32>
        %add3A_399 = arith.addf %mul3A_398, %get3A_97 : vector<16xf32>
        %max3A_400 = arith.constant 0.000000e+00 : f32
        %max3A_401 = vector.broadcast %max3A_400 : f32 to vector<16xf32>
        %max3A_402 = arith.maximumf %add3A_399, %max3A_401 : vector<16xf32>
        %mul3A_403 = arith.mulf %while3A_284, %broadcast_in_dim3A_308 : vector<16xf32>
        %add3A_404 = arith.addf %mul3A_403, %max3A_402 : vector<16xf32>
        %mul3A_405 = arith.mulf %while3A_292, %broadcast_in_dim3A_308 : vector<16xf32>
        %max3A_406 = arith.maximumf %mul3A_405, %max3A_402 : vector<16xf32>
        %get3A_407 = arith.constant 0 : i32
        %get3A_408 = tpu.memref_slice %arg10[%while3A_276, %get3A_407] : memref<160x128xf32, #tpu.memory_space<vmem>> -> memref<1x128xf32, #tpu.memory_space<vmem>>
        %get3A_409 = tpu.memref_squeeze %get3A_408 : memref<1x128xf32, #tpu.memory_space<vmem>> -> memref<128xf32, #tpu.memory_space<vmem>>
        %get3A_410 = arith.constant 112 : index
        %get3A_411 = tpu.vector_load %get3A_409[%get3A_410] {strides = array<i32>} : memref<128xf32, #tpu.memory_space<vmem>>, vector<16xf32>,
        %mul3A_412 = arith.mulf %get3A_411, %get3A_83 : vector<16xf32>
        %add3A_413 = arith.addf %mul3A_412, %get3A_99 : vector<16xf32>
        %max3A_414 = arith.constant 0.000000e+00 : f32
        %max3A_415 = vector.broadcast %max3A_414 : f32 to vector<16xf32>
        %max3A_416 = arith.maximumf %add3A_413, %max3A_415 : vector<16xf32>
        %mul3A_417 = arith.mulf %while3A_285, %broadcast_in_dim3A_308 : vector<16xf32>
        %add3A_418 = arith.addf %mul3A_417, %max3A_416 : vector<16xf32>
        %mul3A_419 = arith.mulf %while3A_293, %broadcast_in_dim3A_308 : vector<16xf32>
        %max3A_420 = arith.maximumf %mul3A_419, %max3A_416 : vector<16xf32>
        scf.yield %squeeze3A_297, %add3A_320, %add3A_334, %add3A_348, %add3A_362, %add3A_376, %add3A_390, %add3A_404, %add3A_418, %max3A_322, %max3A_336, %max3A_350, %max3A_364, %max3A_378, %max3A_392, %max3A_406, %max3A_420 : i32, vector<16xf32>, vector<16xf32>, vector<16xf32>, vector<16xf32>, vector<16xf32>, vector<16xf32>, vector<16xf32>, vector<16xf32>, vector<16xf32>, vector<16xf32>, vector<16xf32>, vector<16xf32>, vector<16xf32>, vector<16xf32>, vector<16xf32>, vector<16xf32>
      }
      %while3A_223 = arith.constant 1 : i32
      %while3A_224:17 = scf.for %while3A_276 = %while3A_220 to %while3A_216 step %while3A_223 iter_args(%while3A_277 = %while3A_222#0, %while3A_278 = %while3A_222#1, %while3A_279 = %while3A_222#2, %while3A_280 = %while3A_222#3, %while3A_281 = %while3A_222#4, %while3A_282 = %while3A_222#5, %while3A_283 = %while3A_222#6, %while3A_284 = %while3A_222#7, %while3A_285 = %while3A_222#8, %while3A_286 = %while3A_222#9, %while3A_287 = %while3A_222#10, %while3A_288 = %while3A_222#11, %while3A_289 = %while3A_222#12, %while3A_290 = %while3A_222#13, %while3A_291 = %while3A_222#14, %while3A_292 = %while3A_222#15, %while3A_293 = %while3A_222#16) -> (i32, vector<16xf32>, vector<16xf32>, vector<16xf32>, vector<16xf32>, vector<16xf32>, vector<16xf32>, vector<16xf32>, vector<16xf32>, vector<16xf32>, vector<16xf32>, vector<16xf32>, vector<16xf32>, vector<16xf32>, vector<16xf32>, vector<16xf32>, vector<16xf32>)  : i32 {
        %get3A_294 = arith.index_cast %while3A_276 : i32 to index
        %get3A_295 = tpu.vector_load %arg12[%get3A_294] {strides = array<i32>} : memref<176xi32, #tpu.memory_space<vmem>>, vector<16xi32>,
        %slice3A_296 = vector.extract_strided_slice %get3A_295 {offsets = [0], sizes = [1], strides = [1]} : vector<16xi32> to vector<1xi32>
        %squeeze3A_297 = vector.extract %slice3A_296[0] : i32 from vector<1xi32>
        %ne3A_298 = arith.cmpi ne, %squeeze3A_297, %while3A_277 : i32
        %ge3A_299 = arith.constant 0 : i32
        %ge3A_300 = arith.cmpi sge, %while3A_277, %ge3A_299 : i32
        %and3A_301 = arith.andi %ne3A_298, %ge3A_300 : i1
        %convert_element_type3A_302 = arith.extui %and3A_301 : i1 to i32
        %cond3A_303 = arith.constant 0 : i32
        %cond3A_304 = arith.cmpi ne, %convert_element_type3A_302, %cond3A_303 : i32
        scf.if %cond3A_304 {
          %sub3A_421 = arith.subi %while3A_277, %mul3A_2 : i32
          %mul3A_422 = arith.constant 128 : i32
          %mul3A_423 = arith.muli %sub3A_421, %mul3A_422 : i32
          %add3A_424 = arith.constant 0 : i32
          %add3A_425 = arith.addi %mul3A_423, %add3A_424 : i32
          %swap3A = arith.index_cast %add3A_425 : i32 to index
          %swap3A_426 = tpu.vector_load %arg15[%swap3A] {strides = array<i32>} : memref<40960xf32, #tpu.memory_space<vmem>>, vector<16xf32>,
          tpu.vector_store %arg15[%swap3A], %while3A_278 {strides = array<i32>} : memref<40960xf32, #tpu.memory_space<vmem>>, vector<16xf32>,
          %add3A_427 = arith.constant 0 : i32
          %add3A_428 = arith.addi %mul3A_423, %add3A_427 : i32
          %swap3A_429 = arith.index_cast %add3A_428 : i32 to index
          %swap3A_430 = tpu.vector_load %arg14[%swap3A_429] {strides = array<i32>} : memref<40960xf32, #tpu.memory_space<vmem>>, vector<16xf32>,
          tpu.vector_store %arg14[%swap3A_429], %while3A_286 {strides = array<i32>} : memref<40960xf32, #tpu.memory_space<vmem>>, vector<16xf32>,
          %add3A_431 = arith.constant 16 : i32
          %add3A_432 = arith.addi %mul3A_423, %add3A_431 : i32
          %swap3A_433 = arith.index_cast %add3A_432 : i32 to index
          %swap3A_434 = tpu.vector_load %arg15[%swap3A_433] {strides = array<i32>} : memref<40960xf32, #tpu.memory_space<vmem>>, vector<16xf32>,
          tpu.vector_store %arg15[%swap3A_433], %while3A_279 {strides = array<i32>} : memref<40960xf32, #tpu.memory_space<vmem>>, vector<16xf32>,
          %add3A_435 = arith.constant 16 : i32
          %add3A_436 = arith.addi %mul3A_423, %add3A_435 : i32
          %swap3A_437 = arith.index_cast %add3A_436 : i32 to index
          %swap3A_438 = tpu.vector_load %arg14[%swap3A_437] {strides = array<i32>} : memref<40960xf32, #tpu.memory_space<vmem>>, vector<16xf32>,
          tpu.vector_store %arg14[%swap3A_437], %while3A_287 {strides = array<i32>} : memref<40960xf32, #tpu.memory_space<vmem>>, vector<16xf32>,
          %add3A_439 = arith.constant 32 : i32
          %add3A_440 = arith.addi %mul3A_423, %add3A_439 : i32
          %swap3A_441 = arith.index_cast %add3A_440 : i32 to index
          %swap3A_442 = tpu.vector_load %arg15[%swap3A_441] {strides = array<i32>} : memref<40960xf32, #tpu.memory_space<vmem>>, vector<16xf32>,
          tpu.vector_store %arg15[%swap3A_441], %while3A_280 {strides = array<i32>} : memref<40960xf32, #tpu.memory_space<vmem>>, vector<16xf32>,
          %add3A_443 = arith.constant 32 : i32
          %add3A_444 = arith.addi %mul3A_423, %add3A_443 : i32
          %swap3A_445 = arith.index_cast %add3A_444 : i32 to index
          %swap3A_446 = tpu.vector_load %arg14[%swap3A_445] {strides = array<i32>} : memref<40960xf32, #tpu.memory_space<vmem>>, vector<16xf32>,
          tpu.vector_store %arg14[%swap3A_445], %while3A_288 {strides = array<i32>} : memref<40960xf32, #tpu.memory_space<vmem>>, vector<16xf32>,
          %add3A_447 = arith.constant 48 : i32
          %add3A_448 = arith.addi %mul3A_423, %add3A_447 : i32
          %swap3A_449 = arith.index_cast %add3A_448 : i32 to index
          %swap3A_450 = tpu.vector_load %arg15[%swap3A_449] {strides = array<i32>} : memref<40960xf32, #tpu.memory_space<vmem>>, vector<16xf32>,
          tpu.vector_store %arg15[%swap3A_449], %while3A_281 {strides = array<i32>} : memref<40960xf32, #tpu.memory_space<vmem>>, vector<16xf32>,
          %add3A_451 = arith.constant 48 : i32
          %add3A_452 = arith.addi %mul3A_423, %add3A_451 : i32
          %swap3A_453 = arith.index_cast %add3A_452 : i32 to index
          %swap3A_454 = tpu.vector_load %arg14[%swap3A_453] {strides = array<i32>} : memref<40960xf32, #tpu.memory_space<vmem>>, vector<16xf32>,
          tpu.vector_store %arg14[%swap3A_453], %while3A_289 {strides = array<i32>} : memref<40960xf32, #tpu.memory_space<vmem>>, vector<16xf32>,
          %add3A_455 = arith.constant 64 : i32
          %add3A_456 = arith.addi %mul3A_423, %add3A_455 : i32
          %swap3A_457 = arith.index_cast %add3A_456 : i32 to index
          %swap3A_458 = tpu.vector_load %arg15[%swap3A_457] {strides = array<i32>} : memref<40960xf32, #tpu.memory_space<vmem>>, vector<16xf32>,
          tpu.vector_store %arg15[%swap3A_457], %while3A_282 {strides = array<i32>} : memref<40960xf32, #tpu.memory_space<vmem>>, vector<16xf32>,
          %add3A_459 = arith.constant 64 : i32
          %add3A_460 = arith.addi %mul3A_423, %add3A_459 : i32
          %swap3A_461 = arith.index_cast %add3A_460 : i32 to index
          %swap3A_462 = tpu.vector_load %arg14[%swap3A_461] {strides = array<i32>} : memref<40960xf32, #tpu.memory_space<vmem>>, vector<16xf32>,
          tpu.vector_store %arg14[%swap3A_461], %while3A_290 {strides = array<i32>} : memref<40960xf32, #tpu.memory_space<vmem>>, vector<16xf32>,
          %add3A_463 = arith.constant 80 : i32
          %add3A_464 = arith.addi %mul3A_423, %add3A_463 : i32
          %swap3A_465 = arith.index_cast %add3A_464 : i32 to index
          %swap3A_466 = tpu.vector_load %arg15[%swap3A_465] {strides = array<i32>} : memref<40960xf32, #tpu.memory_space<vmem>>, vector<16xf32>,
          tpu.vector_store %arg15[%swap3A_465], %while3A_283 {strides = array<i32>} : memref<40960xf32, #tpu.memory_space<vmem>>, vector<16xf32>,
          %add3A_467 = arith.constant 80 : i32
          %add3A_468 = arith.addi %mul3A_423, %add3A_467 : i32
          %swap3A_469 = arith.index_cast %add3A_468 : i32 to index
          %swap3A_470 = tpu.vector_load %arg14[%swap3A_469] {strides = array<i32>} : memref<40960xf32, #tpu.memory_space<vmem>>, vector<16xf32>,
          tpu.vector_store %arg14[%swap3A_469], %while3A_291 {strides = array<i32>} : memref<40960xf32, #tpu.memory_space<vmem>>, vector<16xf32>,
          %add3A_471 = arith.constant 96 : i32
          %add3A_472 = arith.addi %mul3A_423, %add3A_471 : i32
          %swap3A_473 = arith.index_cast %add3A_472 : i32 to index
          %swap3A_474 = tpu.vector_load %arg15[%swap3A_473] {strides = array<i32>} : memref<40960xf32, #tpu.memory_space<vmem>>, vector<16xf32>,
          tpu.vector_store %arg15[%swap3A_473], %while3A_284 {strides = array<i32>} : memref<40960xf32, #tpu.memory_space<vmem>>, vector<16xf32>,
          %add3A_475 = arith.constant 96 : i32
          %add3A_476 = arith.addi %mul3A_423, %add3A_475 : i32
          %swap3A_477 = arith.index_cast %add3A_476 : i32 to index
          %swap3A_478 = tpu.vector_load %arg14[%swap3A_477] {strides = array<i32>} : memref<40960xf32, #tpu.memory_space<vmem>>, vector<16xf32>,
          tpu.vector_store %arg14[%swap3A_477], %while3A_292 {strides = array<i32>} : memref<40960xf32, #tpu.memory_space<vmem>>, vector<16xf32>,
          %add3A_479 = arith.constant 112 : i32
          %add3A_480 = arith.addi %mul3A_423, %add3A_479 : i32
          %swap3A_481 = arith.index_cast %add3A_480 : i32 to index
          %swap3A_482 = tpu.vector_load %arg15[%swap3A_481] {strides = array<i32>} : memref<40960xf32, #tpu.memory_space<vmem>>, vector<16xf32>,
          tpu.vector_store %arg15[%swap3A_481], %while3A_285 {strides = array<i32>} : memref<40960xf32, #tpu.memory_space<vmem>>, vector<16xf32>,
          %add3A_483 = arith.constant 112 : i32
          %add3A_484 = arith.addi %mul3A_423, %add3A_483 : i32
          %swap3A_485 = arith.index_cast %add3A_484 : i32 to index
          %swap3A_486 = tpu.vector_load %arg14[%swap3A_485] {strides = array<i32>} : memref<40960xf32, #tpu.memory_space<vmem>>, vector<16xf32>,
          tpu.vector_store %arg14[%swap3A_485], %while3A_293 {strides = array<i32>} : memref<40960xf32, #tpu.memory_space<vmem>>, vector<16xf32>,
        } else {
        }
        %jit3A_305 = arith.constant 0.000000e+00 : f32
        %jit3A_306 = arith.constant 1.000000e+00 : f32
        %select_n3A_307 = arith.select %ne3A_298, %jit3A_305, %jit3A_306 : f32
        %broadcast_in_dim3A_308 = vector.broadcast %select_n3A_307 : f32 to vector<16xf32>
        %get3A_309 = arith.constant 0 : i32
        %get3A_310 = tpu.memref_slice %arg10[%while3A_276, %get3A_309] : memref<160x128xf32, #tpu.memory_space<vmem>> -> memref<1x128xf32, #tpu.memory_space<vmem>>
        %get3A_311 = tpu.memref_squeeze %get3A_310 : memref<1x128xf32, #tpu.memory_space<vmem>> -> memref<128xf32, #tpu.memory_space<vmem>>
        %get3A_312 = arith.constant 0 : index
        %get3A_313 = tpu.vector_load %get3A_311[%get3A_312] {strides = array<i32>} : memref<128xf32, #tpu.memory_space<vmem>>, vector<16xf32>,
        %mul3A_314 = arith.mulf %get3A_313, %get3A_69 : vector<16xf32>
        %add3A_315 = arith.addf %mul3A_314, %get3A_85 : vector<16xf32>
        %max3A_316 = arith.constant 0.000000e+00 : f32
        %max3A_317 = vector.broadcast %max3A_316 : f32 to vector<16xf32>
        %max3A_318 = arith.maximumf %add3A_315, %max3A_317 : vector<16xf32>
        %mul3A_319 = arith.mulf %while3A_278, %broadcast_in_dim3A_308 : vector<16xf32>
        %add3A_320 = arith.addf %mul3A_319, %max3A_318 : vector<16xf32>
        %mul3A_321 = arith.mulf %while3A_286, %broadcast_in_dim3A_308 : vector<16xf32>
        %max3A_322 = arith.maximumf %mul3A_321, %max3A_318 : vector<16xf32>
        %get3A_323 = arith.constant 0 : i32
        %get3A_324 = tpu.memref_slice %arg10[%while3A_276, %get3A_323] : memref<160x128xf32, #tpu.memory_space<vmem>> -> memref<1x128xf32, #tpu.memory_space<vmem>>
        %get3A_325 = tpu.memref_squeeze %get3A_324 : memref<1x128xf32, #tpu.memory_space<vmem>> -> memref<128xf32, #tpu.memory_space<vmem>>
        %get3A_326 = arith.constant 16 : index
        %get3A_327 = tpu.vector_load %get3A_325[%get3A_326] {strides = array<i32>} : memref<128xf32, #tpu.memory_space<vmem>>, vector<16xf32>,
        %mul3A_328 = arith.mulf %get3A_327, %get3A_71 : vector<16xf32>
        %add3A_329 = arith.addf %mul3A_328, %get3A_87 : vector<16xf32>
        %max3A_330 = arith.constant 0.000000e+00 : f32
        %max3A_331 = vector.broadcast %max3A_330 : f32 to vector<16xf32>
        %max3A_332 = arith.maximumf %add3A_329, %max3A_331 : vector<16xf32>
        %mul3A_333 = arith.mulf %while3A_279, %broadcast_in_dim3A_308 : vector<16xf32>
        %add3A_334 = arith.addf %mul3A_333, %max3A_332 : vector<16xf32>
        %mul3A_335 = arith.mulf %while3A_287, %broadcast_in_dim3A_308 : vector<16xf32>
        %max3A_336 = arith.maximumf %mul3A_335, %max3A_332 : vector<16xf32>
        %get3A_337 = arith.constant 0 : i32
        %get3A_338 = tpu.memref_slice %arg10[%while3A_276, %get3A_337] : memref<160x128xf32, #tpu.memory_space<vmem>> -> memref<1x128xf32, #tpu.memory_space<vmem>>
        %get3A_339 = tpu.memref_squeeze %get3A_338 : memref<1x128xf32, #tpu.memory_space<vmem>> -> memref<128xf32, #tpu.memory_space<vmem>>
        %get3A_340 = arith.constant 32 : index
        %get3A_341 = tpu.vector_load %get3A_339[%get3A_340] {strides = array<i32>} : memref<128xf32, #tpu.memory_space<vmem>>, vector<16xf32>,
        %mul3A_342 = arith.mulf %get3A_341, %get3A_73 : vector<16xf32>
        %add3A_343 = arith.addf %mul3A_342, %get3A_89 : vector<16xf32>
        %max3A_344 = arith.constant 0.000000e+00 : f32
        %max3A_345 = vector.broadcast %max3A_344 : f32 to vector<16xf32>
        %max3A_346 = arith.maximumf %add3A_343, %max3A_345 : vector<16xf32>
        %mul3A_347 = arith.mulf %while3A_280, %broadcast_in_dim3A_308 : vector<16xf32>
        %add3A_348 = arith.addf %mul3A_347, %max3A_346 : vector<16xf32>
        %mul3A_349 = arith.mulf %while3A_288, %broadcast_in_dim3A_308 : vector<16xf32>
        %max3A_350 = arith.maximumf %mul3A_349, %max3A_346 : vector<16xf32>
        %get3A_351 = arith.constant 0 : i32
        %get3A_352 = tpu.memref_slice %arg10[%while3A_276, %get3A_351] : memref<160x128xf32, #tpu.memory_space<vmem>> -> memref<1x128xf32, #tpu.memory_space<vmem>>
        %get3A_353 = tpu.memref_squeeze %get3A_352 : memref<1x128xf32, #tpu.memory_space<vmem>> -> memref<128xf32, #tpu.memory_space<vmem>>
        %get3A_354 = arith.constant 48 : index
        %get3A_355 = tpu.vector_load %get3A_353[%get3A_354] {strides = array<i32>} : memref<128xf32, #tpu.memory_space<vmem>>, vector<16xf32>,
        %mul3A_356 = arith.mulf %get3A_355, %get3A_75 : vector<16xf32>
        %add3A_357 = arith.addf %mul3A_356, %get3A_91 : vector<16xf32>
        %max3A_358 = arith.constant 0.000000e+00 : f32
        %max3A_359 = vector.broadcast %max3A_358 : f32 to vector<16xf32>
        %max3A_360 = arith.maximumf %add3A_357, %max3A_359 : vector<16xf32>
        %mul3A_361 = arith.mulf %while3A_281, %broadcast_in_dim3A_308 : vector<16xf32>
        %add3A_362 = arith.addf %mul3A_361, %max3A_360 : vector<16xf32>
        %mul3A_363 = arith.mulf %while3A_289, %broadcast_in_dim3A_308 : vector<16xf32>
        %max3A_364 = arith.maximumf %mul3A_363, %max3A_360 : vector<16xf32>
        %get3A_365 = arith.constant 0 : i32
        %get3A_366 = tpu.memref_slice %arg10[%while3A_276, %get3A_365] : memref<160x128xf32, #tpu.memory_space<vmem>> -> memref<1x128xf32, #tpu.memory_space<vmem>>
        %get3A_367 = tpu.memref_squeeze %get3A_366 : memref<1x128xf32, #tpu.memory_space<vmem>> -> memref<128xf32, #tpu.memory_space<vmem>>
        %get3A_368 = arith.constant 64 : index
        %get3A_369 = tpu.vector_load %get3A_367[%get3A_368] {strides = array<i32>} : memref<128xf32, #tpu.memory_space<vmem>>, vector<16xf32>,
        %mul3A_370 = arith.mulf %get3A_369, %get3A_77 : vector<16xf32>
        %add3A_371 = arith.addf %mul3A_370, %get3A_93 : vector<16xf32>
        %max3A_372 = arith.constant 0.000000e+00 : f32
        %max3A_373 = vector.broadcast %max3A_372 : f32 to vector<16xf32>
        %max3A_374 = arith.maximumf %add3A_371, %max3A_373 : vector<16xf32>
        %mul3A_375 = arith.mulf %while3A_282, %broadcast_in_dim3A_308 : vector<16xf32>
        %add3A_376 = arith.addf %mul3A_375, %max3A_374 : vector<16xf32>
        %mul3A_377 = arith.mulf %while3A_290, %broadcast_in_dim3A_308 : vector<16xf32>
        %max3A_378 = arith.maximumf %mul3A_377, %max3A_374 : vector<16xf32>
        %get3A_379 = arith.constant 0 : i32
        %get3A_380 = tpu.memref_slice %arg10[%while3A_276, %get3A_379] : memref<160x128xf32, #tpu.memory_space<vmem>> -> memref<1x128xf32, #tpu.memory_space<vmem>>
        %get3A_381 = tpu.memref_squeeze %get3A_380 : memref<1x128xf32, #tpu.memory_space<vmem>> -> memref<128xf32, #tpu.memory_space<vmem>>
        %get3A_382 = arith.constant 80 : index
        %get3A_383 = tpu.vector_load %get3A_381[%get3A_382] {strides = array<i32>} : memref<128xf32, #tpu.memory_space<vmem>>, vector<16xf32>,
        %mul3A_384 = arith.mulf %get3A_383, %get3A_79 : vector<16xf32>
        %add3A_385 = arith.addf %mul3A_384, %get3A_95 : vector<16xf32>
        %max3A_386 = arith.constant 0.000000e+00 : f32
        %max3A_387 = vector.broadcast %max3A_386 : f32 to vector<16xf32>
        %max3A_388 = arith.maximumf %add3A_385, %max3A_387 : vector<16xf32>
        %mul3A_389 = arith.mulf %while3A_283, %broadcast_in_dim3A_308 : vector<16xf32>
        %add3A_390 = arith.addf %mul3A_389, %max3A_388 : vector<16xf32>
        %mul3A_391 = arith.mulf %while3A_291, %broadcast_in_dim3A_308 : vector<16xf32>
        %max3A_392 = arith.maximumf %mul3A_391, %max3A_388 : vector<16xf32>
        %get3A_393 = arith.constant 0 : i32
        %get3A_394 = tpu.memref_slice %arg10[%while3A_276, %get3A_393] : memref<160x128xf32, #tpu.memory_space<vmem>> -> memref<1x128xf32, #tpu.memory_space<vmem>>
        %get3A_395 = tpu.memref_squeeze %get3A_394 : memref<1x128xf32, #tpu.memory_space<vmem>> -> memref<128xf32, #tpu.memory_space<vmem>>
        %get3A_396 = arith.constant 96 : index
        %get3A_397 = tpu.vector_load %get3A_395[%get3A_396] {strides = array<i32>} : memref<128xf32, #tpu.memory_space<vmem>>, vector<16xf32>,
        %mul3A_398 = arith.mulf %get3A_397, %get3A_81 : vector<16xf32>
        %add3A_399 = arith.addf %mul3A_398, %get3A_97 : vector<16xf32>
        %max3A_400 = arith.constant 0.000000e+00 : f32
        %max3A_401 = vector.broadcast %max3A_400 : f32 to vector<16xf32>
        %max3A_402 = arith.maximumf %add3A_399, %max3A_401 : vector<16xf32>
        %mul3A_403 = arith.mulf %while3A_284, %broadcast_in_dim3A_308 : vector<16xf32>
        %add3A_404 = arith.addf %mul3A_403, %max3A_402 : vector<16xf32>
        %mul3A_405 = arith.mulf %while3A_292, %broadcast_in_dim3A_308 : vector<16xf32>
        %max3A_406 = arith.maximumf %mul3A_405, %max3A_402 : vector<16xf32>
        %get3A_407 = arith.constant 0 : i32
        %get3A_408 = tpu.memref_slice %arg10[%while3A_276, %get3A_407] : memref<160x128xf32, #tpu.memory_space<vmem>> -> memref<1x128xf32, #tpu.memory_space<vmem>>
        %get3A_409 = tpu.memref_squeeze %get3A_408 : memref<1x128xf32, #tpu.memory_space<vmem>> -> memref<128xf32, #tpu.memory_space<vmem>>
        %get3A_410 = arith.constant 112 : index
        %get3A_411 = tpu.vector_load %get3A_409[%get3A_410] {strides = array<i32>} : memref<128xf32, #tpu.memory_space<vmem>>, vector<16xf32>,
        %mul3A_412 = arith.mulf %get3A_411, %get3A_83 : vector<16xf32>
        %add3A_413 = arith.addf %mul3A_412, %get3A_99 : vector<16xf32>
        %max3A_414 = arith.constant 0.000000e+00 : f32
        %max3A_415 = vector.broadcast %max3A_414 : f32 to vector<16xf32>
        %max3A_416 = arith.maximumf %add3A_413, %max3A_415 : vector<16xf32>
        %mul3A_417 = arith.mulf %while3A_285, %broadcast_in_dim3A_308 : vector<16xf32>
        %add3A_418 = arith.addf %mul3A_417, %max3A_416 : vector<16xf32>
        %mul3A_419 = arith.mulf %while3A_293, %broadcast_in_dim3A_308 : vector<16xf32>
        %max3A_420 = arith.maximumf %mul3A_419, %max3A_416 : vector<16xf32>
        scf.yield %squeeze3A_297, %add3A_320, %add3A_334, %add3A_348, %add3A_362, %add3A_376, %add3A_390, %add3A_404, %add3A_418, %max3A_322, %max3A_336, %max3A_350, %max3A_364, %max3A_378, %max3A_392, %max3A_406, %max3A_420 : i32, vector<16xf32>, vector<16xf32>, vector<16xf32>, vector<16xf32>, vector<16xf32>, vector<16xf32>, vector<16xf32>, vector<16xf32>, vector<16xf32>, vector<16xf32>, vector<16xf32>, vector<16xf32>, vector<16xf32>, vector<16xf32>, vector<16xf32>, vector<16xf32>
      }
      %add3A_225 = arith.constant 2 : i32
      %add3A_226 = arith.addi %add3A_176, %add3A_225 : i32
      %mul3A_227 = arith.constant 160 : i32
      %mul3A_228 = arith.muli %add3A_226, %mul3A_227 : i32
      %min3A_229 = arith.constant 319840 : i32
      %min3A_230 = arith.minsi %mul3A_228, %min3A_229 : i32
      %dma_start3A_231 = arith.constant 0 : i32
      %dma_start3A_232 = tpu.memref_slice %arg2[%min3A_230, %dma_start3A_231] : memref<320000x128xf32, #tpu.memory_space<hbm>> -> memref<160x128xf32, #tpu.memory_space<hbm>>
      %dma_start3A_233 = arith.constant 0 : i32
      %dma_start3A_234 = tpu.memref_slice %arg2[%min3A_230, %dma_start3A_233] : memref<320000x128xf32, #tpu.memory_space<hbm>> -> memref<160x128xf32, #tpu.memory_space<hbm>>
      tpu.enqueue_dma source(%dma_start3A_234 : memref<160x128xf32, #tpu.memory_space<hbm>>) target(%arg10 : memref<160x128xf32, #tpu.memory_space<vmem>>) target_semaphore(%arg16 : memref<!tpu.dma_semaphore, #tpu.memory_space<semaphore_mem>>)
      %dma_start3A_235 = arith.constant 0 : i32
      %dma_start3A_236 = tpu.memref_slice %arg12[%dma_start3A_235] : memref<176xi32, #tpu.memory_space<vmem>> -> memref<160xi32, #tpu.memory_space<vmem>>
      %dma_start3A_237 = tpu.memref_slice %arg3[%min3A_230] : memref<320000xi32, #tpu.memory_space<hbm>> -> memref<160xi32, #tpu.memory_space<hbm>>
      %dma_start3A_238 = arith.constant 0 : i32
      %dma_start3A_239 = tpu.memref_slice %arg12[%dma_start3A_238] : memref<176xi32, #tpu.memory_space<vmem>> -> memref<160xi32, #tpu.memory_space<vmem>>
      %dma_start3A_240 = tpu.memref_slice %arg3[%min3A_230] : memref<320000xi32, #tpu.memory_space<hbm>> -> memref<160xi32, #tpu.memory_space<hbm>>
      tpu.enqueue_dma source(%dma_start3A_240 : memref<160xi32, #tpu.memory_space<hbm>>) target(%dma_start3A_239 : memref<160xi32, #tpu.memory_space<vmem>>) target_semaphore(%arg18 : memref<!tpu.dma_semaphore, #tpu.memory_space<semaphore_mem>>)
      %dma_wait3A_241 = arith.constant 0 : i32
      %dma_wait3A_242 = arith.constant 0 : i32
      %dma_wait3A_243 = tpu.memref_slice %arg2[%dma_wait3A_241, %dma_wait3A_242] : memref<320000x128xf32, #tpu.memory_space<hbm>> -> memref<160x128xf32, #tpu.memory_space<hbm>>
      %dma_wait3A_244 = arith.constant 0 : i32
      %dma_wait3A_245 = arith.constant 0 : i32
      %dma_wait3A_246 = tpu.memref_slice %arg2[%dma_wait3A_244, %dma_wait3A_245] : memref<320000x128xf32, #tpu.memory_space<hbm>> -> memref<160x128xf32, #tpu.memory_space<hbm>>
      tpu.wait_dma2 semaphore(%arg17 : memref<!tpu.dma_semaphore, #tpu.memory_space<semaphore_mem>>) src(%dma_wait3A_246 : memref<160x128xf32, #tpu.memory_space<hbm>>) dst(%arg11 : memref<160x128xf32, #tpu.memory_space<vmem>>)
      %dma_wait3A_247 = arith.constant 0 : i32
      %dma_wait3A_248 = tpu.memref_slice %arg13[%dma_wait3A_247] : memref<176xi32, #tpu.memory_space<vmem>> -> memref<160xi32, #tpu.memory_space<vmem>>
      %dma_wait3A_249 = arith.constant 0 : i32
      %dma_wait3A_250 = tpu.memref_slice %arg3[%dma_wait3A_249] : memref<320000xi32, #tpu.memory_space<hbm>> -> memref<160xi32, #tpu.memory_space<hbm>>
      %dma_wait3A_251 = arith.constant 0 : i32
      %dma_wait3A_252 = tpu.memref_slice %arg13[%dma_wait3A_251] : memref<176xi32, #tpu.memory_space<vmem>> -> memref<160xi32, #tpu.memory_space<vmem>>
      %dma_wait3A_253 = arith.constant 0 : i32
      %dma_wait3A_254 = tpu.memref_slice %arg3[%dma_wait3A_253] : memref<320000xi32, #tpu.memory_space<hbm>> -> memref<160xi32, #tpu.memory_space<hbm>>
      tpu.wait_dma2 semaphore(%arg19 : memref<!tpu.dma_semaphore, #tpu.memory_space<semaphore_mem>>) src(%dma_wait3A_254 : memref<160xi32, #tpu.memory_space<hbm>>) dst(%dma_wait3A_252 : memref<160xi32, #tpu.memory_space<vmem>>)
      %add3A_255 = arith.constant 1 : i32
      %add3A_256 = arith.addi %add3A_176, %add3A_255 : i32
      %mul3A_257 = arith.constant 160 : i32
      %mul3A_258 = arith.muli %add3A_256, %mul3A_257 : i32
      %sub3A_259 = arith.subi %squeeze3A, %mul3A_258 : i32
      %max3A_260 = arith.constant 0 : i32
      %max3A_261 = arith.maxsi %sub3A_259, %max3A_260 : i32
      %sub3A_262 = arith.subi %squeeze3A_5, %mul3A_258 : i32
      %min3A_263 = arith.constant 160 : i32
      %min3A_264 = arith.minsi %sub3A_262, %min3A_263 : i32
      %max3A_265 = arith.maxsi %min3A_264, %max3A_261 : i32
      %while3A_266 = arith.subi %max3A_265, %max3A_261 : i32
      %while3A_267 = arith.addi %max3A_261, %while3A_266 : i32
      %while3A_268 = arith.constant 1 : i32
      %while3A_269 = arith.divsi %while3A_266, %while3A_268 : i32
      %while3A_270 = arith.muli %while3A_269, %while3A_268 : i32
      %while3A_271 = arith.addi %max3A_261, %while3A_270 : i32
      %while3A_272 = arith.constant 1 : i32
      %while3A_273:17 = scf.for %while3A_276 = %max3A_261 to %while3A_271 step %while3A_272 iter_args(%while3A_277 = %while3A_224#0, %while3A_278 = %while3A_224#1, %while3A_279 = %while3A_224#2, %while3A_280 = %while3A_224#3, %while3A_281 = %while3A_224#4, %while3A_282 = %while3A_224#5, %while3A_283 = %while3A_224#6, %while3A_284 = %while3A_224#7, %while3A_285 = %while3A_224#8, %while3A_286 = %while3A_224#9, %while3A_287 = %while3A_224#10, %while3A_288 = %while3A_224#11, %while3A_289 = %while3A_224#12, %while3A_290 = %while3A_224#13, %while3A_291 = %while3A_224#14, %while3A_292 = %while3A_224#15, %while3A_293 = %while3A_224#16) -> (i32, vector<16xf32>, vector<16xf32>, vector<16xf32>, vector<16xf32>, vector<16xf32>, vector<16xf32>, vector<16xf32>, vector<16xf32>, vector<16xf32>, vector<16xf32>, vector<16xf32>, vector<16xf32>, vector<16xf32>, vector<16xf32>, vector<16xf32>, vector<16xf32>)  : i32 {
        %get3A_294 = arith.index_cast %while3A_276 : i32 to index
        %get3A_295 = tpu.vector_load %arg13[%get3A_294] {strides = array<i32>} : memref<176xi32, #tpu.memory_space<vmem>>, vector<16xi32>,
        %slice3A_296 = vector.extract_strided_slice %get3A_295 {offsets = [0], sizes = [1], strides = [1]} : vector<16xi32> to vector<1xi32>
        %squeeze3A_297 = vector.extract %slice3A_296[0] : i32 from vector<1xi32>
        %ne3A_298 = arith.cmpi ne, %squeeze3A_297, %while3A_277 : i32
        %ge3A_299 = arith.constant 0 : i32
        %ge3A_300 = arith.cmpi sge, %while3A_277, %ge3A_299 : i32
        %and3A_301 = arith.andi %ne3A_298, %ge3A_300 : i1
        %convert_element_type3A_302 = arith.extui %and3A_301 : i1 to i32
        %cond3A_303 = arith.constant 0 : i32
        %cond3A_304 = arith.cmpi ne, %convert_element_type3A_302, %cond3A_303 : i32
        scf.if %cond3A_304 {
          %sub3A_421 = arith.subi %while3A_277, %mul3A_2 : i32
          %mul3A_422 = arith.constant 128 : i32
          %mul3A_423 = arith.muli %sub3A_421, %mul3A_422 : i32
          %add3A_424 = arith.constant 0 : i32
          %add3A_425 = arith.addi %mul3A_423, %add3A_424 : i32
          %swap3A = arith.index_cast %add3A_425 : i32 to index
          %swap3A_426 = tpu.vector_load %arg15[%swap3A] {strides = array<i32>} : memref<40960xf32, #tpu.memory_space<vmem>>, vector<16xf32>,
          tpu.vector_store %arg15[%swap3A], %while3A_278 {strides = array<i32>} : memref<40960xf32, #tpu.memory_space<vmem>>, vector<16xf32>,
          %add3A_427 = arith.constant 0 : i32
          %add3A_428 = arith.addi %mul3A_423, %add3A_427 : i32
          %swap3A_429 = arith.index_cast %add3A_428 : i32 to index
          %swap3A_430 = tpu.vector_load %arg14[%swap3A_429] {strides = array<i32>} : memref<40960xf32, #tpu.memory_space<vmem>>, vector<16xf32>,
          tpu.vector_store %arg14[%swap3A_429], %while3A_286 {strides = array<i32>} : memref<40960xf32, #tpu.memory_space<vmem>>, vector<16xf32>,
          %add3A_431 = arith.constant 16 : i32
          %add3A_432 = arith.addi %mul3A_423, %add3A_431 : i32
          %swap3A_433 = arith.index_cast %add3A_432 : i32 to index
          %swap3A_434 = tpu.vector_load %arg15[%swap3A_433] {strides = array<i32>} : memref<40960xf32, #tpu.memory_space<vmem>>, vector<16xf32>,
          tpu.vector_store %arg15[%swap3A_433], %while3A_279 {strides = array<i32>} : memref<40960xf32, #tpu.memory_space<vmem>>, vector<16xf32>,
          %add3A_435 = arith.constant 16 : i32
          %add3A_436 = arith.addi %mul3A_423, %add3A_435 : i32
          %swap3A_437 = arith.index_cast %add3A_436 : i32 to index
          %swap3A_438 = tpu.vector_load %arg14[%swap3A_437] {strides = array<i32>} : memref<40960xf32, #tpu.memory_space<vmem>>, vector<16xf32>,
          tpu.vector_store %arg14[%swap3A_437], %while3A_287 {strides = array<i32>} : memref<40960xf32, #tpu.memory_space<vmem>>, vector<16xf32>,
          %add3A_439 = arith.constant 32 : i32
          %add3A_440 = arith.addi %mul3A_423, %add3A_439 : i32
          %swap3A_441 = arith.index_cast %add3A_440 : i32 to index
          %swap3A_442 = tpu.vector_load %arg15[%swap3A_441] {strides = array<i32>} : memref<40960xf32, #tpu.memory_space<vmem>>, vector<16xf32>,
          tpu.vector_store %arg15[%swap3A_441], %while3A_280 {strides = array<i32>} : memref<40960xf32, #tpu.memory_space<vmem>>, vector<16xf32>,
          %add3A_443 = arith.constant 32 : i32
          %add3A_444 = arith.addi %mul3A_423, %add3A_443 : i32
          %swap3A_445 = arith.index_cast %add3A_444 : i32 to index
          %swap3A_446 = tpu.vector_load %arg14[%swap3A_445] {strides = array<i32>} : memref<40960xf32, #tpu.memory_space<vmem>>, vector<16xf32>,
          tpu.vector_store %arg14[%swap3A_445], %while3A_288 {strides = array<i32>} : memref<40960xf32, #tpu.memory_space<vmem>>, vector<16xf32>,
          %add3A_447 = arith.constant 48 : i32
          %add3A_448 = arith.addi %mul3A_423, %add3A_447 : i32
          %swap3A_449 = arith.index_cast %add3A_448 : i32 to index
          %swap3A_450 = tpu.vector_load %arg15[%swap3A_449] {strides = array<i32>} : memref<40960xf32, #tpu.memory_space<vmem>>, vector<16xf32>,
          tpu.vector_store %arg15[%swap3A_449], %while3A_281 {strides = array<i32>} : memref<40960xf32, #tpu.memory_space<vmem>>, vector<16xf32>,
          %add3A_451 = arith.constant 48 : i32
          %add3A_452 = arith.addi %mul3A_423, %add3A_451 : i32
          %swap3A_453 = arith.index_cast %add3A_452 : i32 to index
          %swap3A_454 = tpu.vector_load %arg14[%swap3A_453] {strides = array<i32>} : memref<40960xf32, #tpu.memory_space<vmem>>, vector<16xf32>,
          tpu.vector_store %arg14[%swap3A_453], %while3A_289 {strides = array<i32>} : memref<40960xf32, #tpu.memory_space<vmem>>, vector<16xf32>,
          %add3A_455 = arith.constant 64 : i32
          %add3A_456 = arith.addi %mul3A_423, %add3A_455 : i32
          %swap3A_457 = arith.index_cast %add3A_456 : i32 to index
          %swap3A_458 = tpu.vector_load %arg15[%swap3A_457] {strides = array<i32>} : memref<40960xf32, #tpu.memory_space<vmem>>, vector<16xf32>,
          tpu.vector_store %arg15[%swap3A_457], %while3A_282 {strides = array<i32>} : memref<40960xf32, #tpu.memory_space<vmem>>, vector<16xf32>,
          %add3A_459 = arith.constant 64 : i32
          %add3A_460 = arith.addi %mul3A_423, %add3A_459 : i32
          %swap3A_461 = arith.index_cast %add3A_460 : i32 to index
          %swap3A_462 = tpu.vector_load %arg14[%swap3A_461] {strides = array<i32>} : memref<40960xf32, #tpu.memory_space<vmem>>, vector<16xf32>,
          tpu.vector_store %arg14[%swap3A_461], %while3A_290 {strides = array<i32>} : memref<40960xf32, #tpu.memory_space<vmem>>, vector<16xf32>,
          %add3A_463 = arith.constant 80 : i32
          %add3A_464 = arith.addi %mul3A_423, %add3A_463 : i32
          %swap3A_465 = arith.index_cast %add3A_464 : i32 to index
          %swap3A_466 = tpu.vector_load %arg15[%swap3A_465] {strides = array<i32>} : memref<40960xf32, #tpu.memory_space<vmem>>, vector<16xf32>,
          tpu.vector_store %arg15[%swap3A_465], %while3A_283 {strides = array<i32>} : memref<40960xf32, #tpu.memory_space<vmem>>, vector<16xf32>,
          %add3A_467 = arith.constant 80 : i32
          %add3A_468 = arith.addi %mul3A_423, %add3A_467 : i32
          %swap3A_469 = arith.index_cast %add3A_468 : i32 to index
          %swap3A_470 = tpu.vector_load %arg14[%swap3A_469] {strides = array<i32>} : memref<40960xf32, #tpu.memory_space<vmem>>, vector<16xf32>,
          tpu.vector_store %arg14[%swap3A_469], %while3A_291 {strides = array<i32>} : memref<40960xf32, #tpu.memory_space<vmem>>, vector<16xf32>,
          %add3A_471 = arith.constant 96 : i32
          %add3A_472 = arith.addi %mul3A_423, %add3A_471 : i32
          %swap3A_473 = arith.index_cast %add3A_472 : i32 to index
          %swap3A_474 = tpu.vector_load %arg15[%swap3A_473] {strides = array<i32>} : memref<40960xf32, #tpu.memory_space<vmem>>, vector<16xf32>,
          tpu.vector_store %arg15[%swap3A_473], %while3A_284 {strides = array<i32>} : memref<40960xf32, #tpu.memory_space<vmem>>, vector<16xf32>,
          %add3A_475 = arith.constant 96 : i32
          %add3A_476 = arith.addi %mul3A_423, %add3A_475 : i32
          %swap3A_477 = arith.index_cast %add3A_476 : i32 to index
          %swap3A_478 = tpu.vector_load %arg14[%swap3A_477] {strides = array<i32>} : memref<40960xf32, #tpu.memory_space<vmem>>, vector<16xf32>,
          tpu.vector_store %arg14[%swap3A_477], %while3A_292 {strides = array<i32>} : memref<40960xf32, #tpu.memory_space<vmem>>, vector<16xf32>,
          %add3A_479 = arith.constant 112 : i32
          %add3A_480 = arith.addi %mul3A_423, %add3A_479 : i32
          %swap3A_481 = arith.index_cast %add3A_480 : i32 to index
          %swap3A_482 = tpu.vector_load %arg15[%swap3A_481] {strides = array<i32>} : memref<40960xf32, #tpu.memory_space<vmem>>, vector<16xf32>,
          tpu.vector_store %arg15[%swap3A_481], %while3A_285 {strides = array<i32>} : memref<40960xf32, #tpu.memory_space<vmem>>, vector<16xf32>,
          %add3A_483 = arith.constant 112 : i32
          %add3A_484 = arith.addi %mul3A_423, %add3A_483 : i32
          %swap3A_485 = arith.index_cast %add3A_484 : i32 to index
          %swap3A_486 = tpu.vector_load %arg14[%swap3A_485] {strides = array<i32>} : memref<40960xf32, #tpu.memory_space<vmem>>, vector<16xf32>,
          tpu.vector_store %arg14[%swap3A_485], %while3A_293 {strides = array<i32>} : memref<40960xf32, #tpu.memory_space<vmem>>, vector<16xf32>,
        } else {
        }
        %jit3A_305 = arith.constant 0.000000e+00 : f32
        %jit3A_306 = arith.constant 1.000000e+00 : f32
        %select_n3A_307 = arith.select %ne3A_298, %jit3A_305, %jit3A_306 : f32
        %broadcast_in_dim3A_308 = vector.broadcast %select_n3A_307 : f32 to vector<16xf32>
        %get3A_309 = arith.constant 0 : i32
        %get3A_310 = tpu.memref_slice %arg11[%while3A_276, %get3A_309] : memref<160x128xf32, #tpu.memory_space<vmem>> -> memref<1x128xf32, #tpu.memory_space<vmem>>
        %get3A_311 = tpu.memref_squeeze %get3A_310 : memref<1x128xf32, #tpu.memory_space<vmem>> -> memref<128xf32, #tpu.memory_space<vmem>>
        %get3A_312 = arith.constant 0 : index
        %get3A_313 = tpu.vector_load %get3A_311[%get3A_312] {strides = array<i32>} : memref<128xf32, #tpu.memory_space<vmem>>, vector<16xf32>,
        %mul3A_314 = arith.mulf %get3A_313, %get3A_69 : vector<16xf32>
        %add3A_315 = arith.addf %mul3A_314, %get3A_85 : vector<16xf32>
        %max3A_316 = arith.constant 0.000000e+00 : f32
        %max3A_317 = vector.broadcast %max3A_316 : f32 to vector<16xf32>
        %max3A_318 = arith.maximumf %add3A_315, %max3A_317 : vector<16xf32>
        %mul3A_319 = arith.mulf %while3A_278, %broadcast_in_dim3A_308 : vector<16xf32>
        %add3A_320 = arith.addf %mul3A_319, %max3A_318 : vector<16xf32>
        %mul3A_321 = arith.mulf %while3A_286, %broadcast_in_dim3A_308 : vector<16xf32>
        %max3A_322 = arith.maximumf %mul3A_321, %max3A_318 : vector<16xf32>
        %get3A_323 = arith.constant 0 : i32
        %get3A_324 = tpu.memref_slice %arg11[%while3A_276, %get3A_323] : memref<160x128xf32, #tpu.memory_space<vmem>> -> memref<1x128xf32, #tpu.memory_space<vmem>>
        %get3A_325 = tpu.memref_squeeze %get3A_324 : memref<1x128xf32, #tpu.memory_space<vmem>> -> memref<128xf32, #tpu.memory_space<vmem>>
        %get3A_326 = arith.constant 16 : index
        %get3A_327 = tpu.vector_load %get3A_325[%get3A_326] {strides = array<i32>} : memref<128xf32, #tpu.memory_space<vmem>>, vector<16xf32>,
        %mul3A_328 = arith.mulf %get3A_327, %get3A_71 : vector<16xf32>
        %add3A_329 = arith.addf %mul3A_328, %get3A_87 : vector<16xf32>
        %max3A_330 = arith.constant 0.000000e+00 : f32
        %max3A_331 = vector.broadcast %max3A_330 : f32 to vector<16xf32>
        %max3A_332 = arith.maximumf %add3A_329, %max3A_331 : vector<16xf32>
        %mul3A_333 = arith.mulf %while3A_279, %broadcast_in_dim3A_308 : vector<16xf32>
        %add3A_334 = arith.addf %mul3A_333, %max3A_332 : vector<16xf32>
        %mul3A_335 = arith.mulf %while3A_287, %broadcast_in_dim3A_308 : vector<16xf32>
        %max3A_336 = arith.maximumf %mul3A_335, %max3A_332 : vector<16xf32>
        %get3A_337 = arith.constant 0 : i32
        %get3A_338 = tpu.memref_slice %arg11[%while3A_276, %get3A_337] : memref<160x128xf32, #tpu.memory_space<vmem>> -> memref<1x128xf32, #tpu.memory_space<vmem>>
        %get3A_339 = tpu.memref_squeeze %get3A_338 : memref<1x128xf32, #tpu.memory_space<vmem>> -> memref<128xf32, #tpu.memory_space<vmem>>
        %get3A_340 = arith.constant 32 : index
        %get3A_341 = tpu.vector_load %get3A_339[%get3A_340] {strides = array<i32>} : memref<128xf32, #tpu.memory_space<vmem>>, vector<16xf32>,
        %mul3A_342 = arith.mulf %get3A_341, %get3A_73 : vector<16xf32>
        %add3A_343 = arith.addf %mul3A_342, %get3A_89 : vector<16xf32>
        %max3A_344 = arith.constant 0.000000e+00 : f32
        %max3A_345 = vector.broadcast %max3A_344 : f32 to vector<16xf32>
        %max3A_346 = arith.maximumf %add3A_343, %max3A_345 : vector<16xf32>
        %mul3A_347 = arith.mulf %while3A_280, %broadcast_in_dim3A_308 : vector<16xf32>
        %add3A_348 = arith.addf %mul3A_347, %max3A_346 : vector<16xf32>
        %mul3A_349 = arith.mulf %while3A_288, %broadcast_in_dim3A_308 : vector<16xf32>
        %max3A_350 = arith.maximumf %mul3A_349, %max3A_346 : vector<16xf32>
        %get3A_351 = arith.constant 0 : i32
        %get3A_352 = tpu.memref_slice %arg11[%while3A_276, %get3A_351] : memref<160x128xf32, #tpu.memory_space<vmem>> -> memref<1x128xf32, #tpu.memory_space<vmem>>
        %get3A_353 = tpu.memref_squeeze %get3A_352 : memref<1x128xf32, #tpu.memory_space<vmem>> -> memref<128xf32, #tpu.memory_space<vmem>>
        %get3A_354 = arith.constant 48 : index
        %get3A_355 = tpu.vector_load %get3A_353[%get3A_354] {strides = array<i32>} : memref<128xf32, #tpu.memory_space<vmem>>, vector<16xf32>,
        %mul3A_356 = arith.mulf %get3A_355, %get3A_75 : vector<16xf32>
        %add3A_357 = arith.addf %mul3A_356, %get3A_91 : vector<16xf32>
        %max3A_358 = arith.constant 0.000000e+00 : f32
        %max3A_359 = vector.broadcast %max3A_358 : f32 to vector<16xf32>
        %max3A_360 = arith.maximumf %add3A_357, %max3A_359 : vector<16xf32>
        %mul3A_361 = arith.mulf %while3A_281, %broadcast_in_dim3A_308 : vector<16xf32>
        %add3A_362 = arith.addf %mul3A_361, %max3A_360 : vector<16xf32>
        %mul3A_363 = arith.mulf %while3A_289, %broadcast_in_dim3A_308 : vector<16xf32>
        %max3A_364 = arith.maximumf %mul3A_363, %max3A_360 : vector<16xf32>
        %get3A_365 = arith.constant 0 : i32
        %get3A_366 = tpu.memref_slice %arg11[%while3A_276, %get3A_365] : memref<160x128xf32, #tpu.memory_space<vmem>> -> memref<1x128xf32, #tpu.memory_space<vmem>>
        %get3A_367 = tpu.memref_squeeze %get3A_366 : memref<1x128xf32, #tpu.memory_space<vmem>> -> memref<128xf32, #tpu.memory_space<vmem>>
        %get3A_368 = arith.constant 64 : index
        %get3A_369 = tpu.vector_load %get3A_367[%get3A_368] {strides = array<i32>} : memref<128xf32, #tpu.memory_space<vmem>>, vector<16xf32>,
        %mul3A_370 = arith.mulf %get3A_369, %get3A_77 : vector<16xf32>
        %add3A_371 = arith.addf %mul3A_370, %get3A_93 : vector<16xf32>
        %max3A_372 = arith.constant 0.000000e+00 : f32
        %max3A_373 = vector.broadcast %max3A_372 : f32 to vector<16xf32>
        %max3A_374 = arith.maximumf %add3A_371, %max3A_373 : vector<16xf32>
        %mul3A_375 = arith.mulf %while3A_282, %broadcast_in_dim3A_308 : vector<16xf32>
        %add3A_376 = arith.addf %mul3A_375, %max3A_374 : vector<16xf32>
        %mul3A_377 = arith.mulf %while3A_290, %broadcast_in_dim3A_308 : vector<16xf32>
        %max3A_378 = arith.maximumf %mul3A_377, %max3A_374 : vector<16xf32>
        %get3A_379 = arith.constant 0 : i32
        %get3A_380 = tpu.memref_slice %arg11[%while3A_276, %get3A_379] : memref<160x128xf32, #tpu.memory_space<vmem>> -> memref<1x128xf32, #tpu.memory_space<vmem>>
        %get3A_381 = tpu.memref_squeeze %get3A_380 : memref<1x128xf32, #tpu.memory_space<vmem>> -> memref<128xf32, #tpu.memory_space<vmem>>
        %get3A_382 = arith.constant 80 : index
        %get3A_383 = tpu.vector_load %get3A_381[%get3A_382] {strides = array<i32>} : memref<128xf32, #tpu.memory_space<vmem>>, vector<16xf32>,
        %mul3A_384 = arith.mulf %get3A_383, %get3A_79 : vector<16xf32>
        %add3A_385 = arith.addf %mul3A_384, %get3A_95 : vector<16xf32>
        %max3A_386 = arith.constant 0.000000e+00 : f32
        %max3A_387 = vector.broadcast %max3A_386 : f32 to vector<16xf32>
        %max3A_388 = arith.maximumf %add3A_385, %max3A_387 : vector<16xf32>
        %mul3A_389 = arith.mulf %while3A_283, %broadcast_in_dim3A_308 : vector<16xf32>
        %add3A_390 = arith.addf %mul3A_389, %max3A_388 : vector<16xf32>
        %mul3A_391 = arith.mulf %while3A_291, %broadcast_in_dim3A_308 : vector<16xf32>
        %max3A_392 = arith.maximumf %mul3A_391, %max3A_388 : vector<16xf32>
        %get3A_393 = arith.constant 0 : i32
        %get3A_394 = tpu.memref_slice %arg11[%while3A_276, %get3A_393] : memref<160x128xf32, #tpu.memory_space<vmem>> -> memref<1x128xf32, #tpu.memory_space<vmem>>
        %get3A_395 = tpu.memref_squeeze %get3A_394 : memref<1x128xf32, #tpu.memory_space<vmem>> -> memref<128xf32, #tpu.memory_space<vmem>>
        %get3A_396 = arith.constant 96 : index
        %get3A_397 = tpu.vector_load %get3A_395[%get3A_396] {strides = array<i32>} : memref<128xf32, #tpu.memory_space<vmem>>, vector<16xf32>,
        %mul3A_398 = arith.mulf %get3A_397, %get3A_81 : vector<16xf32>
        %add3A_399 = arith.addf %mul3A_398, %get3A_97 : vector<16xf32>
        %max3A_400 = arith.constant 0.000000e+00 : f32
        %max3A_401 = vector.broadcast %max3A_400 : f32 to vector<16xf32>
        %max3A_402 = arith.maximumf %add3A_399, %max3A_401 : vector<16xf32>
        %mul3A_403 = arith.mulf %while3A_284, %broadcast_in_dim3A_308 : vector<16xf32>
        %add3A_404 = arith.addf %mul3A_403, %max3A_402 : vector<16xf32>
        %mul3A_405 = arith.mulf %while3A_292, %broadcast_in_dim3A_308 : vector<16xf32>
        %max3A_406 = arith.maximumf %mul3A_405, %max3A_402 : vector<16xf32>
        %get3A_407 = arith.constant 0 : i32
        %get3A_408 = tpu.memref_slice %arg11[%while3A_276, %get3A_407] : memref<160x128xf32, #tpu.memory_space<vmem>> -> memref<1x128xf32, #tpu.memory_space<vmem>>
        %get3A_409 = tpu.memref_squeeze %get3A_408 : memref<1x128xf32, #tpu.memory_space<vmem>> -> memref<128xf32, #tpu.memory_space<vmem>>
        %get3A_410 = arith.constant 112 : index
        %get3A_411 = tpu.vector_load %get3A_409[%get3A_410] {strides = array<i32>} : memref<128xf32, #tpu.memory_space<vmem>>, vector<16xf32>,
        %mul3A_412 = arith.mulf %get3A_411, %get3A_83 : vector<16xf32>
        %add3A_413 = arith.addf %mul3A_412, %get3A_99 : vector<16xf32>
        %max3A_414 = arith.constant 0.000000e+00 : f32
        %max3A_415 = vector.broadcast %max3A_414 : f32 to vector<16xf32>
        %max3A_416 = arith.maximumf %add3A_413, %max3A_415 : vector<16xf32>
        %mul3A_417 = arith.mulf %while3A_285, %broadcast_in_dim3A_308 : vector<16xf32>
        %add3A_418 = arith.addf %mul3A_417, %max3A_416 : vector<16xf32>
        %mul3A_419 = arith.mulf %while3A_293, %broadcast_in_dim3A_308 : vector<16xf32>
        %max3A_420 = arith.maximumf %mul3A_419, %max3A_416 : vector<16xf32>
        scf.yield %squeeze3A_297, %add3A_320, %add3A_334, %add3A_348, %add3A_362, %add3A_376, %add3A_390, %add3A_404, %add3A_418, %max3A_322, %max3A_336, %max3A_350, %max3A_364, %max3A_378, %max3A_392, %max3A_406, %max3A_420 : i32, vector<16xf32>, vector<16xf32>, vector<16xf32>, vector<16xf32>, vector<16xf32>, vector<16xf32>, vector<16xf32>, vector<16xf32>, vector<16xf32>, vector<16xf32>, vector<16xf32>, vector<16xf32>, vector<16xf32>, vector<16xf32>, vector<16xf32>, vector<16xf32>
      }
      %while3A_274 = arith.constant 1 : i32
      %while3A_275:17 = scf.for %while3A_276 = %while3A_271 to %while3A_267 step %while3A_274 iter_args(%while3A_277 = %while3A_273#0, %while3A_278 = %while3A_273#1, %while3A_279 = %while3A_273#2, %while3A_280 = %while3A_273#3, %while3A_281 = %while3A_273#4, %while3A_282 = %while3A_273#5, %while3A_283 = %while3A_273#6, %while3A_284 = %while3A_273#7, %while3A_285 = %while3A_273#8, %while3A_286 = %while3A_273#9, %while3A_287 = %while3A_273#10, %while3A_288 = %while3A_273#11, %while3A_289 = %while3A_273#12, %while3A_290 = %while3A_273#13, %while3A_291 = %while3A_273#14, %while3A_292 = %while3A_273#15, %while3A_293 = %while3A_273#16) -> (i32, vector<16xf32>, vector<16xf32>, vector<16xf32>, vector<16xf32>, vector<16xf32>, vector<16xf32>, vector<16xf32>, vector<16xf32>, vector<16xf32>, vector<16xf32>, vector<16xf32>, vector<16xf32>, vector<16xf32>, vector<16xf32>, vector<16xf32>, vector<16xf32>)  : i32 {
        %get3A_294 = arith.index_cast %while3A_276 : i32 to index
        %get3A_295 = tpu.vector_load %arg13[%get3A_294] {strides = array<i32>} : memref<176xi32, #tpu.memory_space<vmem>>, vector<16xi32>,
        %slice3A_296 = vector.extract_strided_slice %get3A_295 {offsets = [0], sizes = [1], strides = [1]} : vector<16xi32> to vector<1xi32>
        %squeeze3A_297 = vector.extract %slice3A_296[0] : i32 from vector<1xi32>
        %ne3A_298 = arith.cmpi ne, %squeeze3A_297, %while3A_277 : i32
        %ge3A_299 = arith.constant 0 : i32
        %ge3A_300 = arith.cmpi sge, %while3A_277, %ge3A_299 : i32
        %and3A_301 = arith.andi %ne3A_298, %ge3A_300 : i1
        %convert_element_type3A_302 = arith.extui %and3A_301 : i1 to i32
        %cond3A_303 = arith.constant 0 : i32
        %cond3A_304 = arith.cmpi ne, %convert_element_type3A_302, %cond3A_303 : i32
        scf.if %cond3A_304 {
          %sub3A_421 = arith.subi %while3A_277, %mul3A_2 : i32
          %mul3A_422 = arith.constant 128 : i32
          %mul3A_423 = arith.muli %sub3A_421, %mul3A_422 : i32
          %add3A_424 = arith.constant 0 : i32
          %add3A_425 = arith.addi %mul3A_423, %add3A_424 : i32
          %swap3A = arith.index_cast %add3A_425 : i32 to index
          %swap3A_426 = tpu.vector_load %arg15[%swap3A] {strides = array<i32>} : memref<40960xf32, #tpu.memory_space<vmem>>, vector<16xf32>,
          tpu.vector_store %arg15[%swap3A], %while3A_278 {strides = array<i32>} : memref<40960xf32, #tpu.memory_space<vmem>>, vector<16xf32>,
          %add3A_427 = arith.constant 0 : i32
          %add3A_428 = arith.addi %mul3A_423, %add3A_427 : i32
          %swap3A_429 = arith.index_cast %add3A_428 : i32 to index
          %swap3A_430 = tpu.vector_load %arg14[%swap3A_429] {strides = array<i32>} : memref<40960xf32, #tpu.memory_space<vmem>>, vector<16xf32>,
          tpu.vector_store %arg14[%swap3A_429], %while3A_286 {strides = array<i32>} : memref<40960xf32, #tpu.memory_space<vmem>>, vector<16xf32>,
          %add3A_431 = arith.constant 16 : i32
          %add3A_432 = arith.addi %mul3A_423, %add3A_431 : i32
          %swap3A_433 = arith.index_cast %add3A_432 : i32 to index
          %swap3A_434 = tpu.vector_load %arg15[%swap3A_433] {strides = array<i32>} : memref<40960xf32, #tpu.memory_space<vmem>>, vector<16xf32>,
          tpu.vector_store %arg15[%swap3A_433], %while3A_279 {strides = array<i32>} : memref<40960xf32, #tpu.memory_space<vmem>>, vector<16xf32>,
          %add3A_435 = arith.constant 16 : i32
          %add3A_436 = arith.addi %mul3A_423, %add3A_435 : i32
          %swap3A_437 = arith.index_cast %add3A_436 : i32 to index
          %swap3A_438 = tpu.vector_load %arg14[%swap3A_437] {strides = array<i32>} : memref<40960xf32, #tpu.memory_space<vmem>>, vector<16xf32>,
          tpu.vector_store %arg14[%swap3A_437], %while3A_287 {strides = array<i32>} : memref<40960xf32, #tpu.memory_space<vmem>>, vector<16xf32>,
          %add3A_439 = arith.constant 32 : i32
          %add3A_440 = arith.addi %mul3A_423, %add3A_439 : i32
          %swap3A_441 = arith.index_cast %add3A_440 : i32 to index
          %swap3A_442 = tpu.vector_load %arg15[%swap3A_441] {strides = array<i32>} : memref<40960xf32, #tpu.memory_space<vmem>>, vector<16xf32>,
          tpu.vector_store %arg15[%swap3A_441], %while3A_280 {strides = array<i32>} : memref<40960xf32, #tpu.memory_space<vmem>>, vector<16xf32>,
          %add3A_443 = arith.constant 32 : i32
          %add3A_444 = arith.addi %mul3A_423, %add3A_443 : i32
          %swap3A_445 = arith.index_cast %add3A_444 : i32 to index
          %swap3A_446 = tpu.vector_load %arg14[%swap3A_445] {strides = array<i32>} : memref<40960xf32, #tpu.memory_space<vmem>>, vector<16xf32>,
          tpu.vector_store %arg14[%swap3A_445], %while3A_288 {strides = array<i32>} : memref<40960xf32, #tpu.memory_space<vmem>>, vector<16xf32>,
          %add3A_447 = arith.constant 48 : i32
          %add3A_448 = arith.addi %mul3A_423, %add3A_447 : i32
          %swap3A_449 = arith.index_cast %add3A_448 : i32 to index
          %swap3A_450 = tpu.vector_load %arg15[%swap3A_449] {strides = array<i32>} : memref<40960xf32, #tpu.memory_space<vmem>>, vector<16xf32>,
          tpu.vector_store %arg15[%swap3A_449], %while3A_281 {strides = array<i32>} : memref<40960xf32, #tpu.memory_space<vmem>>, vector<16xf32>,
          %add3A_451 = arith.constant 48 : i32
          %add3A_452 = arith.addi %mul3A_423, %add3A_451 : i32
          %swap3A_453 = arith.index_cast %add3A_452 : i32 to index
          %swap3A_454 = tpu.vector_load %arg14[%swap3A_453] {strides = array<i32>} : memref<40960xf32, #tpu.memory_space<vmem>>, vector<16xf32>,
          tpu.vector_store %arg14[%swap3A_453], %while3A_289 {strides = array<i32>} : memref<40960xf32, #tpu.memory_space<vmem>>, vector<16xf32>,
          %add3A_455 = arith.constant 64 : i32
          %add3A_456 = arith.addi %mul3A_423, %add3A_455 : i32
          %swap3A_457 = arith.index_cast %add3A_456 : i32 to index
          %swap3A_458 = tpu.vector_load %arg15[%swap3A_457] {strides = array<i32>} : memref<40960xf32, #tpu.memory_space<vmem>>, vector<16xf32>,
          tpu.vector_store %arg15[%swap3A_457], %while3A_282 {strides = array<i32>} : memref<40960xf32, #tpu.memory_space<vmem>>, vector<16xf32>,
          %add3A_459 = arith.constant 64 : i32
          %add3A_460 = arith.addi %mul3A_423, %add3A_459 : i32
          %swap3A_461 = arith.index_cast %add3A_460 : i32 to index
          %swap3A_462 = tpu.vector_load %arg14[%swap3A_461] {strides = array<i32>} : memref<40960xf32, #tpu.memory_space<vmem>>, vector<16xf32>,
          tpu.vector_store %arg14[%swap3A_461], %while3A_290 {strides = array<i32>} : memref<40960xf32, #tpu.memory_space<vmem>>, vector<16xf32>,
          %add3A_463 = arith.constant 80 : i32
          %add3A_464 = arith.addi %mul3A_423, %add3A_463 : i32
          %swap3A_465 = arith.index_cast %add3A_464 : i32 to index
          %swap3A_466 = tpu.vector_load %arg15[%swap3A_465] {strides = array<i32>} : memref<40960xf32, #tpu.memory_space<vmem>>, vector<16xf32>,
          tpu.vector_store %arg15[%swap3A_465], %while3A_283 {strides = array<i32>} : memref<40960xf32, #tpu.memory_space<vmem>>, vector<16xf32>,
          %add3A_467 = arith.constant 80 : i32
          %add3A_468 = arith.addi %mul3A_423, %add3A_467 : i32
          %swap3A_469 = arith.index_cast %add3A_468 : i32 to index
          %swap3A_470 = tpu.vector_load %arg14[%swap3A_469] {strides = array<i32>} : memref<40960xf32, #tpu.memory_space<vmem>>, vector<16xf32>,
          tpu.vector_store %arg14[%swap3A_469], %while3A_291 {strides = array<i32>} : memref<40960xf32, #tpu.memory_space<vmem>>, vector<16xf32>,
          %add3A_471 = arith.constant 96 : i32
          %add3A_472 = arith.addi %mul3A_423, %add3A_471 : i32
          %swap3A_473 = arith.index_cast %add3A_472 : i32 to index
          %swap3A_474 = tpu.vector_load %arg15[%swap3A_473] {strides = array<i32>} : memref<40960xf32, #tpu.memory_space<vmem>>, vector<16xf32>,
          tpu.vector_store %arg15[%swap3A_473], %while3A_284 {strides = array<i32>} : memref<40960xf32, #tpu.memory_space<vmem>>, vector<16xf32>,
          %add3A_475 = arith.constant 96 : i32
          %add3A_476 = arith.addi %mul3A_423, %add3A_475 : i32
          %swap3A_477 = arith.index_cast %add3A_476 : i32 to index
          %swap3A_478 = tpu.vector_load %arg14[%swap3A_477] {strides = array<i32>} : memref<40960xf32, #tpu.memory_space<vmem>>, vector<16xf32>,
          tpu.vector_store %arg14[%swap3A_477], %while3A_292 {strides = array<i32>} : memref<40960xf32, #tpu.memory_space<vmem>>, vector<16xf32>,
          %add3A_479 = arith.constant 112 : i32
          %add3A_480 = arith.addi %mul3A_423, %add3A_479 : i32
          %swap3A_481 = arith.index_cast %add3A_480 : i32 to index
          %swap3A_482 = tpu.vector_load %arg15[%swap3A_481] {strides = array<i32>} : memref<40960xf32, #tpu.memory_space<vmem>>, vector<16xf32>,
          tpu.vector_store %arg15[%swap3A_481], %while3A_285 {strides = array<i32>} : memref<40960xf32, #tpu.memory_space<vmem>>, vector<16xf32>,
          %add3A_483 = arith.constant 112 : i32
          %add3A_484 = arith.addi %mul3A_423, %add3A_483 : i32
          %swap3A_485 = arith.index_cast %add3A_484 : i32 to index
          %swap3A_486 = tpu.vector_load %arg14[%swap3A_485] {strides = array<i32>} : memref<40960xf32, #tpu.memory_space<vmem>>, vector<16xf32>,
          tpu.vector_store %arg14[%swap3A_485], %while3A_293 {strides = array<i32>} : memref<40960xf32, #tpu.memory_space<vmem>>, vector<16xf32>,
        } else {
        }
        %jit3A_305 = arith.constant 0.000000e+00 : f32
        %jit3A_306 = arith.constant 1.000000e+00 : f32
        %select_n3A_307 = arith.select %ne3A_298, %jit3A_305, %jit3A_306 : f32
        %broadcast_in_dim3A_308 = vector.broadcast %select_n3A_307 : f32 to vector<16xf32>
        %get3A_309 = arith.constant 0 : i32
        %get3A_310 = tpu.memref_slice %arg11[%while3A_276, %get3A_309] : memref<160x128xf32, #tpu.memory_space<vmem>> -> memref<1x128xf32, #tpu.memory_space<vmem>>
        %get3A_311 = tpu.memref_squeeze %get3A_310 : memref<1x128xf32, #tpu.memory_space<vmem>> -> memref<128xf32, #tpu.memory_space<vmem>>
        %get3A_312 = arith.constant 0 : index
        %get3A_313 = tpu.vector_load %get3A_311[%get3A_312] {strides = array<i32>} : memref<128xf32, #tpu.memory_space<vmem>>, vector<16xf32>,
        %mul3A_314 = arith.mulf %get3A_313, %get3A_69 : vector<16xf32>
        %add3A_315 = arith.addf %mul3A_314, %get3A_85 : vector<16xf32>
        %max3A_316 = arith.constant 0.000000e+00 : f32
        %max3A_317 = vector.broadcast %max3A_316 : f32 to vector<16xf32>
        %max3A_318 = arith.maximumf %add3A_315, %max3A_317 : vector<16xf32>
        %mul3A_319 = arith.mulf %while3A_278, %broadcast_in_dim3A_308 : vector<16xf32>
        %add3A_320 = arith.addf %mul3A_319, %max3A_318 : vector<16xf32>
        %mul3A_321 = arith.mulf %while3A_286, %broadcast_in_dim3A_308 : vector<16xf32>
        %max3A_322 = arith.maximumf %mul3A_321, %max3A_318 : vector<16xf32>
        %get3A_323 = arith.constant 0 : i32
        %get3A_324 = tpu.memref_slice %arg11[%while3A_276, %get3A_323] : memref<160x128xf32, #tpu.memory_space<vmem>> -> memref<1x128xf32, #tpu.memory_space<vmem>>
        %get3A_325 = tpu.memref_squeeze %get3A_324 : memref<1x128xf32, #tpu.memory_space<vmem>> -> memref<128xf32, #tpu.memory_space<vmem>>
        %get3A_326 = arith.constant 16 : index
        %get3A_327 = tpu.vector_load %get3A_325[%get3A_326] {strides = array<i32>} : memref<128xf32, #tpu.memory_space<vmem>>, vector<16xf32>,
        %mul3A_328 = arith.mulf %get3A_327, %get3A_71 : vector<16xf32>
        %add3A_329 = arith.addf %mul3A_328, %get3A_87 : vector<16xf32>
        %max3A_330 = arith.constant 0.000000e+00 : f32
        %max3A_331 = vector.broadcast %max3A_330 : f32 to vector<16xf32>
        %max3A_332 = arith.maximumf %add3A_329, %max3A_331 : vector<16xf32>
        %mul3A_333 = arith.mulf %while3A_279, %broadcast_in_dim3A_308 : vector<16xf32>
        %add3A_334 = arith.addf %mul3A_333, %max3A_332 : vector<16xf32>
        %mul3A_335 = arith.mulf %while3A_287, %broadcast_in_dim3A_308 : vector<16xf32>
        %max3A_336 = arith.maximumf %mul3A_335, %max3A_332 : vector<16xf32>
        %get3A_337 = arith.constant 0 : i32
        %get3A_338 = tpu.memref_slice %arg11[%while3A_276, %get3A_337] : memref<160x128xf32, #tpu.memory_space<vmem>> -> memref<1x128xf32, #tpu.memory_space<vmem>>
        %get3A_339 = tpu.memref_squeeze %get3A_338 : memref<1x128xf32, #tpu.memory_space<vmem>> -> memref<128xf32, #tpu.memory_space<vmem>>
        %get3A_340 = arith.constant 32 : index
        %get3A_341 = tpu.vector_load %get3A_339[%get3A_340] {strides = array<i32>} : memref<128xf32, #tpu.memory_space<vmem>>, vector<16xf32>,
        %mul3A_342 = arith.mulf %get3A_341, %get3A_73 : vector<16xf32>
        %add3A_343 = arith.addf %mul3A_342, %get3A_89 : vector<16xf32>
        %max3A_344 = arith.constant 0.000000e+00 : f32
        %max3A_345 = vector.broadcast %max3A_344 : f32 to vector<16xf32>
        %max3A_346 = arith.maximumf %add3A_343, %max3A_345 : vector<16xf32>
        %mul3A_347 = arith.mulf %while3A_280, %broadcast_in_dim3A_308 : vector<16xf32>
        %add3A_348 = arith.addf %mul3A_347, %max3A_346 : vector<16xf32>
        %mul3A_349 = arith.mulf %while3A_288, %broadcast_in_dim3A_308 : vector<16xf32>
        %max3A_350 = arith.maximumf %mul3A_349, %max3A_346 : vector<16xf32>
        %get3A_351 = arith.constant 0 : i32
        %get3A_352 = tpu.memref_slice %arg11[%while3A_276, %get3A_351] : memref<160x128xf32, #tpu.memory_space<vmem>> -> memref<1x128xf32, #tpu.memory_space<vmem>>
        %get3A_353 = tpu.memref_squeeze %get3A_352 : memref<1x128xf32, #tpu.memory_space<vmem>> -> memref<128xf32, #tpu.memory_space<vmem>>
        %get3A_354 = arith.constant 48 : index
        %get3A_355 = tpu.vector_load %get3A_353[%get3A_354] {strides = array<i32>} : memref<128xf32, #tpu.memory_space<vmem>>, vector<16xf32>,
        %mul3A_356 = arith.mulf %get3A_355, %get3A_75 : vector<16xf32>
        %add3A_357 = arith.addf %mul3A_356, %get3A_91 : vector<16xf32>
        %max3A_358 = arith.constant 0.000000e+00 : f32
        %max3A_359 = vector.broadcast %max3A_358 : f32 to vector<16xf32>
        %max3A_360 = arith.maximumf %add3A_357, %max3A_359 : vector<16xf32>
        %mul3A_361 = arith.mulf %while3A_281, %broadcast_in_dim3A_308 : vector<16xf32>
        %add3A_362 = arith.addf %mul3A_361, %max3A_360 : vector<16xf32>
        %mul3A_363 = arith.mulf %while3A_289, %broadcast_in_dim3A_308 : vector<16xf32>
        %max3A_364 = arith.maximumf %mul3A_363, %max3A_360 : vector<16xf32>
        %get3A_365 = arith.constant 0 : i32
        %get3A_366 = tpu.memref_slice %arg11[%while3A_276, %get3A_365] : memref<160x128xf32, #tpu.memory_space<vmem>> -> memref<1x128xf32, #tpu.memory_space<vmem>>
        %get3A_367 = tpu.memref_squeeze %get3A_366 : memref<1x128xf32, #tpu.memory_space<vmem>> -> memref<128xf32, #tpu.memory_space<vmem>>
        %get3A_368 = arith.constant 64 : index
        %get3A_369 = tpu.vector_load %get3A_367[%get3A_368] {strides = array<i32>} : memref<128xf32, #tpu.memory_space<vmem>>, vector<16xf32>,
        %mul3A_370 = arith.mulf %get3A_369, %get3A_77 : vector<16xf32>
        %add3A_371 = arith.addf %mul3A_370, %get3A_93 : vector<16xf32>
        %max3A_372 = arith.constant 0.000000e+00 : f32
        %max3A_373 = vector.broadcast %max3A_372 : f32 to vector<16xf32>
        %max3A_374 = arith.maximumf %add3A_371, %max3A_373 : vector<16xf32>
        %mul3A_375 = arith.mulf %while3A_282, %broadcast_in_dim3A_308 : vector<16xf32>
        %add3A_376 = arith.addf %mul3A_375, %max3A_374 : vector<16xf32>
        %mul3A_377 = arith.mulf %while3A_290, %broadcast_in_dim3A_308 : vector<16xf32>
        %max3A_378 = arith.maximumf %mul3A_377, %max3A_374 : vector<16xf32>
        %get3A_379 = arith.constant 0 : i32
        %get3A_380 = tpu.memref_slice %arg11[%while3A_276, %get3A_379] : memref<160x128xf32, #tpu.memory_space<vmem>> -> memref<1x128xf32, #tpu.memory_space<vmem>>
        %get3A_381 = tpu.memref_squeeze %get3A_380 : memref<1x128xf32, #tpu.memory_space<vmem>> -> memref<128xf32, #tpu.memory_space<vmem>>
        %get3A_382 = arith.constant 80 : index
        %get3A_383 = tpu.vector_load %get3A_381[%get3A_382] {strides = array<i32>} : memref<128xf32, #tpu.memory_space<vmem>>, vector<16xf32>,
        %mul3A_384 = arith.mulf %get3A_383, %get3A_79 : vector<16xf32>
        %add3A_385 = arith.addf %mul3A_384, %get3A_95 : vector<16xf32>
        %max3A_386 = arith.constant 0.000000e+00 : f32
        %max3A_387 = vector.broadcast %max3A_386 : f32 to vector<16xf32>
        %max3A_388 = arith.maximumf %add3A_385, %max3A_387 : vector<16xf32>
        %mul3A_389 = arith.mulf %while3A_283, %broadcast_in_dim3A_308 : vector<16xf32>
        %add3A_390 = arith.addf %mul3A_389, %max3A_388 : vector<16xf32>
        %mul3A_391 = arith.mulf %while3A_291, %broadcast_in_dim3A_308 : vector<16xf32>
        %max3A_392 = arith.maximumf %mul3A_391, %max3A_388 : vector<16xf32>
        %get3A_393 = arith.constant 0 : i32
        %get3A_394 = tpu.memref_slice %arg11[%while3A_276, %get3A_393] : memref<160x128xf32, #tpu.memory_space<vmem>> -> memref<1x128xf32, #tpu.memory_space<vmem>>
        %get3A_395 = tpu.memref_squeeze %get3A_394 : memref<1x128xf32, #tpu.memory_space<vmem>> -> memref<128xf32, #tpu.memory_space<vmem>>
        %get3A_396 = arith.constant 96 : index
        %get3A_397 = tpu.vector_load %get3A_395[%get3A_396] {strides = array<i32>} : memref<128xf32, #tpu.memory_space<vmem>>, vector<16xf32>,
        %mul3A_398 = arith.mulf %get3A_397, %get3A_81 : vector<16xf32>
        %add3A_399 = arith.addf %mul3A_398, %get3A_97 : vector<16xf32>
        %max3A_400 = arith.constant 0.000000e+00 : f32
        %max3A_401 = vector.broadcast %max3A_400 : f32 to vector<16xf32>
        %max3A_402 = arith.maximumf %add3A_399, %max3A_401 : vector<16xf32>
        %mul3A_403 = arith.mulf %while3A_284, %broadcast_in_dim3A_308 : vector<16xf32>
        %add3A_404 = arith.addf %mul3A_403, %max3A_402 : vector<16xf32>
        %mul3A_405 = arith.mulf %while3A_292, %broadcast_in_dim3A_308 : vector<16xf32>
        %max3A_406 = arith.maximumf %mul3A_405, %max3A_402 : vector<16xf32>
        %get3A_407 = arith.constant 0 : i32
        %get3A_408 = tpu.memref_slice %arg11[%while3A_276, %get3A_407] : memref<160x128xf32, #tpu.memory_space<vmem>> -> memref<1x128xf32, #tpu.memory_space<vmem>>
        %get3A_409 = tpu.memref_squeeze %get3A_408 : memref<1x128xf32, #tpu.memory_space<vmem>> -> memref<128xf32, #tpu.memory_space<vmem>>
        %get3A_410 = arith.constant 112 : index
        %get3A_411 = tpu.vector_load %get3A_409[%get3A_410] {strides = array<i32>} : memref<128xf32, #tpu.memory_space<vmem>>, vector<16xf32>,
        %mul3A_412 = arith.mulf %get3A_411, %get3A_83 : vector<16xf32>
        %add3A_413 = arith.addf %mul3A_412, %get3A_99 : vector<16xf32>
        %max3A_414 = arith.constant 0.000000e+00 : f32
        %max3A_415 = vector.broadcast %max3A_414 : f32 to vector<16xf32>
        %max3A_416 = arith.maximumf %add3A_413, %max3A_415 : vector<16xf32>
        %mul3A_417 = arith.mulf %while3A_285, %broadcast_in_dim3A_308 : vector<16xf32>
        %add3A_418 = arith.addf %mul3A_417, %max3A_416 : vector<16xf32>
        %mul3A_419 = arith.mulf %while3A_293, %broadcast_in_dim3A_308 : vector<16xf32>
        %max3A_420 = arith.maximumf %mul3A_419, %max3A_416 : vector<16xf32>
        scf.yield %squeeze3A_297, %add3A_320, %add3A_334, %add3A_348, %add3A_362, %add3A_376, %add3A_390, %add3A_404, %add3A_418, %max3A_322, %max3A_336, %max3A_350, %max3A_364, %max3A_378, %max3A_392, %max3A_406, %max3A_420 : i32, vector<16xf32>, vector<16xf32>, vector<16xf32>, vector<16xf32>, vector<16xf32>, vector<16xf32>, vector<16xf32>, vector<16xf32>, vector<16xf32>, vector<16xf32>, vector<16xf32>, vector<16xf32>, vector<16xf32>, vector<16xf32>, vector<16xf32>, vector<16xf32>
      }
      scf.yield %while3A_275#0, %while3A_275#1, %while3A_275#2, %while3A_275#3, %while3A_275#4, %while3A_275#5, %while3A_275#6, %while3A_275#7, %while3A_275#8, %while3A_275#9, %while3A_275#10, %while3A_275#11, %while3A_275#12, %while3A_275#13, %while3A_275#14, %while3A_275#15, %while3A_275#16 : i32, vector<16xf32>, vector<16xf32>, vector<16xf32>, vector<16xf32>, vector<16xf32>, vector<16xf32>, vector<16xf32>, vector<16xf32>, vector<16xf32>, vector<16xf32>, vector<16xf32>, vector<16xf32>, vector<16xf32>, vector<16xf32>, vector<16xf32>, vector<16xf32>
    }
    %while3A_135 = arith.constant 1 : i32
    %while3A_136:17 = scf.for %while3A_156 = %while3A_132 to %while3A_128 step %while3A_135 iter_args(%while3A_157 = %while3A_134#0, %while3A_158 = %while3A_134#1, %while3A_159 = %while3A_134#2, %while3A_160 = %while3A_134#3, %while3A_161 = %while3A_134#4, %while3A_162 = %while3A_134#5, %while3A_163 = %while3A_134#6, %while3A_164 = %while3A_134#7, %while3A_165 = %while3A_134#8, %while3A_166 = %while3A_134#9, %while3A_167 = %while3A_134#10, %while3A_168 = %while3A_134#11, %while3A_169 = %while3A_134#12, %while3A_170 = %while3A_134#13, %while3A_171 = %while3A_134#14, %while3A_172 = %while3A_134#15, %while3A_173 = %while3A_134#16) -> (i32, vector<16xf32>, vector<16xf32>, vector<16xf32>, vector<16xf32>, vector<16xf32>, vector<16xf32>, vector<16xf32>, vector<16xf32>, vector<16xf32>, vector<16xf32>, vector<16xf32>, vector<16xf32>, vector<16xf32>, vector<16xf32>, vector<16xf32>, vector<16xf32>)  : i32 {
      %mul3A_174 = arith.constant 2 : i32
      %mul3A_175 = arith.muli %mul3A_174, %while3A_156 : i32
      %add3A_176 = arith.addi %select_n3A, %mul3A_175 : i32
      %add3A_177 = arith.constant 1 : i32
      %add3A_178 = arith.addi %add3A_176, %add3A_177 : i32
      %mul3A_179 = arith.constant 160 : i32
      %mul3A_180 = arith.muli %add3A_178, %mul3A_179 : i32
      %min3A_181 = arith.constant 319840 : i32
      %min3A_182 = arith.minsi %mul3A_180, %min3A_181 : i32
      %dma_start3A_183 = arith.constant 0 : i32
      %dma_start3A_184 = tpu.memref_slice %arg2[%min3A_182, %dma_start3A_183] : memref<320000x128xf32, #tpu.memory_space<hbm>> -> memref<160x128xf32, #tpu.memory_space<hbm>>
      %dma_start3A_185 = arith.constant 0 : i32
      %dma_start3A_186 = tpu.memref_slice %arg2[%min3A_182, %dma_start3A_185] : memref<320000x128xf32, #tpu.memory_space<hbm>> -> memref<160x128xf32, #tpu.memory_space<hbm>>
      tpu.enqueue_dma source(%dma_start3A_186 : memref<160x128xf32, #tpu.memory_space<hbm>>) target(%arg11 : memref<160x128xf32, #tpu.memory_space<vmem>>) target_semaphore(%arg17 : memref<!tpu.dma_semaphore, #tpu.memory_space<semaphore_mem>>)
      %dma_start3A_187 = arith.constant 0 : i32
      %dma_start3A_188 = tpu.memref_slice %arg13[%dma_start3A_187] : memref<176xi32, #tpu.memory_space<vmem>> -> memref<160xi32, #tpu.memory_space<vmem>>
      %dma_start3A_189 = tpu.memref_slice %arg3[%min3A_182] : memref<320000xi32, #tpu.memory_space<hbm>> -> memref<160xi32, #tpu.memory_space<hbm>>
      %dma_start3A_190 = arith.constant 0 : i32
      %dma_start3A_191 = tpu.memref_slice %arg13[%dma_start3A_190] : memref<176xi32, #tpu.memory_space<vmem>> -> memref<160xi32, #tpu.memory_space<vmem>>
      %dma_start3A_192 = tpu.memref_slice %arg3[%min3A_182] : memref<320000xi32, #tpu.memory_space<hbm>> -> memref<160xi32, #tpu.memory_space<hbm>>
      tpu.enqueue_dma source(%dma_start3A_192 : memref<160xi32, #tpu.memory_space<hbm>>) target(%dma_start3A_191 : memref<160xi32, #tpu.memory_space<vmem>>) target_semaphore(%arg19 : memref<!tpu.dma_semaphore, #tpu.memory_space<semaphore_mem>>)
      %dma_wait3A_193 = arith.constant 0 : i32
      %dma_wait3A_194 = arith.constant 0 : i32
      %dma_wait3A_195 = tpu.memref_slice %arg2[%dma_wait3A_193, %dma_wait3A_194] : memref<320000x128xf32, #tpu.memory_space<hbm>> -> memref<160x128xf32, #tpu.memory_space<hbm>>
      %dma_wait3A_196 = arith.constant 0 : i32
      %dma_wait3A_197 = arith.constant 0 : i32
      %dma_wait3A_198 = tpu.memref_slice %arg2[%dma_wait3A_196, %dma_wait3A_197] : memref<320000x128xf32, #tpu.memory_space<hbm>> -> memref<160x128xf32, #tpu.memory_space<hbm>>
      tpu.wait_dma2 semaphore(%arg16 : memref<!tpu.dma_semaphore, #tpu.memory_space<semaphore_mem>>) src(%dma_wait3A_198 : memref<160x128xf32, #tpu.memory_space<hbm>>) dst(%arg10 : memref<160x128xf32, #tpu.memory_space<vmem>>)
      %dma_wait3A_199 = arith.constant 0 : i32
      %dma_wait3A_200 = tpu.memref_slice %arg12[%dma_wait3A_199] : memref<176xi32, #tpu.memory_space<vmem>> -> memref<160xi32, #tpu.memory_space<vmem>>
      %dma_wait3A_201 = arith.constant 0 : i32
      %dma_wait3A_202 = tpu.memref_slice %arg3[%dma_wait3A_201] : memref<320000xi32, #tpu.memory_space<hbm>> -> memref<160xi32, #tpu.memory_space<hbm>>
      %dma_wait3A_203 = arith.constant 0 : i32
      %dma_wait3A_204 = tpu.memref_slice %arg12[%dma_wait3A_203] : memref<176xi32, #tpu.memory_space<vmem>> -> memref<160xi32, #tpu.memory_space<vmem>>
      %dma_wait3A_205 = arith.constant 0 : i32
      %dma_wait3A_206 = tpu.memref_slice %arg3[%dma_wait3A_205] : memref<320000xi32, #tpu.memory_space<hbm>> -> memref<160xi32, #tpu.memory_space<hbm>>
      tpu.wait_dma2 semaphore(%arg18 : memref<!tpu.dma_semaphore, #tpu.memory_space<semaphore_mem>>) src(%dma_wait3A_206 : memref<160xi32, #tpu.memory_space<hbm>>) dst(%dma_wait3A_204 : memref<160xi32, #tpu.memory_space<vmem>>)
      %mul3A_207 = arith.constant 160 : i32
      %mul3A_208 = arith.muli %add3A_176, %mul3A_207 : i32
      %sub3A_209 = arith.subi %squeeze3A, %mul3A_208 : i32
      %max3A = arith.constant 0 : i32
      %max3A_210 = arith.maxsi %sub3A_209, %max3A : i32
      %sub3A_211 = arith.subi %squeeze3A_5, %mul3A_208 : i32
      %min3A_212 = arith.constant 160 : i32
      %min3A_213 = arith.minsi %sub3A_211, %min3A_212 : i32
      %max3A_214 = arith.maxsi %min3A_213, %max3A_210 : i32
      %while3A_215 = arith.subi %max3A_214, %max3A_210 : i32
      %while3A_216 = arith.addi %max3A_210, %while3A_215 : i32
      %while3A_217 = arith.constant 1 : i32
      %while3A_218 = arith.divsi %while3A_215, %while3A_217 : i32
      %while3A_219 = arith.muli %while3A_218, %while3A_217 : i32
      %while3A_220 = arith.addi %max3A_210, %while3A_219 : i32
      %while3A_221 = arith.constant 1 : i32
      %while3A_222:17 = scf.for %while3A_276 = %max3A_210 to %while3A_220 step %while3A_221 iter_args(%while3A_277 = %while3A_157, %while3A_278 = %while3A_158, %while3A_279 = %while3A_159, %while3A_280 = %while3A_160, %while3A_281 = %while3A_161, %while3A_282 = %while3A_162, %while3A_283 = %while3A_163, %while3A_284 = %while3A_164, %while3A_285 = %while3A_165, %while3A_286 = %while3A_166, %while3A_287 = %while3A_167, %while3A_288 = %while3A_168, %while3A_289 = %while3A_169, %while3A_290 = %while3A_170, %while3A_291 = %while3A_171, %while3A_292 = %while3A_172, %while3A_293 = %while3A_173) -> (i32, vector<16xf32>, vector<16xf32>, vector<16xf32>, vector<16xf32>, vector<16xf32>, vector<16xf32>, vector<16xf32>, vector<16xf32>, vector<16xf32>, vector<16xf32>, vector<16xf32>, vector<16xf32>, vector<16xf32>, vector<16xf32>, vector<16xf32>, vector<16xf32>)  : i32 {
        %get3A_294 = arith.index_cast %while3A_276 : i32 to index
        %get3A_295 = tpu.vector_load %arg12[%get3A_294] {strides = array<i32>} : memref<176xi32, #tpu.memory_space<vmem>>, vector<16xi32>,
        %slice3A_296 = vector.extract_strided_slice %get3A_295 {offsets = [0], sizes = [1], strides = [1]} : vector<16xi32> to vector<1xi32>
        %squeeze3A_297 = vector.extract %slice3A_296[0] : i32 from vector<1xi32>
        %ne3A_298 = arith.cmpi ne, %squeeze3A_297, %while3A_277 : i32
        %ge3A_299 = arith.constant 0 : i32
        %ge3A_300 = arith.cmpi sge, %while3A_277, %ge3A_299 : i32
        %and3A_301 = arith.andi %ne3A_298, %ge3A_300 : i1
        %convert_element_type3A_302 = arith.extui %and3A_301 : i1 to i32
        %cond3A_303 = arith.constant 0 : i32
        %cond3A_304 = arith.cmpi ne, %convert_element_type3A_302, %cond3A_303 : i32
        scf.if %cond3A_304 {
          %sub3A_421 = arith.subi %while3A_277, %mul3A_2 : i32
          %mul3A_422 = arith.constant 128 : i32
          %mul3A_423 = arith.muli %sub3A_421, %mul3A_422 : i32
          %add3A_424 = arith.constant 0 : i32
          %add3A_425 = arith.addi %mul3A_423, %add3A_424 : i32
          %swap3A = arith.index_cast %add3A_425 : i32 to index
          %swap3A_426 = tpu.vector_load %arg15[%swap3A] {strides = array<i32>} : memref<40960xf32, #tpu.memory_space<vmem>>, vector<16xf32>,
          tpu.vector_store %arg15[%swap3A], %while3A_278 {strides = array<i32>} : memref<40960xf32, #tpu.memory_space<vmem>>, vector<16xf32>,
          %add3A_427 = arith.constant 0 : i32
          %add3A_428 = arith.addi %mul3A_423, %add3A_427 : i32
          %swap3A_429 = arith.index_cast %add3A_428 : i32 to index
          %swap3A_430 = tpu.vector_load %arg14[%swap3A_429] {strides = array<i32>} : memref<40960xf32, #tpu.memory_space<vmem>>, vector<16xf32>,
          tpu.vector_store %arg14[%swap3A_429], %while3A_286 {strides = array<i32>} : memref<40960xf32, #tpu.memory_space<vmem>>, vector<16xf32>,
          %add3A_431 = arith.constant 16 : i32
          %add3A_432 = arith.addi %mul3A_423, %add3A_431 : i32
          %swap3A_433 = arith.index_cast %add3A_432 : i32 to index
          %swap3A_434 = tpu.vector_load %arg15[%swap3A_433] {strides = array<i32>} : memref<40960xf32, #tpu.memory_space<vmem>>, vector<16xf32>,
          tpu.vector_store %arg15[%swap3A_433], %while3A_279 {strides = array<i32>} : memref<40960xf32, #tpu.memory_space<vmem>>, vector<16xf32>,
          %add3A_435 = arith.constant 16 : i32
          %add3A_436 = arith.addi %mul3A_423, %add3A_435 : i32
          %swap3A_437 = arith.index_cast %add3A_436 : i32 to index
          %swap3A_438 = tpu.vector_load %arg14[%swap3A_437] {strides = array<i32>} : memref<40960xf32, #tpu.memory_space<vmem>>, vector<16xf32>,
          tpu.vector_store %arg14[%swap3A_437], %while3A_287 {strides = array<i32>} : memref<40960xf32, #tpu.memory_space<vmem>>, vector<16xf32>,
          %add3A_439 = arith.constant 32 : i32
          %add3A_440 = arith.addi %mul3A_423, %add3A_439 : i32
          %swap3A_441 = arith.index_cast %add3A_440 : i32 to index
          %swap3A_442 = tpu.vector_load %arg15[%swap3A_441] {strides = array<i32>} : memref<40960xf32, #tpu.memory_space<vmem>>, vector<16xf32>,
          tpu.vector_store %arg15[%swap3A_441], %while3A_280 {strides = array<i32>} : memref<40960xf32, #tpu.memory_space<vmem>>, vector<16xf32>,
          %add3A_443 = arith.constant 32 : i32
          %add3A_444 = arith.addi %mul3A_423, %add3A_443 : i32
          %swap3A_445 = arith.index_cast %add3A_444 : i32 to index
          %swap3A_446 = tpu.vector_load %arg14[%swap3A_445] {strides = array<i32>} : memref<40960xf32, #tpu.memory_space<vmem>>, vector<16xf32>,
          tpu.vector_store %arg14[%swap3A_445], %while3A_288 {strides = array<i32>} : memref<40960xf32, #tpu.memory_space<vmem>>, vector<16xf32>,
          %add3A_447 = arith.constant 48 : i32
          %add3A_448 = arith.addi %mul3A_423, %add3A_447 : i32
          %swap3A_449 = arith.index_cast %add3A_448 : i32 to index
          %swap3A_450 = tpu.vector_load %arg15[%swap3A_449] {strides = array<i32>} : memref<40960xf32, #tpu.memory_space<vmem>>, vector<16xf32>,
          tpu.vector_store %arg15[%swap3A_449], %while3A_281 {strides = array<i32>} : memref<40960xf32, #tpu.memory_space<vmem>>, vector<16xf32>,
          %add3A_451 = arith.constant 48 : i32
          %add3A_452 = arith.addi %mul3A_423, %add3A_451 : i32
          %swap3A_453 = arith.index_cast %add3A_452 : i32 to index
          %swap3A_454 = tpu.vector_load %arg14[%swap3A_453] {strides = array<i32>} : memref<40960xf32, #tpu.memory_space<vmem>>, vector<16xf32>,
          tpu.vector_store %arg14[%swap3A_453], %while3A_289 {strides = array<i32>} : memref<40960xf32, #tpu.memory_space<vmem>>, vector<16xf32>,
          %add3A_455 = arith.constant 64 : i32
          %add3A_456 = arith.addi %mul3A_423, %add3A_455 : i32
          %swap3A_457 = arith.index_cast %add3A_456 : i32 to index
          %swap3A_458 = tpu.vector_load %arg15[%swap3A_457] {strides = array<i32>} : memref<40960xf32, #tpu.memory_space<vmem>>, vector<16xf32>,
          tpu.vector_store %arg15[%swap3A_457], %while3A_282 {strides = array<i32>} : memref<40960xf32, #tpu.memory_space<vmem>>, vector<16xf32>,
          %add3A_459 = arith.constant 64 : i32
          %add3A_460 = arith.addi %mul3A_423, %add3A_459 : i32
          %swap3A_461 = arith.index_cast %add3A_460 : i32 to index
          %swap3A_462 = tpu.vector_load %arg14[%swap3A_461] {strides = array<i32>} : memref<40960xf32, #tpu.memory_space<vmem>>, vector<16xf32>,
          tpu.vector_store %arg14[%swap3A_461], %while3A_290 {strides = array<i32>} : memref<40960xf32, #tpu.memory_space<vmem>>, vector<16xf32>,
          %add3A_463 = arith.constant 80 : i32
          %add3A_464 = arith.addi %mul3A_423, %add3A_463 : i32
          %swap3A_465 = arith.index_cast %add3A_464 : i32 to index
          %swap3A_466 = tpu.vector_load %arg15[%swap3A_465] {strides = array<i32>} : memref<40960xf32, #tpu.memory_space<vmem>>, vector<16xf32>,
          tpu.vector_store %arg15[%swap3A_465], %while3A_283 {strides = array<i32>} : memref<40960xf32, #tpu.memory_space<vmem>>, vector<16xf32>,
          %add3A_467 = arith.constant 80 : i32
          %add3A_468 = arith.addi %mul3A_423, %add3A_467 : i32
          %swap3A_469 = arith.index_cast %add3A_468 : i32 to index
          %swap3A_470 = tpu.vector_load %arg14[%swap3A_469] {strides = array<i32>} : memref<40960xf32, #tpu.memory_space<vmem>>, vector<16xf32>,
          tpu.vector_store %arg14[%swap3A_469], %while3A_291 {strides = array<i32>} : memref<40960xf32, #tpu.memory_space<vmem>>, vector<16xf32>,
          %add3A_471 = arith.constant 96 : i32
          %add3A_472 = arith.addi %mul3A_423, %add3A_471 : i32
          %swap3A_473 = arith.index_cast %add3A_472 : i32 to index
          %swap3A_474 = tpu.vector_load %arg15[%swap3A_473] {strides = array<i32>} : memref<40960xf32, #tpu.memory_space<vmem>>, vector<16xf32>,
          tpu.vector_store %arg15[%swap3A_473], %while3A_284 {strides = array<i32>} : memref<40960xf32, #tpu.memory_space<vmem>>, vector<16xf32>,
          %add3A_475 = arith.constant 96 : i32
          %add3A_476 = arith.addi %mul3A_423, %add3A_475 : i32
          %swap3A_477 = arith.index_cast %add3A_476 : i32 to index
          %swap3A_478 = tpu.vector_load %arg14[%swap3A_477] {strides = array<i32>} : memref<40960xf32, #tpu.memory_space<vmem>>, vector<16xf32>,
          tpu.vector_store %arg14[%swap3A_477], %while3A_292 {strides = array<i32>} : memref<40960xf32, #tpu.memory_space<vmem>>, vector<16xf32>,
          %add3A_479 = arith.constant 112 : i32
          %add3A_480 = arith.addi %mul3A_423, %add3A_479 : i32
          %swap3A_481 = arith.index_cast %add3A_480 : i32 to index
          %swap3A_482 = tpu.vector_load %arg15[%swap3A_481] {strides = array<i32>} : memref<40960xf32, #tpu.memory_space<vmem>>, vector<16xf32>,
          tpu.vector_store %arg15[%swap3A_481], %while3A_285 {strides = array<i32>} : memref<40960xf32, #tpu.memory_space<vmem>>, vector<16xf32>,
          %add3A_483 = arith.constant 112 : i32
          %add3A_484 = arith.addi %mul3A_423, %add3A_483 : i32
          %swap3A_485 = arith.index_cast %add3A_484 : i32 to index
          %swap3A_486 = tpu.vector_load %arg14[%swap3A_485] {strides = array<i32>} : memref<40960xf32, #tpu.memory_space<vmem>>, vector<16xf32>,
          tpu.vector_store %arg14[%swap3A_485], %while3A_293 {strides = array<i32>} : memref<40960xf32, #tpu.memory_space<vmem>>, vector<16xf32>,
        } else {
        }
        %jit3A_305 = arith.constant 0.000000e+00 : f32
        %jit3A_306 = arith.constant 1.000000e+00 : f32
        %select_n3A_307 = arith.select %ne3A_298, %jit3A_305, %jit3A_306 : f32
        %broadcast_in_dim3A_308 = vector.broadcast %select_n3A_307 : f32 to vector<16xf32>
        %get3A_309 = arith.constant 0 : i32
        %get3A_310 = tpu.memref_slice %arg10[%while3A_276, %get3A_309] : memref<160x128xf32, #tpu.memory_space<vmem>> -> memref<1x128xf32, #tpu.memory_space<vmem>>
        %get3A_311 = tpu.memref_squeeze %get3A_310 : memref<1x128xf32, #tpu.memory_space<vmem>> -> memref<128xf32, #tpu.memory_space<vmem>>
        %get3A_312 = arith.constant 0 : index
        %get3A_313 = tpu.vector_load %get3A_311[%get3A_312] {strides = array<i32>} : memref<128xf32, #tpu.memory_space<vmem>>, vector<16xf32>,
        %mul3A_314 = arith.mulf %get3A_313, %get3A_69 : vector<16xf32>
        %add3A_315 = arith.addf %mul3A_314, %get3A_85 : vector<16xf32>
        %max3A_316 = arith.constant 0.000000e+00 : f32
        %max3A_317 = vector.broadcast %max3A_316 : f32 to vector<16xf32>
        %max3A_318 = arith.maximumf %add3A_315, %max3A_317 : vector<16xf32>
        %mul3A_319 = arith.mulf %while3A_278, %broadcast_in_dim3A_308 : vector<16xf32>
        %add3A_320 = arith.addf %mul3A_319, %max3A_318 : vector<16xf32>
        %mul3A_321 = arith.mulf %while3A_286, %broadcast_in_dim3A_308 : vector<16xf32>
        %max3A_322 = arith.maximumf %mul3A_321, %max3A_318 : vector<16xf32>
        %get3A_323 = arith.constant 0 : i32
        %get3A_324 = tpu.memref_slice %arg10[%while3A_276, %get3A_323] : memref<160x128xf32, #tpu.memory_space<vmem>> -> memref<1x128xf32, #tpu.memory_space<vmem>>
        %get3A_325 = tpu.memref_squeeze %get3A_324 : memref<1x128xf32, #tpu.memory_space<vmem>> -> memref<128xf32, #tpu.memory_space<vmem>>
        %get3A_326 = arith.constant 16 : index
        %get3A_327 = tpu.vector_load %get3A_325[%get3A_326] {strides = array<i32>} : memref<128xf32, #tpu.memory_space<vmem>>, vector<16xf32>,
        %mul3A_328 = arith.mulf %get3A_327, %get3A_71 : vector<16xf32>
        %add3A_329 = arith.addf %mul3A_328, %get3A_87 : vector<16xf32>
        %max3A_330 = arith.constant 0.000000e+00 : f32
        %max3A_331 = vector.broadcast %max3A_330 : f32 to vector<16xf32>
        %max3A_332 = arith.maximumf %add3A_329, %max3A_331 : vector<16xf32>
        %mul3A_333 = arith.mulf %while3A_279, %broadcast_in_dim3A_308 : vector<16xf32>
        %add3A_334 = arith.addf %mul3A_333, %max3A_332 : vector<16xf32>
        %mul3A_335 = arith.mulf %while3A_287, %broadcast_in_dim3A_308 : vector<16xf32>
        %max3A_336 = arith.maximumf %mul3A_335, %max3A_332 : vector<16xf32>
        %get3A_337 = arith.constant 0 : i32
        %get3A_338 = tpu.memref_slice %arg10[%while3A_276, %get3A_337] : memref<160x128xf32, #tpu.memory_space<vmem>> -> memref<1x128xf32, #tpu.memory_space<vmem>>
        %get3A_339 = tpu.memref_squeeze %get3A_338 : memref<1x128xf32, #tpu.memory_space<vmem>> -> memref<128xf32, #tpu.memory_space<vmem>>
        %get3A_340 = arith.constant 32 : index
        %get3A_341 = tpu.vector_load %get3A_339[%get3A_340] {strides = array<i32>} : memref<128xf32, #tpu.memory_space<vmem>>, vector<16xf32>,
        %mul3A_342 = arith.mulf %get3A_341, %get3A_73 : vector<16xf32>
        %add3A_343 = arith.addf %mul3A_342, %get3A_89 : vector<16xf32>
        %max3A_344 = arith.constant 0.000000e+00 : f32
        %max3A_345 = vector.broadcast %max3A_344 : f32 to vector<16xf32>
        %max3A_346 = arith.maximumf %add3A_343, %max3A_345 : vector<16xf32>
        %mul3A_347 = arith.mulf %while3A_280, %broadcast_in_dim3A_308 : vector<16xf32>
        %add3A_348 = arith.addf %mul3A_347, %max3A_346 : vector<16xf32>
        %mul3A_349 = arith.mulf %while3A_288, %broadcast_in_dim3A_308 : vector<16xf32>
        %max3A_350 = arith.maximumf %mul3A_349, %max3A_346 : vector<16xf32>
        %get3A_351 = arith.constant 0 : i32
        %get3A_352 = tpu.memref_slice %arg10[%while3A_276, %get3A_351] : memref<160x128xf32, #tpu.memory_space<vmem>> -> memref<1x128xf32, #tpu.memory_space<vmem>>
        %get3A_353 = tpu.memref_squeeze %get3A_352 : memref<1x128xf32, #tpu.memory_space<vmem>> -> memref<128xf32, #tpu.memory_space<vmem>>
        %get3A_354 = arith.constant 48 : index
        %get3A_355 = tpu.vector_load %get3A_353[%get3A_354] {strides = array<i32>} : memref<128xf32, #tpu.memory_space<vmem>>, vector<16xf32>,
        %mul3A_356 = arith.mulf %get3A_355, %get3A_75 : vector<16xf32>
        %add3A_357 = arith.addf %mul3A_356, %get3A_91 : vector<16xf32>
        %max3A_358 = arith.constant 0.000000e+00 : f32
        %max3A_359 = vector.broadcast %max3A_358 : f32 to vector<16xf32>
        %max3A_360 = arith.maximumf %add3A_357, %max3A_359 : vector<16xf32>
        %mul3A_361 = arith.mulf %while3A_281, %broadcast_in_dim3A_308 : vector<16xf32>
        %add3A_362 = arith.addf %mul3A_361, %max3A_360 : vector<16xf32>
        %mul3A_363 = arith.mulf %while3A_289, %broadcast_in_dim3A_308 : vector<16xf32>
        %max3A_364 = arith.maximumf %mul3A_363, %max3A_360 : vector<16xf32>
        %get3A_365 = arith.constant 0 : i32
        %get3A_366 = tpu.memref_slice %arg10[%while3A_276, %get3A_365] : memref<160x128xf32, #tpu.memory_space<vmem>> -> memref<1x128xf32, #tpu.memory_space<vmem>>
        %get3A_367 = tpu.memref_squeeze %get3A_366 : memref<1x128xf32, #tpu.memory_space<vmem>> -> memref<128xf32, #tpu.memory_space<vmem>>
        %get3A_368 = arith.constant 64 : index
        %get3A_369 = tpu.vector_load %get3A_367[%get3A_368] {strides = array<i32>} : memref<128xf32, #tpu.memory_space<vmem>>, vector<16xf32>,
        %mul3A_370 = arith.mulf %get3A_369, %get3A_77 : vector<16xf32>
        %add3A_371 = arith.addf %mul3A_370, %get3A_93 : vector<16xf32>
        %max3A_372 = arith.constant 0.000000e+00 : f32
        %max3A_373 = vector.broadcast %max3A_372 : f32 to vector<16xf32>
        %max3A_374 = arith.maximumf %add3A_371, %max3A_373 : vector<16xf32>
        %mul3A_375 = arith.mulf %while3A_282, %broadcast_in_dim3A_308 : vector<16xf32>
        %add3A_376 = arith.addf %mul3A_375, %max3A_374 : vector<16xf32>
        %mul3A_377 = arith.mulf %while3A_290, %broadcast_in_dim3A_308 : vector<16xf32>
        %max3A_378 = arith.maximumf %mul3A_377, %max3A_374 : vector<16xf32>
        %get3A_379 = arith.constant 0 : i32
        %get3A_380 = tpu.memref_slice %arg10[%while3A_276, %get3A_379] : memref<160x128xf32, #tpu.memory_space<vmem>> -> memref<1x128xf32, #tpu.memory_space<vmem>>
        %get3A_381 = tpu.memref_squeeze %get3A_380 : memref<1x128xf32, #tpu.memory_space<vmem>> -> memref<128xf32, #tpu.memory_space<vmem>>
        %get3A_382 = arith.constant 80 : index
        %get3A_383 = tpu.vector_load %get3A_381[%get3A_382] {strides = array<i32>} : memref<128xf32, #tpu.memory_space<vmem>>, vector<16xf32>,
        %mul3A_384 = arith.mulf %get3A_383, %get3A_79 : vector<16xf32>
        %add3A_385 = arith.addf %mul3A_384, %get3A_95 : vector<16xf32>
        %max3A_386 = arith.constant 0.000000e+00 : f32
        %max3A_387 = vector.broadcast %max3A_386 : f32 to vector<16xf32>
        %max3A_388 = arith.maximumf %add3A_385, %max3A_387 : vector<16xf32>
        %mul3A_389 = arith.mulf %while3A_283, %broadcast_in_dim3A_308 : vector<16xf32>
        %add3A_390 = arith.addf %mul3A_389, %max3A_388 : vector<16xf32>
        %mul3A_391 = arith.mulf %while3A_291, %broadcast_in_dim3A_308 : vector<16xf32>
        %max3A_392 = arith.maximumf %mul3A_391, %max3A_388 : vector<16xf32>
        %get3A_393 = arith.constant 0 : i32
        %get3A_394 = tpu.memref_slice %arg10[%while3A_276, %get3A_393] : memref<160x128xf32, #tpu.memory_space<vmem>> -> memref<1x128xf32, #tpu.memory_space<vmem>>
        %get3A_395 = tpu.memref_squeeze %get3A_394 : memref<1x128xf32, #tpu.memory_space<vmem>> -> memref<128xf32, #tpu.memory_space<vmem>>
        %get3A_396 = arith.constant 96 : index
        %get3A_397 = tpu.vector_load %get3A_395[%get3A_396] {strides = array<i32>} : memref<128xf32, #tpu.memory_space<vmem>>, vector<16xf32>,
        %mul3A_398 = arith.mulf %get3A_397, %get3A_81 : vector<16xf32>
        %add3A_399 = arith.addf %mul3A_398, %get3A_97 : vector<16xf32>
        %max3A_400 = arith.constant 0.000000e+00 : f32
        %max3A_401 = vector.broadcast %max3A_400 : f32 to vector<16xf32>
        %max3A_402 = arith.maximumf %add3A_399, %max3A_401 : vector<16xf32>
        %mul3A_403 = arith.mulf %while3A_284, %broadcast_in_dim3A_308 : vector<16xf32>
        %add3A_404 = arith.addf %mul3A_403, %max3A_402 : vector<16xf32>
        %mul3A_405 = arith.mulf %while3A_292, %broadcast_in_dim3A_308 : vector<16xf32>
        %max3A_406 = arith.maximumf %mul3A_405, %max3A_402 : vector<16xf32>
        %get3A_407 = arith.constant 0 : i32
        %get3A_408 = tpu.memref_slice %arg10[%while3A_276, %get3A_407] : memref<160x128xf32, #tpu.memory_space<vmem>> -> memref<1x128xf32, #tpu.memory_space<vmem>>
        %get3A_409 = tpu.memref_squeeze %get3A_408 : memref<1x128xf32, #tpu.memory_space<vmem>> -> memref<128xf32, #tpu.memory_space<vmem>>
        %get3A_410 = arith.constant 112 : index
        %get3A_411 = tpu.vector_load %get3A_409[%get3A_410] {strides = array<i32>} : memref<128xf32, #tpu.memory_space<vmem>>, vector<16xf32>,
        %mul3A_412 = arith.mulf %get3A_411, %get3A_83 : vector<16xf32>
        %add3A_413 = arith.addf %mul3A_412, %get3A_99 : vector<16xf32>
        %max3A_414 = arith.constant 0.000000e+00 : f32
        %max3A_415 = vector.broadcast %max3A_414 : f32 to vector<16xf32>
        %max3A_416 = arith.maximumf %add3A_413, %max3A_415 : vector<16xf32>
        %mul3A_417 = arith.mulf %while3A_285, %broadcast_in_dim3A_308 : vector<16xf32>
        %add3A_418 = arith.addf %mul3A_417, %max3A_416 : vector<16xf32>
        %mul3A_419 = arith.mulf %while3A_293, %broadcast_in_dim3A_308 : vector<16xf32>
        %max3A_420 = arith.maximumf %mul3A_419, %max3A_416 : vector<16xf32>
        scf.yield %squeeze3A_297, %add3A_320, %add3A_334, %add3A_348, %add3A_362, %add3A_376, %add3A_390, %add3A_404, %add3A_418, %max3A_322, %max3A_336, %max3A_350, %max3A_364, %max3A_378, %max3A_392, %max3A_406, %max3A_420 : i32, vector<16xf32>, vector<16xf32>, vector<16xf32>, vector<16xf32>, vector<16xf32>, vector<16xf32>, vector<16xf32>, vector<16xf32>, vector<16xf32>, vector<16xf32>, vector<16xf32>, vector<16xf32>, vector<16xf32>, vector<16xf32>, vector<16xf32>, vector<16xf32>
      }
      %while3A_223 = arith.constant 1 : i32
      %while3A_224:17 = scf.for %while3A_276 = %while3A_220 to %while3A_216 step %while3A_223 iter_args(%while3A_277 = %while3A_222#0, %while3A_278 = %while3A_222#1, %while3A_279 = %while3A_222#2, %while3A_280 = %while3A_222#3, %while3A_281 = %while3A_222#4, %while3A_282 = %while3A_222#5, %while3A_283 = %while3A_222#6, %while3A_284 = %while3A_222#7, %while3A_285 = %while3A_222#8, %while3A_286 = %while3A_222#9, %while3A_287 = %while3A_222#10, %while3A_288 = %while3A_222#11, %while3A_289 = %while3A_222#12, %while3A_290 = %while3A_222#13, %while3A_291 = %while3A_222#14, %while3A_292 = %while3A_222#15, %while3A_293 = %while3A_222#16) -> (i32, vector<16xf32>, vector<16xf32>, vector<16xf32>, vector<16xf32>, vector<16xf32>, vector<16xf32>, vector<16xf32>, vector<16xf32>, vector<16xf32>, vector<16xf32>, vector<16xf32>, vector<16xf32>, vector<16xf32>, vector<16xf32>, vector<16xf32>, vector<16xf32>)  : i32 {
        %get3A_294 = arith.index_cast %while3A_276 : i32 to index
        %get3A_295 = tpu.vector_load %arg12[%get3A_294] {strides = array<i32>} : memref<176xi32, #tpu.memory_space<vmem>>, vector<16xi32>,
        %slice3A_296 = vector.extract_strided_slice %get3A_295 {offsets = [0], sizes = [1], strides = [1]} : vector<16xi32> to vector<1xi32>
        %squeeze3A_297 = vector.extract %slice3A_296[0] : i32 from vector<1xi32>
        %ne3A_298 = arith.cmpi ne, %squeeze3A_297, %while3A_277 : i32
        %ge3A_299 = arith.constant 0 : i32
        %ge3A_300 = arith.cmpi sge, %while3A_277, %ge3A_299 : i32
        %and3A_301 = arith.andi %ne3A_298, %ge3A_300 : i1
        %convert_element_type3A_302 = arith.extui %and3A_301 : i1 to i32
        %cond3A_303 = arith.constant 0 : i32
        %cond3A_304 = arith.cmpi ne, %convert_element_type3A_302, %cond3A_303 : i32
        scf.if %cond3A_304 {
          %sub3A_421 = arith.subi %while3A_277, %mul3A_2 : i32
          %mul3A_422 = arith.constant 128 : i32
          %mul3A_423 = arith.muli %sub3A_421, %mul3A_422 : i32
          %add3A_424 = arith.constant 0 : i32
          %add3A_425 = arith.addi %mul3A_423, %add3A_424 : i32
          %swap3A = arith.index_cast %add3A_425 : i32 to index
          %swap3A_426 = tpu.vector_load %arg15[%swap3A] {strides = array<i32>} : memref<40960xf32, #tpu.memory_space<vmem>>, vector<16xf32>,
          tpu.vector_store %arg15[%swap3A], %while3A_278 {strides = array<i32>} : memref<40960xf32, #tpu.memory_space<vmem>>, vector<16xf32>,
          %add3A_427 = arith.constant 0 : i32
          %add3A_428 = arith.addi %mul3A_423, %add3A_427 : i32
          %swap3A_429 = arith.index_cast %add3A_428 : i32 to index
          %swap3A_430 = tpu.vector_load %arg14[%swap3A_429] {strides = array<i32>} : memref<40960xf32, #tpu.memory_space<vmem>>, vector<16xf32>,
          tpu.vector_store %arg14[%swap3A_429], %while3A_286 {strides = array<i32>} : memref<40960xf32, #tpu.memory_space<vmem>>, vector<16xf32>,
          %add3A_431 = arith.constant 16 : i32
          %add3A_432 = arith.addi %mul3A_423, %add3A_431 : i32
          %swap3A_433 = arith.index_cast %add3A_432 : i32 to index
          %swap3A_434 = tpu.vector_load %arg15[%swap3A_433] {strides = array<i32>} : memref<40960xf32, #tpu.memory_space<vmem>>, vector<16xf32>,
          tpu.vector_store %arg15[%swap3A_433], %while3A_279 {strides = array<i32>} : memref<40960xf32, #tpu.memory_space<vmem>>, vector<16xf32>,
          %add3A_435 = arith.constant 16 : i32
          %add3A_436 = arith.addi %mul3A_423, %add3A_435 : i32
          %swap3A_437 = arith.index_cast %add3A_436 : i32 to index
          %swap3A_438 = tpu.vector_load %arg14[%swap3A_437] {strides = array<i32>} : memref<40960xf32, #tpu.memory_space<vmem>>, vector<16xf32>,
          tpu.vector_store %arg14[%swap3A_437], %while3A_287 {strides = array<i32>} : memref<40960xf32, #tpu.memory_space<vmem>>, vector<16xf32>,
          %add3A_439 = arith.constant 32 : i32
          %add3A_440 = arith.addi %mul3A_423, %add3A_439 : i32
          %swap3A_441 = arith.index_cast %add3A_440 : i32 to index
          %swap3A_442 = tpu.vector_load %arg15[%swap3A_441] {strides = array<i32>} : memref<40960xf32, #tpu.memory_space<vmem>>, vector<16xf32>,
          tpu.vector_store %arg15[%swap3A_441], %while3A_280 {strides = array<i32>} : memref<40960xf32, #tpu.memory_space<vmem>>, vector<16xf32>,
          %add3A_443 = arith.constant 32 : i32
          %add3A_444 = arith.addi %mul3A_423, %add3A_443 : i32
          %swap3A_445 = arith.index_cast %add3A_444 : i32 to index
          %swap3A_446 = tpu.vector_load %arg14[%swap3A_445] {strides = array<i32>} : memref<40960xf32, #tpu.memory_space<vmem>>, vector<16xf32>,
          tpu.vector_store %arg14[%swap3A_445], %while3A_288 {strides = array<i32>} : memref<40960xf32, #tpu.memory_space<vmem>>, vector<16xf32>,
          %add3A_447 = arith.constant 48 : i32
          %add3A_448 = arith.addi %mul3A_423, %add3A_447 : i32
          %swap3A_449 = arith.index_cast %add3A_448 : i32 to index
          %swap3A_450 = tpu.vector_load %arg15[%swap3A_449] {strides = array<i32>} : memref<40960xf32, #tpu.memory_space<vmem>>, vector<16xf32>,
          tpu.vector_store %arg15[%swap3A_449], %while3A_281 {strides = array<i32>} : memref<40960xf32, #tpu.memory_space<vmem>>, vector<16xf32>,
          %add3A_451 = arith.constant 48 : i32
          %add3A_452 = arith.addi %mul3A_423, %add3A_451 : i32
          %swap3A_453 = arith.index_cast %add3A_452 : i32 to index
          %swap3A_454 = tpu.vector_load %arg14[%swap3A_453] {strides = array<i32>} : memref<40960xf32, #tpu.memory_space<vmem>>, vector<16xf32>,
          tpu.vector_store %arg14[%swap3A_453], %while3A_289 {strides = array<i32>} : memref<40960xf32, #tpu.memory_space<vmem>>, vector<16xf32>,
          %add3A_455 = arith.constant 64 : i32
          %add3A_456 = arith.addi %mul3A_423, %add3A_455 : i32
          %swap3A_457 = arith.index_cast %add3A_456 : i32 to index
          %swap3A_458 = tpu.vector_load %arg15[%swap3A_457] {strides = array<i32>} : memref<40960xf32, #tpu.memory_space<vmem>>, vector<16xf32>,
          tpu.vector_store %arg15[%swap3A_457], %while3A_282 {strides = array<i32>} : memref<40960xf32, #tpu.memory_space<vmem>>, vector<16xf32>,
          %add3A_459 = arith.constant 64 : i32
          %add3A_460 = arith.addi %mul3A_423, %add3A_459 : i32
          %swap3A_461 = arith.index_cast %add3A_460 : i32 to index
          %swap3A_462 = tpu.vector_load %arg14[%swap3A_461] {strides = array<i32>} : memref<40960xf32, #tpu.memory_space<vmem>>, vector<16xf32>,
          tpu.vector_store %arg14[%swap3A_461], %while3A_290 {strides = array<i32>} : memref<40960xf32, #tpu.memory_space<vmem>>, vector<16xf32>,
          %add3A_463 = arith.constant 80 : i32
          %add3A_464 = arith.addi %mul3A_423, %add3A_463 : i32
          %swap3A_465 = arith.index_cast %add3A_464 : i32 to index
          %swap3A_466 = tpu.vector_load %arg15[%swap3A_465] {strides = array<i32>} : memref<40960xf32, #tpu.memory_space<vmem>>, vector<16xf32>,
          tpu.vector_store %arg15[%swap3A_465], %while3A_283 {strides = array<i32>} : memref<40960xf32, #tpu.memory_space<vmem>>, vector<16xf32>,
          %add3A_467 = arith.constant 80 : i32
          %add3A_468 = arith.addi %mul3A_423, %add3A_467 : i32
          %swap3A_469 = arith.index_cast %add3A_468 : i32 to index
          %swap3A_470 = tpu.vector_load %arg14[%swap3A_469] {strides = array<i32>} : memref<40960xf32, #tpu.memory_space<vmem>>, vector<16xf32>,
          tpu.vector_store %arg14[%swap3A_469], %while3A_291 {strides = array<i32>} : memref<40960xf32, #tpu.memory_space<vmem>>, vector<16xf32>,
          %add3A_471 = arith.constant 96 : i32
          %add3A_472 = arith.addi %mul3A_423, %add3A_471 : i32
          %swap3A_473 = arith.index_cast %add3A_472 : i32 to index
          %swap3A_474 = tpu.vector_load %arg15[%swap3A_473] {strides = array<i32>} : memref<40960xf32, #tpu.memory_space<vmem>>, vector<16xf32>,
          tpu.vector_store %arg15[%swap3A_473], %while3A_284 {strides = array<i32>} : memref<40960xf32, #tpu.memory_space<vmem>>, vector<16xf32>,
          %add3A_475 = arith.constant 96 : i32
          %add3A_476 = arith.addi %mul3A_423, %add3A_475 : i32
          %swap3A_477 = arith.index_cast %add3A_476 : i32 to index
          %swap3A_478 = tpu.vector_load %arg14[%swap3A_477] {strides = array<i32>} : memref<40960xf32, #tpu.memory_space<vmem>>, vector<16xf32>,
          tpu.vector_store %arg14[%swap3A_477], %while3A_292 {strides = array<i32>} : memref<40960xf32, #tpu.memory_space<vmem>>, vector<16xf32>,
          %add3A_479 = arith.constant 112 : i32
          %add3A_480 = arith.addi %mul3A_423, %add3A_479 : i32
          %swap3A_481 = arith.index_cast %add3A_480 : i32 to index
          %swap3A_482 = tpu.vector_load %arg15[%swap3A_481] {strides = array<i32>} : memref<40960xf32, #tpu.memory_space<vmem>>, vector<16xf32>,
          tpu.vector_store %arg15[%swap3A_481], %while3A_285 {strides = array<i32>} : memref<40960xf32, #tpu.memory_space<vmem>>, vector<16xf32>,
          %add3A_483 = arith.constant 112 : i32
          %add3A_484 = arith.addi %mul3A_423, %add3A_483 : i32
          %swap3A_485 = arith.index_cast %add3A_484 : i32 to index
          %swap3A_486 = tpu.vector_load %arg14[%swap3A_485] {strides = array<i32>} : memref<40960xf32, #tpu.memory_space<vmem>>, vector<16xf32>,
          tpu.vector_store %arg14[%swap3A_485], %while3A_293 {strides = array<i32>} : memref<40960xf32, #tpu.memory_space<vmem>>, vector<16xf32>,
        } else {
        }
        %jit3A_305 = arith.constant 0.000000e+00 : f32
        %jit3A_306 = arith.constant 1.000000e+00 : f32
        %select_n3A_307 = arith.select %ne3A_298, %jit3A_305, %jit3A_306 : f32
        %broadcast_in_dim3A_308 = vector.broadcast %select_n3A_307 : f32 to vector<16xf32>
        %get3A_309 = arith.constant 0 : i32
        %get3A_310 = tpu.memref_slice %arg10[%while3A_276, %get3A_309] : memref<160x128xf32, #tpu.memory_space<vmem>> -> memref<1x128xf32, #tpu.memory_space<vmem>>
        %get3A_311 = tpu.memref_squeeze %get3A_310 : memref<1x128xf32, #tpu.memory_space<vmem>> -> memref<128xf32, #tpu.memory_space<vmem>>
        %get3A_312 = arith.constant 0 : index
        %get3A_313 = tpu.vector_load %get3A_311[%get3A_312] {strides = array<i32>} : memref<128xf32, #tpu.memory_space<vmem>>, vector<16xf32>,
        %mul3A_314 = arith.mulf %get3A_313, %get3A_69 : vector<16xf32>
        %add3A_315 = arith.addf %mul3A_314, %get3A_85 : vector<16xf32>
        %max3A_316 = arith.constant 0.000000e+00 : f32
        %max3A_317 = vector.broadcast %max3A_316 : f32 to vector<16xf32>
        %max3A_318 = arith.maximumf %add3A_315, %max3A_317 : vector<16xf32>
        %mul3A_319 = arith.mulf %while3A_278, %broadcast_in_dim3A_308 : vector<16xf32>
        %add3A_320 = arith.addf %mul3A_319, %max3A_318 : vector<16xf32>
        %mul3A_321 = arith.mulf %while3A_286, %broadcast_in_dim3A_308 : vector<16xf32>
        %max3A_322 = arith.maximumf %mul3A_321, %max3A_318 : vector<16xf32>
        %get3A_323 = arith.constant 0 : i32
        %get3A_324 = tpu.memref_slice %arg10[%while3A_276, %get3A_323] : memref<160x128xf32, #tpu.memory_space<vmem>> -> memref<1x128xf32, #tpu.memory_space<vmem>>
        %get3A_325 = tpu.memref_squeeze %get3A_324 : memref<1x128xf32, #tpu.memory_space<vmem>> -> memref<128xf32, #tpu.memory_space<vmem>>
        %get3A_326 = arith.constant 16 : index
        %get3A_327 = tpu.vector_load %get3A_325[%get3A_326] {strides = array<i32>} : memref<128xf32, #tpu.memory_space<vmem>>, vector<16xf32>,
        %mul3A_328 = arith.mulf %get3A_327, %get3A_71 : vector<16xf32>
        %add3A_329 = arith.addf %mul3A_328, %get3A_87 : vector<16xf32>
        %max3A_330 = arith.constant 0.000000e+00 : f32
        %max3A_331 = vector.broadcast %max3A_330 : f32 to vector<16xf32>
        %max3A_332 = arith.maximumf %add3A_329, %max3A_331 : vector<16xf32>
        %mul3A_333 = arith.mulf %while3A_279, %broadcast_in_dim3A_308 : vector<16xf32>
        %add3A_334 = arith.addf %mul3A_333, %max3A_332 : vector<16xf32>
        %mul3A_335 = arith.mulf %while3A_287, %broadcast_in_dim3A_308 : vector<16xf32>
        %max3A_336 = arith.maximumf %mul3A_335, %max3A_332 : vector<16xf32>
        %get3A_337 = arith.constant 0 : i32
        %get3A_338 = tpu.memref_slice %arg10[%while3A_276, %get3A_337] : memref<160x128xf32, #tpu.memory_space<vmem>> -> memref<1x128xf32, #tpu.memory_space<vmem>>
        %get3A_339 = tpu.memref_squeeze %get3A_338 : memref<1x128xf32, #tpu.memory_space<vmem>> -> memref<128xf32, #tpu.memory_space<vmem>>
        %get3A_340 = arith.constant 32 : index
        %get3A_341 = tpu.vector_load %get3A_339[%get3A_340] {strides = array<i32>} : memref<128xf32, #tpu.memory_space<vmem>>, vector<16xf32>,
        %mul3A_342 = arith.mulf %get3A_341, %get3A_73 : vector<16xf32>
        %add3A_343 = arith.addf %mul3A_342, %get3A_89 : vector<16xf32>
        %max3A_344 = arith.constant 0.000000e+00 : f32
        %max3A_345 = vector.broadcast %max3A_344 : f32 to vector<16xf32>
        %max3A_346 = arith.maximumf %add3A_343, %max3A_345 : vector<16xf32>
        %mul3A_347 = arith.mulf %while3A_280, %broadcast_in_dim3A_308 : vector<16xf32>
        %add3A_348 = arith.addf %mul3A_347, %max3A_346 : vector<16xf32>
        %mul3A_349 = arith.mulf %while3A_288, %broadcast_in_dim3A_308 : vector<16xf32>
        %max3A_350 = arith.maximumf %mul3A_349, %max3A_346 : vector<16xf32>
        %get3A_351 = arith.constant 0 : i32
        %get3A_352 = tpu.memref_slice %arg10[%while3A_276, %get3A_351] : memref<160x128xf32, #tpu.memory_space<vmem>> -> memref<1x128xf32, #tpu.memory_space<vmem>>
        %get3A_353 = tpu.memref_squeeze %get3A_352 : memref<1x128xf32, #tpu.memory_space<vmem>> -> memref<128xf32, #tpu.memory_space<vmem>>
        %get3A_354 = arith.constant 48 : index
        %get3A_355 = tpu.vector_load %get3A_353[%get3A_354] {strides = array<i32>} : memref<128xf32, #tpu.memory_space<vmem>>, vector<16xf32>,
        %mul3A_356 = arith.mulf %get3A_355, %get3A_75 : vector<16xf32>
        %add3A_357 = arith.addf %mul3A_356, %get3A_91 : vector<16xf32>
        %max3A_358 = arith.constant 0.000000e+00 : f32
        %max3A_359 = vector.broadcast %max3A_358 : f32 to vector<16xf32>
        %max3A_360 = arith.maximumf %add3A_357, %max3A_359 : vector<16xf32>
        %mul3A_361 = arith.mulf %while3A_281, %broadcast_in_dim3A_308 : vector<16xf32>
        %add3A_362 = arith.addf %mul3A_361, %max3A_360 : vector<16xf32>
        %mul3A_363 = arith.mulf %while3A_289, %broadcast_in_dim3A_308 : vector<16xf32>
        %max3A_364 = arith.maximumf %mul3A_363, %max3A_360 : vector<16xf32>
        %get3A_365 = arith.constant 0 : i32
        %get3A_366 = tpu.memref_slice %arg10[%while3A_276, %get3A_365] : memref<160x128xf32, #tpu.memory_space<vmem>> -> memref<1x128xf32, #tpu.memory_space<vmem>>
        %get3A_367 = tpu.memref_squeeze %get3A_366 : memref<1x128xf32, #tpu.memory_space<vmem>> -> memref<128xf32, #tpu.memory_space<vmem>>
        %get3A_368 = arith.constant 64 : index
        %get3A_369 = tpu.vector_load %get3A_367[%get3A_368] {strides = array<i32>} : memref<128xf32, #tpu.memory_space<vmem>>, vector<16xf32>,
        %mul3A_370 = arith.mulf %get3A_369, %get3A_77 : vector<16xf32>
        %add3A_371 = arith.addf %mul3A_370, %get3A_93 : vector<16xf32>
        %max3A_372 = arith.constant 0.000000e+00 : f32
        %max3A_373 = vector.broadcast %max3A_372 : f32 to vector<16xf32>
        %max3A_374 = arith.maximumf %add3A_371, %max3A_373 : vector<16xf32>
        %mul3A_375 = arith.mulf %while3A_282, %broadcast_in_dim3A_308 : vector<16xf32>
        %add3A_376 = arith.addf %mul3A_375, %max3A_374 : vector<16xf32>
        %mul3A_377 = arith.mulf %while3A_290, %broadcast_in_dim3A_308 : vector<16xf32>
        %max3A_378 = arith.maximumf %mul3A_377, %max3A_374 : vector<16xf32>
        %get3A_379 = arith.constant 0 : i32
        %get3A_380 = tpu.memref_slice %arg10[%while3A_276, %get3A_379] : memref<160x128xf32, #tpu.memory_space<vmem>> -> memref<1x128xf32, #tpu.memory_space<vmem>>
        %get3A_381 = tpu.memref_squeeze %get3A_380 : memref<1x128xf32, #tpu.memory_space<vmem>> -> memref<128xf32, #tpu.memory_space<vmem>>
        %get3A_382 = arith.constant 80 : index
        %get3A_383 = tpu.vector_load %get3A_381[%get3A_382] {strides = array<i32>} : memref<128xf32, #tpu.memory_space<vmem>>, vector<16xf32>,
        %mul3A_384 = arith.mulf %get3A_383, %get3A_79 : vector<16xf32>
        %add3A_385 = arith.addf %mul3A_384, %get3A_95 : vector<16xf32>
        %max3A_386 = arith.constant 0.000000e+00 : f32
        %max3A_387 = vector.broadcast %max3A_386 : f32 to vector<16xf32>
        %max3A_388 = arith.maximumf %add3A_385, %max3A_387 : vector<16xf32>
        %mul3A_389 = arith.mulf %while3A_283, %broadcast_in_dim3A_308 : vector<16xf32>
        %add3A_390 = arith.addf %mul3A_389, %max3A_388 : vector<16xf32>
        %mul3A_391 = arith.mulf %while3A_291, %broadcast_in_dim3A_308 : vector<16xf32>
        %max3A_392 = arith.maximumf %mul3A_391, %max3A_388 : vector<16xf32>
        %get3A_393 = arith.constant 0 : i32
        %get3A_394 = tpu.memref_slice %arg10[%while3A_276, %get3A_393] : memref<160x128xf32, #tpu.memory_space<vmem>> -> memref<1x128xf32, #tpu.memory_space<vmem>>
        %get3A_395 = tpu.memref_squeeze %get3A_394 : memref<1x128xf32, #tpu.memory_space<vmem>> -> memref<128xf32, #tpu.memory_space<vmem>>
        %get3A_396 = arith.constant 96 : index
        %get3A_397 = tpu.vector_load %get3A_395[%get3A_396] {strides = array<i32>} : memref<128xf32, #tpu.memory_space<vmem>>, vector<16xf32>,
        %mul3A_398 = arith.mulf %get3A_397, %get3A_81 : vector<16xf32>
        %add3A_399 = arith.addf %mul3A_398, %get3A_97 : vector<16xf32>
        %max3A_400 = arith.constant 0.000000e+00 : f32
        %max3A_401 = vector.broadcast %max3A_400 : f32 to vector<16xf32>
        %max3A_402 = arith.maximumf %add3A_399, %max3A_401 : vector<16xf32>
        %mul3A_403 = arith.mulf %while3A_284, %broadcast_in_dim3A_308 : vector<16xf32>
        %add3A_404 = arith.addf %mul3A_403, %max3A_402 : vector<16xf32>
        %mul3A_405 = arith.mulf %while3A_292, %broadcast_in_dim3A_308 : vector<16xf32>
        %max3A_406 = arith.maximumf %mul3A_405, %max3A_402 : vector<16xf32>
        %get3A_407 = arith.constant 0 : i32
        %get3A_408 = tpu.memref_slice %arg10[%while3A_276, %get3A_407] : memref<160x128xf32, #tpu.memory_space<vmem>> -> memref<1x128xf32, #tpu.memory_space<vmem>>
        %get3A_409 = tpu.memref_squeeze %get3A_408 : memref<1x128xf32, #tpu.memory_space<vmem>> -> memref<128xf32, #tpu.memory_space<vmem>>
        %get3A_410 = arith.constant 112 : index
        %get3A_411 = tpu.vector_load %get3A_409[%get3A_410] {strides = array<i32>} : memref<128xf32, #tpu.memory_space<vmem>>, vector<16xf32>,
        %mul3A_412 = arith.mulf %get3A_411, %get3A_83 : vector<16xf32>
        %add3A_413 = arith.addf %mul3A_412, %get3A_99 : vector<16xf32>
        %max3A_414 = arith.constant 0.000000e+00 : f32
        %max3A_415 = vector.broadcast %max3A_414 : f32 to vector<16xf32>
        %max3A_416 = arith.maximumf %add3A_413, %max3A_415 : vector<16xf32>
        %mul3A_417 = arith.mulf %while3A_285, %broadcast_in_dim3A_308 : vector<16xf32>
        %add3A_418 = arith.addf %mul3A_417, %max3A_416 : vector<16xf32>
        %mul3A_419 = arith.mulf %while3A_293, %broadcast_in_dim3A_308 : vector<16xf32>
        %max3A_420 = arith.maximumf %mul3A_419, %max3A_416 : vector<16xf32>
        scf.yield %squeeze3A_297, %add3A_320, %add3A_334, %add3A_348, %add3A_362, %add3A_376, %add3A_390, %add3A_404, %add3A_418, %max3A_322, %max3A_336, %max3A_350, %max3A_364, %max3A_378, %max3A_392, %max3A_406, %max3A_420 : i32, vector<16xf32>, vector<16xf32>, vector<16xf32>, vector<16xf32>, vector<16xf32>, vector<16xf32>, vector<16xf32>, vector<16xf32>, vector<16xf32>, vector<16xf32>, vector<16xf32>, vector<16xf32>, vector<16xf32>, vector<16xf32>, vector<16xf32>, vector<16xf32>
      }
      %add3A_225 = arith.constant 2 : i32
      %add3A_226 = arith.addi %add3A_176, %add3A_225 : i32
      %mul3A_227 = arith.constant 160 : i32
      %mul3A_228 = arith.muli %add3A_226, %mul3A_227 : i32
      %min3A_229 = arith.constant 319840 : i32
      %min3A_230 = arith.minsi %mul3A_228, %min3A_229 : i32
      %dma_start3A_231 = arith.constant 0 : i32
      %dma_start3A_232 = tpu.memref_slice %arg2[%min3A_230, %dma_start3A_231] : memref<320000x128xf32, #tpu.memory_space<hbm>> -> memref<160x128xf32, #tpu.memory_space<hbm>>
      %dma_start3A_233 = arith.constant 0 : i32
      %dma_start3A_234 = tpu.memref_slice %arg2[%min3A_230, %dma_start3A_233] : memref<320000x128xf32, #tpu.memory_space<hbm>> -> memref<160x128xf32, #tpu.memory_space<hbm>>
      tpu.enqueue_dma source(%dma_start3A_234 : memref<160x128xf32, #tpu.memory_space<hbm>>) target(%arg10 : memref<160x128xf32, #tpu.memory_space<vmem>>) target_semaphore(%arg16 : memref<!tpu.dma_semaphore, #tpu.memory_space<semaphore_mem>>)
      %dma_start3A_235 = arith.constant 0 : i32
      %dma_start3A_236 = tpu.memref_slice %arg12[%dma_start3A_235] : memref<176xi32, #tpu.memory_space<vmem>> -> memref<160xi32, #tpu.memory_space<vmem>>
      %dma_start3A_237 = tpu.memref_slice %arg3[%min3A_230] : memref<320000xi32, #tpu.memory_space<hbm>> -> memref<160xi32, #tpu.memory_space<hbm>>
      %dma_start3A_238 = arith.constant 0 : i32
      %dma_start3A_239 = tpu.memref_slice %arg12[%dma_start3A_238] : memref<176xi32, #tpu.memory_space<vmem>> -> memref<160xi32, #tpu.memory_space<vmem>>
      %dma_start3A_240 = tpu.memref_slice %arg3[%min3A_230] : memref<320000xi32, #tpu.memory_space<hbm>> -> memref<160xi32, #tpu.memory_space<hbm>>
      tpu.enqueue_dma source(%dma_start3A_240 : memref<160xi32, #tpu.memory_space<hbm>>) target(%dma_start3A_239 : memref<160xi32, #tpu.memory_space<vmem>>) target_semaphore(%arg18 : memref<!tpu.dma_semaphore, #tpu.memory_space<semaphore_mem>>)
      %dma_wait3A_241 = arith.constant 0 : i32
      %dma_wait3A_242 = arith.constant 0 : i32
      %dma_wait3A_243 = tpu.memref_slice %arg2[%dma_wait3A_241, %dma_wait3A_242] : memref<320000x128xf32, #tpu.memory_space<hbm>> -> memref<160x128xf32, #tpu.memory_space<hbm>>
      %dma_wait3A_244 = arith.constant 0 : i32
      %dma_wait3A_245 = arith.constant 0 : i32
      %dma_wait3A_246 = tpu.memref_slice %arg2[%dma_wait3A_244, %dma_wait3A_245] : memref<320000x128xf32, #tpu.memory_space<hbm>> -> memref<160x128xf32, #tpu.memory_space<hbm>>
      tpu.wait_dma2 semaphore(%arg17 : memref<!tpu.dma_semaphore, #tpu.memory_space<semaphore_mem>>) src(%dma_wait3A_246 : memref<160x128xf32, #tpu.memory_space<hbm>>) dst(%arg11 : memref<160x128xf32, #tpu.memory_space<vmem>>)
      %dma_wait3A_247 = arith.constant 0 : i32
      %dma_wait3A_248 = tpu.memref_slice %arg13[%dma_wait3A_247] : memref<176xi32, #tpu.memory_space<vmem>> -> memref<160xi32, #tpu.memory_space<vmem>>
      %dma_wait3A_249 = arith.constant 0 : i32
      %dma_wait3A_250 = tpu.memref_slice %arg3[%dma_wait3A_249] : memref<320000xi32, #tpu.memory_space<hbm>> -> memref<160xi32, #tpu.memory_space<hbm>>
      %dma_wait3A_251 = arith.constant 0 : i32
      %dma_wait3A_252 = tpu.memref_slice %arg13[%dma_wait3A_251] : memref<176xi32, #tpu.memory_space<vmem>> -> memref<160xi32, #tpu.memory_space<vmem>>
      %dma_wait3A_253 = arith.constant 0 : i32
      %dma_wait3A_254 = tpu.memref_slice %arg3[%dma_wait3A_253] : memref<320000xi32, #tpu.memory_space<hbm>> -> memref<160xi32, #tpu.memory_space<hbm>>
      tpu.wait_dma2 semaphore(%arg19 : memref<!tpu.dma_semaphore, #tpu.memory_space<semaphore_mem>>) src(%dma_wait3A_254 : memref<160xi32, #tpu.memory_space<hbm>>) dst(%dma_wait3A_252 : memref<160xi32, #tpu.memory_space<vmem>>)
      %add3A_255 = arith.constant 1 : i32
      %add3A_256 = arith.addi %add3A_176, %add3A_255 : i32
      %mul3A_257 = arith.constant 160 : i32
      %mul3A_258 = arith.muli %add3A_256, %mul3A_257 : i32
      %sub3A_259 = arith.subi %squeeze3A, %mul3A_258 : i32
      %max3A_260 = arith.constant 0 : i32
      %max3A_261 = arith.maxsi %sub3A_259, %max3A_260 : i32
      %sub3A_262 = arith.subi %squeeze3A_5, %mul3A_258 : i32
      %min3A_263 = arith.constant 160 : i32
      %min3A_264 = arith.minsi %sub3A_262, %min3A_263 : i32
      %max3A_265 = arith.maxsi %min3A_264, %max3A_261 : i32
      %while3A_266 = arith.subi %max3A_265, %max3A_261 : i32
      %while3A_267 = arith.addi %max3A_261, %while3A_266 : i32
      %while3A_268 = arith.constant 1 : i32
      %while3A_269 = arith.divsi %while3A_266, %while3A_268 : i32
      %while3A_270 = arith.muli %while3A_269, %while3A_268 : i32
      %while3A_271 = arith.addi %max3A_261, %while3A_270 : i32
      %while3A_272 = arith.constant 1 : i32
      %while3A_273:17 = scf.for %while3A_276 = %max3A_261 to %while3A_271 step %while3A_272 iter_args(%while3A_277 = %while3A_224#0, %while3A_278 = %while3A_224#1, %while3A_279 = %while3A_224#2, %while3A_280 = %while3A_224#3, %while3A_281 = %while3A_224#4, %while3A_282 = %while3A_224#5, %while3A_283 = %while3A_224#6, %while3A_284 = %while3A_224#7, %while3A_285 = %while3A_224#8, %while3A_286 = %while3A_224#9, %while3A_287 = %while3A_224#10, %while3A_288 = %while3A_224#11, %while3A_289 = %while3A_224#12, %while3A_290 = %while3A_224#13, %while3A_291 = %while3A_224#14, %while3A_292 = %while3A_224#15, %while3A_293 = %while3A_224#16) -> (i32, vector<16xf32>, vector<16xf32>, vector<16xf32>, vector<16xf32>, vector<16xf32>, vector<16xf32>, vector<16xf32>, vector<16xf32>, vector<16xf32>, vector<16xf32>, vector<16xf32>, vector<16xf32>, vector<16xf32>, vector<16xf32>, vector<16xf32>, vector<16xf32>)  : i32 {
        %get3A_294 = arith.index_cast %while3A_276 : i32 to index
        %get3A_295 = tpu.vector_load %arg13[%get3A_294] {strides = array<i32>} : memref<176xi32, #tpu.memory_space<vmem>>, vector<16xi32>,
        %slice3A_296 = vector.extract_strided_slice %get3A_295 {offsets = [0], sizes = [1], strides = [1]} : vector<16xi32> to vector<1xi32>
        %squeeze3A_297 = vector.extract %slice3A_296[0] : i32 from vector<1xi32>
        %ne3A_298 = arith.cmpi ne, %squeeze3A_297, %while3A_277 : i32
        %ge3A_299 = arith.constant 0 : i32
        %ge3A_300 = arith.cmpi sge, %while3A_277, %ge3A_299 : i32
        %and3A_301 = arith.andi %ne3A_298, %ge3A_300 : i1
        %convert_element_type3A_302 = arith.extui %and3A_301 : i1 to i32
        %cond3A_303 = arith.constant 0 : i32
        %cond3A_304 = arith.cmpi ne, %convert_element_type3A_302, %cond3A_303 : i32
        scf.if %cond3A_304 {
          %sub3A_421 = arith.subi %while3A_277, %mul3A_2 : i32
          %mul3A_422 = arith.constant 128 : i32
          %mul3A_423 = arith.muli %sub3A_421, %mul3A_422 : i32
          %add3A_424 = arith.constant 0 : i32
          %add3A_425 = arith.addi %mul3A_423, %add3A_424 : i32
          %swap3A = arith.index_cast %add3A_425 : i32 to index
          %swap3A_426 = tpu.vector_load %arg15[%swap3A] {strides = array<i32>} : memref<40960xf32, #tpu.memory_space<vmem>>, vector<16xf32>,
          tpu.vector_store %arg15[%swap3A], %while3A_278 {strides = array<i32>} : memref<40960xf32, #tpu.memory_space<vmem>>, vector<16xf32>,
          %add3A_427 = arith.constant 0 : i32
          %add3A_428 = arith.addi %mul3A_423, %add3A_427 : i32
          %swap3A_429 = arith.index_cast %add3A_428 : i32 to index
          %swap3A_430 = tpu.vector_load %arg14[%swap3A_429] {strides = array<i32>} : memref<40960xf32, #tpu.memory_space<vmem>>, vector<16xf32>,
          tpu.vector_store %arg14[%swap3A_429], %while3A_286 {strides = array<i32>} : memref<40960xf32, #tpu.memory_space<vmem>>, vector<16xf32>,
          %add3A_431 = arith.constant 16 : i32
          %add3A_432 = arith.addi %mul3A_423, %add3A_431 : i32
          %swap3A_433 = arith.index_cast %add3A_432 : i32 to index
          %swap3A_434 = tpu.vector_load %arg15[%swap3A_433] {strides = array<i32>} : memref<40960xf32, #tpu.memory_space<vmem>>, vector<16xf32>,
          tpu.vector_store %arg15[%swap3A_433], %while3A_279 {strides = array<i32>} : memref<40960xf32, #tpu.memory_space<vmem>>, vector<16xf32>,
          %add3A_435 = arith.constant 16 : i32
          %add3A_436 = arith.addi %mul3A_423, %add3A_435 : i32
          %swap3A_437 = arith.index_cast %add3A_436 : i32 to index
          %swap3A_438 = tpu.vector_load %arg14[%swap3A_437] {strides = array<i32>} : memref<40960xf32, #tpu.memory_space<vmem>>, vector<16xf32>,
          tpu.vector_store %arg14[%swap3A_437], %while3A_287 {strides = array<i32>} : memref<40960xf32, #tpu.memory_space<vmem>>, vector<16xf32>,
          %add3A_439 = arith.constant 32 : i32
          %add3A_440 = arith.addi %mul3A_423, %add3A_439 : i32
          %swap3A_441 = arith.index_cast %add3A_440 : i32 to index
          %swap3A_442 = tpu.vector_load %arg15[%swap3A_441] {strides = array<i32>} : memref<40960xf32, #tpu.memory_space<vmem>>, vector<16xf32>,
          tpu.vector_store %arg15[%swap3A_441], %while3A_280 {strides = array<i32>} : memref<40960xf32, #tpu.memory_space<vmem>>, vector<16xf32>,
          %add3A_443 = arith.constant 32 : i32
          %add3A_444 = arith.addi %mul3A_423, %add3A_443 : i32
          %swap3A_445 = arith.index_cast %add3A_444 : i32 to index
          %swap3A_446 = tpu.vector_load %arg14[%swap3A_445] {strides = array<i32>} : memref<40960xf32, #tpu.memory_space<vmem>>, vector<16xf32>,
          tpu.vector_store %arg14[%swap3A_445], %while3A_288 {strides = array<i32>} : memref<40960xf32, #tpu.memory_space<vmem>>, vector<16xf32>,
          %add3A_447 = arith.constant 48 : i32
          %add3A_448 = arith.addi %mul3A_423, %add3A_447 : i32
          %swap3A_449 = arith.index_cast %add3A_448 : i32 to index
          %swap3A_450 = tpu.vector_load %arg15[%swap3A_449] {strides = array<i32>} : memref<40960xf32, #tpu.memory_space<vmem>>, vector<16xf32>,
          tpu.vector_store %arg15[%swap3A_449], %while3A_281 {strides = array<i32>} : memref<40960xf32, #tpu.memory_space<vmem>>, vector<16xf32>,
          %add3A_451 = arith.constant 48 : i32
          %add3A_452 = arith.addi %mul3A_423, %add3A_451 : i32
          %swap3A_453 = arith.index_cast %add3A_452 : i32 to index
          %swap3A_454 = tpu.vector_load %arg14[%swap3A_453] {strides = array<i32>} : memref<40960xf32, #tpu.memory_space<vmem>>, vector<16xf32>,
          tpu.vector_store %arg14[%swap3A_453], %while3A_289 {strides = array<i32>} : memref<40960xf32, #tpu.memory_space<vmem>>, vector<16xf32>,
          %add3A_455 = arith.constant 64 : i32
          %add3A_456 = arith.addi %mul3A_423, %add3A_455 : i32
          %swap3A_457 = arith.index_cast %add3A_456 : i32 to index
          %swap3A_458 = tpu.vector_load %arg15[%swap3A_457] {strides = array<i32>} : memref<40960xf32, #tpu.memory_space<vmem>>, vector<16xf32>,
          tpu.vector_store %arg15[%swap3A_457], %while3A_282 {strides = array<i32>} : memref<40960xf32, #tpu.memory_space<vmem>>, vector<16xf32>,
          %add3A_459 = arith.constant 64 : i32
          %add3A_460 = arith.addi %mul3A_423, %add3A_459 : i32
          %swap3A_461 = arith.index_cast %add3A_460 : i32 to index
          %swap3A_462 = tpu.vector_load %arg14[%swap3A_461] {strides = array<i32>} : memref<40960xf32, #tpu.memory_space<vmem>>, vector<16xf32>,
          tpu.vector_store %arg14[%swap3A_461], %while3A_290 {strides = array<i32>} : memref<40960xf32, #tpu.memory_space<vmem>>, vector<16xf32>,
          %add3A_463 = arith.constant 80 : i32
          %add3A_464 = arith.addi %mul3A_423, %add3A_463 : i32
          %swap3A_465 = arith.index_cast %add3A_464 : i32 to index
          %swap3A_466 = tpu.vector_load %arg15[%swap3A_465] {strides = array<i32>} : memref<40960xf32, #tpu.memory_space<vmem>>, vector<16xf32>,
          tpu.vector_store %arg15[%swap3A_465], %while3A_283 {strides = array<i32>} : memref<40960xf32, #tpu.memory_space<vmem>>, vector<16xf32>,
          %add3A_467 = arith.constant 80 : i32
          %add3A_468 = arith.addi %mul3A_423, %add3A_467 : i32
          %swap3A_469 = arith.index_cast %add3A_468 : i32 to index
          %swap3A_470 = tpu.vector_load %arg14[%swap3A_469] {strides = array<i32>} : memref<40960xf32, #tpu.memory_space<vmem>>, vector<16xf32>,
          tpu.vector_store %arg14[%swap3A_469], %while3A_291 {strides = array<i32>} : memref<40960xf32, #tpu.memory_space<vmem>>, vector<16xf32>,
          %add3A_471 = arith.constant 96 : i32
          %add3A_472 = arith.addi %mul3A_423, %add3A_471 : i32
          %swap3A_473 = arith.index_cast %add3A_472 : i32 to index
          %swap3A_474 = tpu.vector_load %arg15[%swap3A_473] {strides = array<i32>} : memref<40960xf32, #tpu.memory_space<vmem>>, vector<16xf32>,
          tpu.vector_store %arg15[%swap3A_473], %while3A_284 {strides = array<i32>} : memref<40960xf32, #tpu.memory_space<vmem>>, vector<16xf32>,
          %add3A_475 = arith.constant 96 : i32
          %add3A_476 = arith.addi %mul3A_423, %add3A_475 : i32
          %swap3A_477 = arith.index_cast %add3A_476 : i32 to index
          %swap3A_478 = tpu.vector_load %arg14[%swap3A_477] {strides = array<i32>} : memref<40960xf32, #tpu.memory_space<vmem>>, vector<16xf32>,
          tpu.vector_store %arg14[%swap3A_477], %while3A_292 {strides = array<i32>} : memref<40960xf32, #tpu.memory_space<vmem>>, vector<16xf32>,
          %add3A_479 = arith.constant 112 : i32
          %add3A_480 = arith.addi %mul3A_423, %add3A_479 : i32
          %swap3A_481 = arith.index_cast %add3A_480 : i32 to index
          %swap3A_482 = tpu.vector_load %arg15[%swap3A_481] {strides = array<i32>} : memref<40960xf32, #tpu.memory_space<vmem>>, vector<16xf32>,
          tpu.vector_store %arg15[%swap3A_481], %while3A_285 {strides = array<i32>} : memref<40960xf32, #tpu.memory_space<vmem>>, vector<16xf32>,
          %add3A_483 = arith.constant 112 : i32
          %add3A_484 = arith.addi %mul3A_423, %add3A_483 : i32
          %swap3A_485 = arith.index_cast %add3A_484 : i32 to index
          %swap3A_486 = tpu.vector_load %arg14[%swap3A_485] {strides = array<i32>} : memref<40960xf32, #tpu.memory_space<vmem>>, vector<16xf32>,
          tpu.vector_store %arg14[%swap3A_485], %while3A_293 {strides = array<i32>} : memref<40960xf32, #tpu.memory_space<vmem>>, vector<16xf32>,
        } else {
        }
        %jit3A_305 = arith.constant 0.000000e+00 : f32
        %jit3A_306 = arith.constant 1.000000e+00 : f32
        %select_n3A_307 = arith.select %ne3A_298, %jit3A_305, %jit3A_306 : f32
        %broadcast_in_dim3A_308 = vector.broadcast %select_n3A_307 : f32 to vector<16xf32>
        %get3A_309 = arith.constant 0 : i32
        %get3A_310 = tpu.memref_slice %arg11[%while3A_276, %get3A_309] : memref<160x128xf32, #tpu.memory_space<vmem>> -> memref<1x128xf32, #tpu.memory_space<vmem>>
        %get3A_311 = tpu.memref_squeeze %get3A_310 : memref<1x128xf32, #tpu.memory_space<vmem>> -> memref<128xf32, #tpu.memory_space<vmem>>
        %get3A_312 = arith.constant 0 : index
        %get3A_313 = tpu.vector_load %get3A_311[%get3A_312] {strides = array<i32>} : memref<128xf32, #tpu.memory_space<vmem>>, vector<16xf32>,
        %mul3A_314 = arith.mulf %get3A_313, %get3A_69 : vector<16xf32>
        %add3A_315 = arith.addf %mul3A_314, %get3A_85 : vector<16xf32>
        %max3A_316 = arith.constant 0.000000e+00 : f32
        %max3A_317 = vector.broadcast %max3A_316 : f32 to vector<16xf32>
        %max3A_318 = arith.maximumf %add3A_315, %max3A_317 : vector<16xf32>
        %mul3A_319 = arith.mulf %while3A_278, %broadcast_in_dim3A_308 : vector<16xf32>
        %add3A_320 = arith.addf %mul3A_319, %max3A_318 : vector<16xf32>
        %mul3A_321 = arith.mulf %while3A_286, %broadcast_in_dim3A_308 : vector<16xf32>
        %max3A_322 = arith.maximumf %mul3A_321, %max3A_318 : vector<16xf32>
        %get3A_323 = arith.constant 0 : i32
        %get3A_324 = tpu.memref_slice %arg11[%while3A_276, %get3A_323] : memref<160x128xf32, #tpu.memory_space<vmem>> -> memref<1x128xf32, #tpu.memory_space<vmem>>
        %get3A_325 = tpu.memref_squeeze %get3A_324 : memref<1x128xf32, #tpu.memory_space<vmem>> -> memref<128xf32, #tpu.memory_space<vmem>>
        %get3A_326 = arith.constant 16 : index
        %get3A_327 = tpu.vector_load %get3A_325[%get3A_326] {strides = array<i32>} : memref<128xf32, #tpu.memory_space<vmem>>, vector<16xf32>,
        %mul3A_328 = arith.mulf %get3A_327, %get3A_71 : vector<16xf32>
        %add3A_329 = arith.addf %mul3A_328, %get3A_87 : vector<16xf32>
        %max3A_330 = arith.constant 0.000000e+00 : f32
        %max3A_331 = vector.broadcast %max3A_330 : f32 to vector<16xf32>
        %max3A_332 = arith.maximumf %add3A_329, %max3A_331 : vector<16xf32>
        %mul3A_333 = arith.mulf %while3A_279, %broadcast_in_dim3A_308 : vector<16xf32>
        %add3A_334 = arith.addf %mul3A_333, %max3A_332 : vector<16xf32>
        %mul3A_335 = arith.mulf %while3A_287, %broadcast_in_dim3A_308 : vector<16xf32>
        %max3A_336 = arith.maximumf %mul3A_335, %max3A_332 : vector<16xf32>
        %get3A_337 = arith.constant 0 : i32
        %get3A_338 = tpu.memref_slice %arg11[%while3A_276, %get3A_337] : memref<160x128xf32, #tpu.memory_space<vmem>> -> memref<1x128xf32, #tpu.memory_space<vmem>>
        %get3A_339 = tpu.memref_squeeze %get3A_338 : memref<1x128xf32, #tpu.memory_space<vmem>> -> memref<128xf32, #tpu.memory_space<vmem>>
        %get3A_340 = arith.constant 32 : index
        %get3A_341 = tpu.vector_load %get3A_339[%get3A_340] {strides = array<i32>} : memref<128xf32, #tpu.memory_space<vmem>>, vector<16xf32>,
        %mul3A_342 = arith.mulf %get3A_341, %get3A_73 : vector<16xf32>
        %add3A_343 = arith.addf %mul3A_342, %get3A_89 : vector<16xf32>
        %max3A_344 = arith.constant 0.000000e+00 : f32
        %max3A_345 = vector.broadcast %max3A_344 : f32 to vector<16xf32>
        %max3A_346 = arith.maximumf %add3A_343, %max3A_345 : vector<16xf32>
        %mul3A_347 = arith.mulf %while3A_280, %broadcast_in_dim3A_308 : vector<16xf32>
        %add3A_348 = arith.addf %mul3A_347, %max3A_346 : vector<16xf32>
        %mul3A_349 = arith.mulf %while3A_288, %broadcast_in_dim3A_308 : vector<16xf32>
        %max3A_350 = arith.maximumf %mul3A_349, %max3A_346 : vector<16xf32>
        %get3A_351 = arith.constant 0 : i32
        %get3A_352 = tpu.memref_slice %arg11[%while3A_276, %get3A_351] : memref<160x128xf32, #tpu.memory_space<vmem>> -> memref<1x128xf32, #tpu.memory_space<vmem>>
        %get3A_353 = tpu.memref_squeeze %get3A_352 : memref<1x128xf32, #tpu.memory_space<vmem>> -> memref<128xf32, #tpu.memory_space<vmem>>
        %get3A_354 = arith.constant 48 : index
        %get3A_355 = tpu.vector_load %get3A_353[%get3A_354] {strides = array<i32>} : memref<128xf32, #tpu.memory_space<vmem>>, vector<16xf32>,
        %mul3A_356 = arith.mulf %get3A_355, %get3A_75 : vector<16xf32>
        %add3A_357 = arith.addf %mul3A_356, %get3A_91 : vector<16xf32>
        %max3A_358 = arith.constant 0.000000e+00 : f32
        %max3A_359 = vector.broadcast %max3A_358 : f32 to vector<16xf32>
        %max3A_360 = arith.maximumf %add3A_357, %max3A_359 : vector<16xf32>
        %mul3A_361 = arith.mulf %while3A_281, %broadcast_in_dim3A_308 : vector<16xf32>
        %add3A_362 = arith.addf %mul3A_361, %max3A_360 : vector<16xf32>
        %mul3A_363 = arith.mulf %while3A_289, %broadcast_in_dim3A_308 : vector<16xf32>
        %max3A_364 = arith.maximumf %mul3A_363, %max3A_360 : vector<16xf32>
        %get3A_365 = arith.constant 0 : i32
        %get3A_366 = tpu.memref_slice %arg11[%while3A_276, %get3A_365] : memref<160x128xf32, #tpu.memory_space<vmem>> -> memref<1x128xf32, #tpu.memory_space<vmem>>
        %get3A_367 = tpu.memref_squeeze %get3A_366 : memref<1x128xf32, #tpu.memory_space<vmem>> -> memref<128xf32, #tpu.memory_space<vmem>>
        %get3A_368 = arith.constant 64 : index
        %get3A_369 = tpu.vector_load %get3A_367[%get3A_368] {strides = array<i32>} : memref<128xf32, #tpu.memory_space<vmem>>, vector<16xf32>,
        %mul3A_370 = arith.mulf %get3A_369, %get3A_77 : vector<16xf32>
        %add3A_371 = arith.addf %mul3A_370, %get3A_93 : vector<16xf32>
        %max3A_372 = arith.constant 0.000000e+00 : f32
        %max3A_373 = vector.broadcast %max3A_372 : f32 to vector<16xf32>
        %max3A_374 = arith.maximumf %add3A_371, %max3A_373 : vector<16xf32>
        %mul3A_375 = arith.mulf %while3A_282, %broadcast_in_dim3A_308 : vector<16xf32>
        %add3A_376 = arith.addf %mul3A_375, %max3A_374 : vector<16xf32>
        %mul3A_377 = arith.mulf %while3A_290, %broadcast_in_dim3A_308 : vector<16xf32>
        %max3A_378 = arith.maximumf %mul3A_377, %max3A_374 : vector<16xf32>
        %get3A_379 = arith.constant 0 : i32
        %get3A_380 = tpu.memref_slice %arg11[%while3A_276, %get3A_379] : memref<160x128xf32, #tpu.memory_space<vmem>> -> memref<1x128xf32, #tpu.memory_space<vmem>>
        %get3A_381 = tpu.memref_squeeze %get3A_380 : memref<1x128xf32, #tpu.memory_space<vmem>> -> memref<128xf32, #tpu.memory_space<vmem>>
        %get3A_382 = arith.constant 80 : index
        %get3A_383 = tpu.vector_load %get3A_381[%get3A_382] {strides = array<i32>} : memref<128xf32, #tpu.memory_space<vmem>>, vector<16xf32>,
        %mul3A_384 = arith.mulf %get3A_383, %get3A_79 : vector<16xf32>
        %add3A_385 = arith.addf %mul3A_384, %get3A_95 : vector<16xf32>
        %max3A_386 = arith.constant 0.000000e+00 : f32
        %max3A_387 = vector.broadcast %max3A_386 : f32 to vector<16xf32>
        %max3A_388 = arith.maximumf %add3A_385, %max3A_387 : vector<16xf32>
        %mul3A_389 = arith.mulf %while3A_283, %broadcast_in_dim3A_308 : vector<16xf32>
        %add3A_390 = arith.addf %mul3A_389, %max3A_388 : vector<16xf32>
        %mul3A_391 = arith.mulf %while3A_291, %broadcast_in_dim3A_308 : vector<16xf32>
        %max3A_392 = arith.maximumf %mul3A_391, %max3A_388 : vector<16xf32>
        %get3A_393 = arith.constant 0 : i32
        %get3A_394 = tpu.memref_slice %arg11[%while3A_276, %get3A_393] : memref<160x128xf32, #tpu.memory_space<vmem>> -> memref<1x128xf32, #tpu.memory_space<vmem>>
        %get3A_395 = tpu.memref_squeeze %get3A_394 : memref<1x128xf32, #tpu.memory_space<vmem>> -> memref<128xf32, #tpu.memory_space<vmem>>
        %get3A_396 = arith.constant 96 : index
        %get3A_397 = tpu.vector_load %get3A_395[%get3A_396] {strides = array<i32>} : memref<128xf32, #tpu.memory_space<vmem>>, vector<16xf32>,
        %mul3A_398 = arith.mulf %get3A_397, %get3A_81 : vector<16xf32>
        %add3A_399 = arith.addf %mul3A_398, %get3A_97 : vector<16xf32>
        %max3A_400 = arith.constant 0.000000e+00 : f32
        %max3A_401 = vector.broadcast %max3A_400 : f32 to vector<16xf32>
        %max3A_402 = arith.maximumf %add3A_399, %max3A_401 : vector<16xf32>
        %mul3A_403 = arith.mulf %while3A_284, %broadcast_in_dim3A_308 : vector<16xf32>
        %add3A_404 = arith.addf %mul3A_403, %max3A_402 : vector<16xf32>
        %mul3A_405 = arith.mulf %while3A_292, %broadcast_in_dim3A_308 : vector<16xf32>
        %max3A_406 = arith.maximumf %mul3A_405, %max3A_402 : vector<16xf32>
        %get3A_407 = arith.constant 0 : i32
        %get3A_408 = tpu.memref_slice %arg11[%while3A_276, %get3A_407] : memref<160x128xf32, #tpu.memory_space<vmem>> -> memref<1x128xf32, #tpu.memory_space<vmem>>
        %get3A_409 = tpu.memref_squeeze %get3A_408 : memref<1x128xf32, #tpu.memory_space<vmem>> -> memref<128xf32, #tpu.memory_space<vmem>>
        %get3A_410 = arith.constant 112 : index
        %get3A_411 = tpu.vector_load %get3A_409[%get3A_410] {strides = array<i32>} : memref<128xf32, #tpu.memory_space<vmem>>, vector<16xf32>,
        %mul3A_412 = arith.mulf %get3A_411, %get3A_83 : vector<16xf32>
        %add3A_413 = arith.addf %mul3A_412, %get3A_99 : vector<16xf32>
        %max3A_414 = arith.constant 0.000000e+00 : f32
        %max3A_415 = vector.broadcast %max3A_414 : f32 to vector<16xf32>
        %max3A_416 = arith.maximumf %add3A_413, %max3A_415 : vector<16xf32>
        %mul3A_417 = arith.mulf %while3A_285, %broadcast_in_dim3A_308 : vector<16xf32>
        %add3A_418 = arith.addf %mul3A_417, %max3A_416 : vector<16xf32>
        %mul3A_419 = arith.mulf %while3A_293, %broadcast_in_dim3A_308 : vector<16xf32>
        %max3A_420 = arith.maximumf %mul3A_419, %max3A_416 : vector<16xf32>
        scf.yield %squeeze3A_297, %add3A_320, %add3A_334, %add3A_348, %add3A_362, %add3A_376, %add3A_390, %add3A_404, %add3A_418, %max3A_322, %max3A_336, %max3A_350, %max3A_364, %max3A_378, %max3A_392, %max3A_406, %max3A_420 : i32, vector<16xf32>, vector<16xf32>, vector<16xf32>, vector<16xf32>, vector<16xf32>, vector<16xf32>, vector<16xf32>, vector<16xf32>, vector<16xf32>, vector<16xf32>, vector<16xf32>, vector<16xf32>, vector<16xf32>, vector<16xf32>, vector<16xf32>, vector<16xf32>
      }
      %while3A_274 = arith.constant 1 : i32
      %while3A_275:17 = scf.for %while3A_276 = %while3A_271 to %while3A_267 step %while3A_274 iter_args(%while3A_277 = %while3A_273#0, %while3A_278 = %while3A_273#1, %while3A_279 = %while3A_273#2, %while3A_280 = %while3A_273#3, %while3A_281 = %while3A_273#4, %while3A_282 = %while3A_273#5, %while3A_283 = %while3A_273#6, %while3A_284 = %while3A_273#7, %while3A_285 = %while3A_273#8, %while3A_286 = %while3A_273#9, %while3A_287 = %while3A_273#10, %while3A_288 = %while3A_273#11, %while3A_289 = %while3A_273#12, %while3A_290 = %while3A_273#13, %while3A_291 = %while3A_273#14, %while3A_292 = %while3A_273#15, %while3A_293 = %while3A_273#16) -> (i32, vector<16xf32>, vector<16xf32>, vector<16xf32>, vector<16xf32>, vector<16xf32>, vector<16xf32>, vector<16xf32>, vector<16xf32>, vector<16xf32>, vector<16xf32>, vector<16xf32>, vector<16xf32>, vector<16xf32>, vector<16xf32>, vector<16xf32>, vector<16xf32>)  : i32 {
        %get3A_294 = arith.index_cast %while3A_276 : i32 to index
        %get3A_295 = tpu.vector_load %arg13[%get3A_294] {strides = array<i32>} : memref<176xi32, #tpu.memory_space<vmem>>, vector<16xi32>,
        %slice3A_296 = vector.extract_strided_slice %get3A_295 {offsets = [0], sizes = [1], strides = [1]} : vector<16xi32> to vector<1xi32>
        %squeeze3A_297 = vector.extract %slice3A_296[0] : i32 from vector<1xi32>
        %ne3A_298 = arith.cmpi ne, %squeeze3A_297, %while3A_277 : i32
        %ge3A_299 = arith.constant 0 : i32
        %ge3A_300 = arith.cmpi sge, %while3A_277, %ge3A_299 : i32
        %and3A_301 = arith.andi %ne3A_298, %ge3A_300 : i1
        %convert_element_type3A_302 = arith.extui %and3A_301 : i1 to i32
        %cond3A_303 = arith.constant 0 : i32
        %cond3A_304 = arith.cmpi ne, %convert_element_type3A_302, %cond3A_303 : i32
        scf.if %cond3A_304 {
          %sub3A_421 = arith.subi %while3A_277, %mul3A_2 : i32
          %mul3A_422 = arith.constant 128 : i32
          %mul3A_423 = arith.muli %sub3A_421, %mul3A_422 : i32
          %add3A_424 = arith.constant 0 : i32
          %add3A_425 = arith.addi %mul3A_423, %add3A_424 : i32
          %swap3A = arith.index_cast %add3A_425 : i32 to index
          %swap3A_426 = tpu.vector_load %arg15[%swap3A] {strides = array<i32>} : memref<40960xf32, #tpu.memory_space<vmem>>, vector<16xf32>,
          tpu.vector_store %arg15[%swap3A], %while3A_278 {strides = array<i32>} : memref<40960xf32, #tpu.memory_space<vmem>>, vector<16xf32>,
          %add3A_427 = arith.constant 0 : i32
          %add3A_428 = arith.addi %mul3A_423, %add3A_427 : i32
          %swap3A_429 = arith.index_cast %add3A_428 : i32 to index
          %swap3A_430 = tpu.vector_load %arg14[%swap3A_429] {strides = array<i32>} : memref<40960xf32, #tpu.memory_space<vmem>>, vector<16xf32>,
          tpu.vector_store %arg14[%swap3A_429], %while3A_286 {strides = array<i32>} : memref<40960xf32, #tpu.memory_space<vmem>>, vector<16xf32>,
          %add3A_431 = arith.constant 16 : i32
          %add3A_432 = arith.addi %mul3A_423, %add3A_431 : i32
          %swap3A_433 = arith.index_cast %add3A_432 : i32 to index
          %swap3A_434 = tpu.vector_load %arg15[%swap3A_433] {strides = array<i32>} : memref<40960xf32, #tpu.memory_space<vmem>>, vector<16xf32>,
          tpu.vector_store %arg15[%swap3A_433], %while3A_279 {strides = array<i32>} : memref<40960xf32, #tpu.memory_space<vmem>>, vector<16xf32>,
          %add3A_435 = arith.constant 16 : i32
          %add3A_436 = arith.addi %mul3A_423, %add3A_435 : i32
          %swap3A_437 = arith.index_cast %add3A_436 : i32 to index
          %swap3A_438 = tpu.vector_load %arg14[%swap3A_437] {strides = array<i32>} : memref<40960xf32, #tpu.memory_space<vmem>>, vector<16xf32>,
          tpu.vector_store %arg14[%swap3A_437], %while3A_287 {strides = array<i32>} : memref<40960xf32, #tpu.memory_space<vmem>>, vector<16xf32>,
          %add3A_439 = arith.constant 32 : i32
          %add3A_440 = arith.addi %mul3A_423, %add3A_439 : i32
          %swap3A_441 = arith.index_cast %add3A_440 : i32 to index
          %swap3A_442 = tpu.vector_load %arg15[%swap3A_441] {strides = array<i32>} : memref<40960xf32, #tpu.memory_space<vmem>>, vector<16xf32>,
          tpu.vector_store %arg15[%swap3A_441], %while3A_280 {strides = array<i32>} : memref<40960xf32, #tpu.memory_space<vmem>>, vector<16xf32>,
          %add3A_443 = arith.constant 32 : i32
          %add3A_444 = arith.addi %mul3A_423, %add3A_443 : i32
          %swap3A_445 = arith.index_cast %add3A_444 : i32 to index
          %swap3A_446 = tpu.vector_load %arg14[%swap3A_445] {strides = array<i32>} : memref<40960xf32, #tpu.memory_space<vmem>>, vector<16xf32>,
          tpu.vector_store %arg14[%swap3A_445], %while3A_288 {strides = array<i32>} : memref<40960xf32, #tpu.memory_space<vmem>>, vector<16xf32>,
          %add3A_447 = arith.constant 48 : i32
          %add3A_448 = arith.addi %mul3A_423, %add3A_447 : i32
          %swap3A_449 = arith.index_cast %add3A_448 : i32 to index
          %swap3A_450 = tpu.vector_load %arg15[%swap3A_449] {strides = array<i32>} : memref<40960xf32, #tpu.memory_space<vmem>>, vector<16xf32>,
          tpu.vector_store %arg15[%swap3A_449], %while3A_281 {strides = array<i32>} : memref<40960xf32, #tpu.memory_space<vmem>>, vector<16xf32>,
          %add3A_451 = arith.constant 48 : i32
          %add3A_452 = arith.addi %mul3A_423, %add3A_451 : i32
          %swap3A_453 = arith.index_cast %add3A_452 : i32 to index
          %swap3A_454 = tpu.vector_load %arg14[%swap3A_453] {strides = array<i32>} : memref<40960xf32, #tpu.memory_space<vmem>>, vector<16xf32>,
          tpu.vector_store %arg14[%swap3A_453], %while3A_289 {strides = array<i32>} : memref<40960xf32, #tpu.memory_space<vmem>>, vector<16xf32>,
          %add3A_455 = arith.constant 64 : i32
          %add3A_456 = arith.addi %mul3A_423, %add3A_455 : i32
          %swap3A_457 = arith.index_cast %add3A_456 : i32 to index
          %swap3A_458 = tpu.vector_load %arg15[%swap3A_457] {strides = array<i32>} : memref<40960xf32, #tpu.memory_space<vmem>>, vector<16xf32>,
          tpu.vector_store %arg15[%swap3A_457], %while3A_282 {strides = array<i32>} : memref<40960xf32, #tpu.memory_space<vmem>>, vector<16xf32>,
          %add3A_459 = arith.constant 64 : i32
          %add3A_460 = arith.addi %mul3A_423, %add3A_459 : i32
          %swap3A_461 = arith.index_cast %add3A_460 : i32 to index
          %swap3A_462 = tpu.vector_load %arg14[%swap3A_461] {strides = array<i32>} : memref<40960xf32, #tpu.memory_space<vmem>>, vector<16xf32>,
          tpu.vector_store %arg14[%swap3A_461], %while3A_290 {strides = array<i32>} : memref<40960xf32, #tpu.memory_space<vmem>>, vector<16xf32>,
          %add3A_463 = arith.constant 80 : i32
          %add3A_464 = arith.addi %mul3A_423, %add3A_463 : i32
          %swap3A_465 = arith.index_cast %add3A_464 : i32 to index
          %swap3A_466 = tpu.vector_load %arg15[%swap3A_465] {strides = array<i32>} : memref<40960xf32, #tpu.memory_space<vmem>>, vector<16xf32>,
          tpu.vector_store %arg15[%swap3A_465], %while3A_283 {strides = array<i32>} : memref<40960xf32, #tpu.memory_space<vmem>>, vector<16xf32>,
          %add3A_467 = arith.constant 80 : i32
          %add3A_468 = arith.addi %mul3A_423, %add3A_467 : i32
          %swap3A_469 = arith.index_cast %add3A_468 : i32 to index
          %swap3A_470 = tpu.vector_load %arg14[%swap3A_469] {strides = array<i32>} : memref<40960xf32, #tpu.memory_space<vmem>>, vector<16xf32>,
          tpu.vector_store %arg14[%swap3A_469], %while3A_291 {strides = array<i32>} : memref<40960xf32, #tpu.memory_space<vmem>>, vector<16xf32>,
          %add3A_471 = arith.constant 96 : i32
          %add3A_472 = arith.addi %mul3A_423, %add3A_471 : i32
          %swap3A_473 = arith.index_cast %add3A_472 : i32 to index
          %swap3A_474 = tpu.vector_load %arg15[%swap3A_473] {strides = array<i32>} : memref<40960xf32, #tpu.memory_space<vmem>>, vector<16xf32>,
          tpu.vector_store %arg15[%swap3A_473], %while3A_284 {strides = array<i32>} : memref<40960xf32, #tpu.memory_space<vmem>>, vector<16xf32>,
          %add3A_475 = arith.constant 96 : i32
          %add3A_476 = arith.addi %mul3A_423, %add3A_475 : i32
          %swap3A_477 = arith.index_cast %add3A_476 : i32 to index
          %swap3A_478 = tpu.vector_load %arg14[%swap3A_477] {strides = array<i32>} : memref<40960xf32, #tpu.memory_space<vmem>>, vector<16xf32>,
          tpu.vector_store %arg14[%swap3A_477], %while3A_292 {strides = array<i32>} : memref<40960xf32, #tpu.memory_space<vmem>>, vector<16xf32>,
          %add3A_479 = arith.constant 112 : i32
          %add3A_480 = arith.addi %mul3A_423, %add3A_479 : i32
          %swap3A_481 = arith.index_cast %add3A_480 : i32 to index
          %swap3A_482 = tpu.vector_load %arg15[%swap3A_481] {strides = array<i32>} : memref<40960xf32, #tpu.memory_space<vmem>>, vector<16xf32>,
          tpu.vector_store %arg15[%swap3A_481], %while3A_285 {strides = array<i32>} : memref<40960xf32, #tpu.memory_space<vmem>>, vector<16xf32>,
          %add3A_483 = arith.constant 112 : i32
          %add3A_484 = arith.addi %mul3A_423, %add3A_483 : i32
          %swap3A_485 = arith.index_cast %add3A_484 : i32 to index
          %swap3A_486 = tpu.vector_load %arg14[%swap3A_485] {strides = array<i32>} : memref<40960xf32, #tpu.memory_space<vmem>>, vector<16xf32>,
          tpu.vector_store %arg14[%swap3A_485], %while3A_293 {strides = array<i32>} : memref<40960xf32, #tpu.memory_space<vmem>>, vector<16xf32>,
        } else {
        }
        %jit3A_305 = arith.constant 0.000000e+00 : f32
        %jit3A_306 = arith.constant 1.000000e+00 : f32
        %select_n3A_307 = arith.select %ne3A_298, %jit3A_305, %jit3A_306 : f32
        %broadcast_in_dim3A_308 = vector.broadcast %select_n3A_307 : f32 to vector<16xf32>
        %get3A_309 = arith.constant 0 : i32
        %get3A_310 = tpu.memref_slice %arg11[%while3A_276, %get3A_309] : memref<160x128xf32, #tpu.memory_space<vmem>> -> memref<1x128xf32, #tpu.memory_space<vmem>>
        %get3A_311 = tpu.memref_squeeze %get3A_310 : memref<1x128xf32, #tpu.memory_space<vmem>> -> memref<128xf32, #tpu.memory_space<vmem>>
        %get3A_312 = arith.constant 0 : index
        %get3A_313 = tpu.vector_load %get3A_311[%get3A_312] {strides = array<i32>} : memref<128xf32, #tpu.memory_space<vmem>>, vector<16xf32>,
        %mul3A_314 = arith.mulf %get3A_313, %get3A_69 : vector<16xf32>
        %add3A_315 = arith.addf %mul3A_314, %get3A_85 : vector<16xf32>
        %max3A_316 = arith.constant 0.000000e+00 : f32
        %max3A_317 = vector.broadcast %max3A_316 : f32 to vector<16xf32>
        %max3A_318 = arith.maximumf %add3A_315, %max3A_317 : vector<16xf32>
        %mul3A_319 = arith.mulf %while3A_278, %broadcast_in_dim3A_308 : vector<16xf32>
        %add3A_320 = arith.addf %mul3A_319, %max3A_318 : vector<16xf32>
        %mul3A_321 = arith.mulf %while3A_286, %broadcast_in_dim3A_308 : vector<16xf32>
        %max3A_322 = arith.maximumf %mul3A_321, %max3A_318 : vector<16xf32>
        %get3A_323 = arith.constant 0 : i32
        %get3A_324 = tpu.memref_slice %arg11[%while3A_276, %get3A_323] : memref<160x128xf32, #tpu.memory_space<vmem>> -> memref<1x128xf32, #tpu.memory_space<vmem>>
        %get3A_325 = tpu.memref_squeeze %get3A_324 : memref<1x128xf32, #tpu.memory_space<vmem>> -> memref<128xf32, #tpu.memory_space<vmem>>
        %get3A_326 = arith.constant 16 : index
        %get3A_327 = tpu.vector_load %get3A_325[%get3A_326] {strides = array<i32>} : memref<128xf32, #tpu.memory_space<vmem>>, vector<16xf32>,
        %mul3A_328 = arith.mulf %get3A_327, %get3A_71 : vector<16xf32>
        %add3A_329 = arith.addf %mul3A_328, %get3A_87 : vector<16xf32>
        %max3A_330 = arith.constant 0.000000e+00 : f32
        %max3A_331 = vector.broadcast %max3A_330 : f32 to vector<16xf32>
        %max3A_332 = arith.maximumf %add3A_329, %max3A_331 : vector<16xf32>
        %mul3A_333 = arith.mulf %while3A_279, %broadcast_in_dim3A_308 : vector<16xf32>
        %add3A_334 = arith.addf %mul3A_333, %max3A_332 : vector<16xf32>
        %mul3A_335 = arith.mulf %while3A_287, %broadcast_in_dim3A_308 : vector<16xf32>
        %max3A_336 = arith.maximumf %mul3A_335, %max3A_332 : vector<16xf32>
        %get3A_337 = arith.constant 0 : i32
        %get3A_338 = tpu.memref_slice %arg11[%while3A_276, %get3A_337] : memref<160x128xf32, #tpu.memory_space<vmem>> -> memref<1x128xf32, #tpu.memory_space<vmem>>
        %get3A_339 = tpu.memref_squeeze %get3A_338 : memref<1x128xf32, #tpu.memory_space<vmem>> -> memref<128xf32, #tpu.memory_space<vmem>>
        %get3A_340 = arith.constant 32 : index
        %get3A_341 = tpu.vector_load %get3A_339[%get3A_340] {strides = array<i32>} : memref<128xf32, #tpu.memory_space<vmem>>, vector<16xf32>,
        %mul3A_342 = arith.mulf %get3A_341, %get3A_73 : vector<16xf32>
        %add3A_343 = arith.addf %mul3A_342, %get3A_89 : vector<16xf32>
        %max3A_344 = arith.constant 0.000000e+00 : f32
        %max3A_345 = vector.broadcast %max3A_344 : f32 to vector<16xf32>
        %max3A_346 = arith.maximumf %add3A_343, %max3A_345 : vector<16xf32>
        %mul3A_347 = arith.mulf %while3A_280, %broadcast_in_dim3A_308 : vector<16xf32>
        %add3A_348 = arith.addf %mul3A_347, %max3A_346 : vector<16xf32>
        %mul3A_349 = arith.mulf %while3A_288, %broadcast_in_dim3A_308 : vector<16xf32>
        %max3A_350 = arith.maximumf %mul3A_349, %max3A_346 : vector<16xf32>
        %get3A_351 = arith.constant 0 : i32
        %get3A_352 = tpu.memref_slice %arg11[%while3A_276, %get3A_351] : memref<160x128xf32, #tpu.memory_space<vmem>> -> memref<1x128xf32, #tpu.memory_space<vmem>>
        %get3A_353 = tpu.memref_squeeze %get3A_352 : memref<1x128xf32, #tpu.memory_space<vmem>> -> memref<128xf32, #tpu.memory_space<vmem>>
        %get3A_354 = arith.constant 48 : index
        %get3A_355 = tpu.vector_load %get3A_353[%get3A_354] {strides = array<i32>} : memref<128xf32, #tpu.memory_space<vmem>>, vector<16xf32>,
        %mul3A_356 = arith.mulf %get3A_355, %get3A_75 : vector<16xf32>
        %add3A_357 = arith.addf %mul3A_356, %get3A_91 : vector<16xf32>
        %max3A_358 = arith.constant 0.000000e+00 : f32
        %max3A_359 = vector.broadcast %max3A_358 : f32 to vector<16xf32>
        %max3A_360 = arith.maximumf %add3A_357, %max3A_359 : vector<16xf32>
        %mul3A_361 = arith.mulf %while3A_281, %broadcast_in_dim3A_308 : vector<16xf32>
        %add3A_362 = arith.addf %mul3A_361, %max3A_360 : vector<16xf32>
        %mul3A_363 = arith.mulf %while3A_289, %broadcast_in_dim3A_308 : vector<16xf32>
        %max3A_364 = arith.maximumf %mul3A_363, %max3A_360 : vector<16xf32>
        %get3A_365 = arith.constant 0 : i32
        %get3A_366 = tpu.memref_slice %arg11[%while3A_276, %get3A_365] : memref<160x128xf32, #tpu.memory_space<vmem>> -> memref<1x128xf32, #tpu.memory_space<vmem>>
        %get3A_367 = tpu.memref_squeeze %get3A_366 : memref<1x128xf32, #tpu.memory_space<vmem>> -> memref<128xf32, #tpu.memory_space<vmem>>
        %get3A_368 = arith.constant 64 : index
        %get3A_369 = tpu.vector_load %get3A_367[%get3A_368] {strides = array<i32>} : memref<128xf32, #tpu.memory_space<vmem>>, vector<16xf32>,
        %mul3A_370 = arith.mulf %get3A_369, %get3A_77 : vector<16xf32>
        %add3A_371 = arith.addf %mul3A_370, %get3A_93 : vector<16xf32>
        %max3A_372 = arith.constant 0.000000e+00 : f32
        %max3A_373 = vector.broadcast %max3A_372 : f32 to vector<16xf32>
        %max3A_374 = arith.maximumf %add3A_371, %max3A_373 : vector<16xf32>
        %mul3A_375 = arith.mulf %while3A_282, %broadcast_in_dim3A_308 : vector<16xf32>
        %add3A_376 = arith.addf %mul3A_375, %max3A_374 : vector<16xf32>
        %mul3A_377 = arith.mulf %while3A_290, %broadcast_in_dim3A_308 : vector<16xf32>
        %max3A_378 = arith.maximumf %mul3A_377, %max3A_374 : vector<16xf32>
        %get3A_379 = arith.constant 0 : i32
        %get3A_380 = tpu.memref_slice %arg11[%while3A_276, %get3A_379] : memref<160x128xf32, #tpu.memory_space<vmem>> -> memref<1x128xf32, #tpu.memory_space<vmem>>
        %get3A_381 = tpu.memref_squeeze %get3A_380 : memref<1x128xf32, #tpu.memory_space<vmem>> -> memref<128xf32, #tpu.memory_space<vmem>>
        %get3A_382 = arith.constant 80 : index
        %get3A_383 = tpu.vector_load %get3A_381[%get3A_382] {strides = array<i32>} : memref<128xf32, #tpu.memory_space<vmem>>, vector<16xf32>,
        %mul3A_384 = arith.mulf %get3A_383, %get3A_79 : vector<16xf32>
        %add3A_385 = arith.addf %mul3A_384, %get3A_95 : vector<16xf32>
        %max3A_386 = arith.constant 0.000000e+00 : f32
        %max3A_387 = vector.broadcast %max3A_386 : f32 to vector<16xf32>
        %max3A_388 = arith.maximumf %add3A_385, %max3A_387 : vector<16xf32>
        %mul3A_389 = arith.mulf %while3A_283, %broadcast_in_dim3A_308 : vector<16xf32>
        %add3A_390 = arith.addf %mul3A_389, %max3A_388 : vector<16xf32>
        %mul3A_391 = arith.mulf %while3A_291, %broadcast_in_dim3A_308 : vector<16xf32>
        %max3A_392 = arith.maximumf %mul3A_391, %max3A_388 : vector<16xf32>
        %get3A_393 = arith.constant 0 : i32
        %get3A_394 = tpu.memref_slice %arg11[%while3A_276, %get3A_393] : memref<160x128xf32, #tpu.memory_space<vmem>> -> memref<1x128xf32, #tpu.memory_space<vmem>>
        %get3A_395 = tpu.memref_squeeze %get3A_394 : memref<1x128xf32, #tpu.memory_space<vmem>> -> memref<128xf32, #tpu.memory_space<vmem>>
        %get3A_396 = arith.constant 96 : index
        %get3A_397 = tpu.vector_load %get3A_395[%get3A_396] {strides = array<i32>} : memref<128xf32, #tpu.memory_space<vmem>>, vector<16xf32>,
        %mul3A_398 = arith.mulf %get3A_397, %get3A_81 : vector<16xf32>
        %add3A_399 = arith.addf %mul3A_398, %get3A_97 : vector<16xf32>
        %max3A_400 = arith.constant 0.000000e+00 : f32
        %max3A_401 = vector.broadcast %max3A_400 : f32 to vector<16xf32>
        %max3A_402 = arith.maximumf %add3A_399, %max3A_401 : vector<16xf32>
        %mul3A_403 = arith.mulf %while3A_284, %broadcast_in_dim3A_308 : vector<16xf32>
        %add3A_404 = arith.addf %mul3A_403, %max3A_402 : vector<16xf32>
        %mul3A_405 = arith.mulf %while3A_292, %broadcast_in_dim3A_308 : vector<16xf32>
        %max3A_406 = arith.maximumf %mul3A_405, %max3A_402 : vector<16xf32>
        %get3A_407 = arith.constant 0 : i32
        %get3A_408 = tpu.memref_slice %arg11[%while3A_276, %get3A_407] : memref<160x128xf32, #tpu.memory_space<vmem>> -> memref<1x128xf32, #tpu.memory_space<vmem>>
        %get3A_409 = tpu.memref_squeeze %get3A_408 : memref<1x128xf32, #tpu.memory_space<vmem>> -> memref<128xf32, #tpu.memory_space<vmem>>
        %get3A_410 = arith.constant 112 : index
        %get3A_411 = tpu.vector_load %get3A_409[%get3A_410] {strides = array<i32>} : memref<128xf32, #tpu.memory_space<vmem>>, vector<16xf32>,
        %mul3A_412 = arith.mulf %get3A_411, %get3A_83 : vector<16xf32>
        %add3A_413 = arith.addf %mul3A_412, %get3A_99 : vector<16xf32>
        %max3A_414 = arith.constant 0.000000e+00 : f32
        %max3A_415 = vector.broadcast %max3A_414 : f32 to vector<16xf32>
        %max3A_416 = arith.maximumf %add3A_413, %max3A_415 : vector<16xf32>
        %mul3A_417 = arith.mulf %while3A_285, %broadcast_in_dim3A_308 : vector<16xf32>
        %add3A_418 = arith.addf %mul3A_417, %max3A_416 : vector<16xf32>
        %mul3A_419 = arith.mulf %while3A_293, %broadcast_in_dim3A_308 : vector<16xf32>
        %max3A_420 = arith.maximumf %mul3A_419, %max3A_416 : vector<16xf32>
        scf.yield %squeeze3A_297, %add3A_320, %add3A_334, %add3A_348, %add3A_362, %add3A_376, %add3A_390, %add3A_404, %add3A_418, %max3A_322, %max3A_336, %max3A_350, %max3A_364, %max3A_378, %max3A_392, %max3A_406, %max3A_420 : i32, vector<16xf32>, vector<16xf32>, vector<16xf32>, vector<16xf32>, vector<16xf32>, vector<16xf32>, vector<16xf32>, vector<16xf32>, vector<16xf32>, vector<16xf32>, vector<16xf32>, vector<16xf32>, vector<16xf32>, vector<16xf32>, vector<16xf32>, vector<16xf32>
      }
      scf.yield %while3A_275#0, %while3A_275#1, %while3A_275#2, %while3A_275#3, %while3A_275#4, %while3A_275#5, %while3A_275#6, %while3A_275#7, %while3A_275#8, %while3A_275#9, %while3A_275#10, %while3A_275#11, %while3A_275#12, %while3A_275#13, %while3A_275#14, %while3A_275#15, %while3A_275#16 : i32, vector<16xf32>, vector<16xf32>, vector<16xf32>, vector<16xf32>, vector<16xf32>, vector<16xf32>, vector<16xf32>, vector<16xf32>, vector<16xf32>, vector<16xf32>, vector<16xf32>, vector<16xf32>, vector<16xf32>, vector<16xf32>, vector<16xf32>, vector<16xf32>
    }
    %dma_wait3A = arith.constant 0 : i32
    %dma_wait3A_137 = arith.constant 0 : i32
    %dma_wait3A_138 = tpu.memref_slice %arg2[%dma_wait3A, %dma_wait3A_137] : memref<320000x128xf32, #tpu.memory_space<hbm>> -> memref<160x128xf32, #tpu.memory_space<hbm>>
    %dma_wait3A_139 = arith.constant 0 : i32
    %dma_wait3A_140 = arith.constant 0 : i32
    %dma_wait3A_141 = tpu.memref_slice %arg2[%dma_wait3A_139, %dma_wait3A_140] : memref<320000x128xf32, #tpu.memory_space<hbm>> -> memref<160x128xf32, #tpu.memory_space<hbm>>
    tpu.wait_dma2 semaphore(%arg16 : memref<!tpu.dma_semaphore, #tpu.memory_space<semaphore_mem>>) src(%dma_wait3A_141 : memref<160x128xf32, #tpu.memory_space<hbm>>) dst(%arg10 : memref<160x128xf32, #tpu.memory_space<vmem>>)
    %dma_wait3A_142 = arith.constant 0 : i32
    %dma_wait3A_143 = tpu.memref_slice %arg12[%dma_wait3A_142] : memref<176xi32, #tpu.memory_space<vmem>> -> memref<160xi32, #tpu.memory_space<vmem>>
    %dma_wait3A_144 = arith.constant 0 : i32
    %dma_wait3A_145 = tpu.memref_slice %arg3[%dma_wait3A_144] : memref<320000xi32, #tpu.memory_space<hbm>> -> memref<160xi32, #tpu.memory_space<hbm>>
    %dma_wait3A_146 = arith.constant 0 : i32
    %dma_wait3A_147 = tpu.memref_slice %arg12[%dma_wait3A_146] : memref<176xi32, #tpu.memory_space<vmem>> -> memref<160xi32, #tpu.memory_space<vmem>>
    %dma_wait3A_148 = arith.constant 0 : i32
    %dma_wait3A_149 = tpu.memref_slice %arg3[%dma_wait3A_148] : memref<320000xi32, #tpu.memory_space<hbm>> -> memref<160xi32, #tpu.memory_space<hbm>>
    tpu.wait_dma2 semaphore(%arg18 : memref<!tpu.dma_semaphore, #tpu.memory_space<semaphore_mem>>) src(%dma_wait3A_149 : memref<160xi32, #tpu.memory_space<hbm>>) dst(%dma_wait3A_147 : memref<160xi32, #tpu.memory_space<vmem>>)
    %ge3A = arith.constant 0 : i32
    %ge3A_150 = arith.cmpi sge, %while3A_136#0, %ge3A : i32
    %convert_element_type3A = arith.extui %ge3A_150 : i1 to i32
    %cond3A = arith.constant 0 : i32
    %cond3A_151 = arith.cmpi ne, %convert_element_type3A, %cond3A : i32
    scf.if %cond3A_151 {
      %sub3A_156 = arith.subi %while3A_136#0, %mul3A_2 : i32
      %mul3A_157 = arith.constant 128 : i32
      %mul3A_158 = arith.muli %sub3A_156, %mul3A_157 : i32
      %add3A_159 = arith.constant 0 : i32
      %add3A_160 = arith.addi %mul3A_158, %add3A_159 : i32
      %swap3A = arith.index_cast %add3A_160 : i32 to index
      %swap3A_161 = tpu.vector_load %arg15[%swap3A] {strides = array<i32>} : memref<40960xf32, #tpu.memory_space<vmem>>, vector<16xf32>,
      tpu.vector_store %arg15[%swap3A], %while3A_136#1 {strides = array<i32>} : memref<40960xf32, #tpu.memory_space<vmem>>, vector<16xf32>,
      %add3A_162 = arith.constant 0 : i32
      %add3A_163 = arith.addi %mul3A_158, %add3A_162 : i32
      %swap3A_164 = arith.index_cast %add3A_163 : i32 to index
      %swap3A_165 = tpu.vector_load %arg14[%swap3A_164] {strides = array<i32>} : memref<40960xf32, #tpu.memory_space<vmem>>, vector<16xf32>,
      tpu.vector_store %arg14[%swap3A_164], %while3A_136#9 {strides = array<i32>} : memref<40960xf32, #tpu.memory_space<vmem>>, vector<16xf32>,
      %add3A_166 = arith.constant 16 : i32
      %add3A_167 = arith.addi %mul3A_158, %add3A_166 : i32
      %swap3A_168 = arith.index_cast %add3A_167 : i32 to index
      %swap3A_169 = tpu.vector_load %arg15[%swap3A_168] {strides = array<i32>} : memref<40960xf32, #tpu.memory_space<vmem>>, vector<16xf32>,
      tpu.vector_store %arg15[%swap3A_168], %while3A_136#2 {strides = array<i32>} : memref<40960xf32, #tpu.memory_space<vmem>>, vector<16xf32>,
      %add3A_170 = arith.constant 16 : i32
      %add3A_171 = arith.addi %mul3A_158, %add3A_170 : i32
      %swap3A_172 = arith.index_cast %add3A_171 : i32 to index
      %swap3A_173 = tpu.vector_load %arg14[%swap3A_172] {strides = array<i32>} : memref<40960xf32, #tpu.memory_space<vmem>>, vector<16xf32>,
      tpu.vector_store %arg14[%swap3A_172], %while3A_136#10 {strides = array<i32>} : memref<40960xf32, #tpu.memory_space<vmem>>, vector<16xf32>,
      %add3A_174 = arith.constant 32 : i32
      %add3A_175 = arith.addi %mul3A_158, %add3A_174 : i32
      %swap3A_176 = arith.index_cast %add3A_175 : i32 to index
      %swap3A_177 = tpu.vector_load %arg15[%swap3A_176] {strides = array<i32>} : memref<40960xf32, #tpu.memory_space<vmem>>, vector<16xf32>,
      tpu.vector_store %arg15[%swap3A_176], %while3A_136#3 {strides = array<i32>} : memref<40960xf32, #tpu.memory_space<vmem>>, vector<16xf32>,
      %add3A_178 = arith.constant 32 : i32
      %add3A_179 = arith.addi %mul3A_158, %add3A_178 : i32
      %swap3A_180 = arith.index_cast %add3A_179 : i32 to index
      %swap3A_181 = tpu.vector_load %arg14[%swap3A_180] {strides = array<i32>} : memref<40960xf32, #tpu.memory_space<vmem>>, vector<16xf32>,
      tpu.vector_store %arg14[%swap3A_180], %while3A_136#11 {strides = array<i32>} : memref<40960xf32, #tpu.memory_space<vmem>>, vector<16xf32>,
      %add3A_182 = arith.constant 48 : i32
      %add3A_183 = arith.addi %mul3A_158, %add3A_182 : i32
      %swap3A_184 = arith.index_cast %add3A_183 : i32 to index
      %swap3A_185 = tpu.vector_load %arg15[%swap3A_184] {strides = array<i32>} : memref<40960xf32, #tpu.memory_space<vmem>>, vector<16xf32>,
      tpu.vector_store %arg15[%swap3A_184], %while3A_136#4 {strides = array<i32>} : memref<40960xf32, #tpu.memory_space<vmem>>, vector<16xf32>,
      %add3A_186 = arith.constant 48 : i32
      %add3A_187 = arith.addi %mul3A_158, %add3A_186 : i32
      %swap3A_188 = arith.index_cast %add3A_187 : i32 to index
      %swap3A_189 = tpu.vector_load %arg14[%swap3A_188] {strides = array<i32>} : memref<40960xf32, #tpu.memory_space<vmem>>, vector<16xf32>,
      tpu.vector_store %arg14[%swap3A_188], %while3A_136#12 {strides = array<i32>} : memref<40960xf32, #tpu.memory_space<vmem>>, vector<16xf32>,
      %add3A_190 = arith.constant 64 : i32
      %add3A_191 = arith.addi %mul3A_158, %add3A_190 : i32
      %swap3A_192 = arith.index_cast %add3A_191 : i32 to index
      %swap3A_193 = tpu.vector_load %arg15[%swap3A_192] {strides = array<i32>} : memref<40960xf32, #tpu.memory_space<vmem>>, vector<16xf32>,
      tpu.vector_store %arg15[%swap3A_192], %while3A_136#5 {strides = array<i32>} : memref<40960xf32, #tpu.memory_space<vmem>>, vector<16xf32>,
      %add3A_194 = arith.constant 64 : i32
      %add3A_195 = arith.addi %mul3A_158, %add3A_194 : i32
      %swap3A_196 = arith.index_cast %add3A_195 : i32 to index
      %swap3A_197 = tpu.vector_load %arg14[%swap3A_196] {strides = array<i32>} : memref<40960xf32, #tpu.memory_space<vmem>>, vector<16xf32>,
      tpu.vector_store %arg14[%swap3A_196], %while3A_136#13 {strides = array<i32>} : memref<40960xf32, #tpu.memory_space<vmem>>, vector<16xf32>,
      %add3A_198 = arith.constant 80 : i32
      %add3A_199 = arith.addi %mul3A_158, %add3A_198 : i32
      %swap3A_200 = arith.index_cast %add3A_199 : i32 to index
      %swap3A_201 = tpu.vector_load %arg15[%swap3A_200] {strides = array<i32>} : memref<40960xf32, #tpu.memory_space<vmem>>, vector<16xf32>,
      tpu.vector_store %arg15[%swap3A_200], %while3A_136#6 {strides = array<i32>} : memref<40960xf32, #tpu.memory_space<vmem>>, vector<16xf32>,
      %add3A_202 = arith.constant 80 : i32
      %add3A_203 = arith.addi %mul3A_158, %add3A_202 : i32
      %swap3A_204 = arith.index_cast %add3A_203 : i32 to index
      %swap3A_205 = tpu.vector_load %arg14[%swap3A_204] {strides = array<i32>} : memref<40960xf32, #tpu.memory_space<vmem>>, vector<16xf32>,
      tpu.vector_store %arg14[%swap3A_204], %while3A_136#14 {strides = array<i32>} : memref<40960xf32, #tpu.memory_space<vmem>>, vector<16xf32>,
      %add3A_206 = arith.constant 96 : i32
      %add3A_207 = arith.addi %mul3A_158, %add3A_206 : i32
      %swap3A_208 = arith.index_cast %add3A_207 : i32 to index
      %swap3A_209 = tpu.vector_load %arg15[%swap3A_208] {strides = array<i32>} : memref<40960xf32, #tpu.memory_space<vmem>>, vector<16xf32>,
      tpu.vector_store %arg15[%swap3A_208], %while3A_136#7 {strides = array<i32>} : memref<40960xf32, #tpu.memory_space<vmem>>, vector<16xf32>,
      %add3A_210 = arith.constant 96 : i32
      %add3A_211 = arith.addi %mul3A_158, %add3A_210 : i32
      %swap3A_212 = arith.index_cast %add3A_211 : i32 to index
      %swap3A_213 = tpu.vector_load %arg14[%swap3A_212] {strides = array<i32>} : memref<40960xf32, #tpu.memory_space<vmem>>, vector<16xf32>,
      tpu.vector_store %arg14[%swap3A_212], %while3A_136#15 {strides = array<i32>} : memref<40960xf32, #tpu.memory_space<vmem>>, vector<16xf32>,
      %add3A_214 = arith.constant 112 : i32
      %add3A_215 = arith.addi %mul3A_158, %add3A_214 : i32
      %swap3A_216 = arith.index_cast %add3A_215 : i32 to index
      %swap3A_217 = tpu.vector_load %arg15[%swap3A_216] {strides = array<i32>} : memref<40960xf32, #tpu.memory_space<vmem>>, vector<16xf32>,
      tpu.vector_store %arg15[%swap3A_216], %while3A_136#8 {strides = array<i32>} : memref<40960xf32, #tpu.memory_space<vmem>>, vector<16xf32>,
      %add3A_218 = arith.constant 112 : i32
      %add3A_219 = arith.addi %mul3A_158, %add3A_218 : i32
      %swap3A_220 = arith.index_cast %add3A_219 : i32 to index
      %swap3A_221 = tpu.vector_load %arg14[%swap3A_220] {strides = array<i32>} : memref<40960xf32, #tpu.memory_space<vmem>>, vector<16xf32>,
      tpu.vector_store %arg14[%swap3A_220], %while3A_136#16 {strides = array<i32>} : memref<40960xf32, #tpu.memory_space<vmem>>, vector<16xf32>,
    } else {
    }
    %mul3A_152 = arith.constant 128 : i32
    %mul3A_153 = arith.muli %mul3A_2, %mul3A_152 : i32
    "tpu.region"() ({
      %run_scoped3A = tpu.sem_alloc : memref<!tpu.dma_semaphore, #tpu.memory_space<semaphore_mem>>
      %dma_start3A_156 = tpu.memref_slice %arg6[%mul3A_153] : memref<1310720xf32, #tpu.memory_space<hbm>> -> memref<40960xf32, #tpu.memory_space<hbm>>
      %dma_start3A_157 = tpu.memref_slice %arg6[%mul3A_153] : memref<1310720xf32, #tpu.memory_space<hbm>> -> memref<40960xf32, #tpu.memory_space<hbm>>
      tpu.enqueue_dma source(%arg14 : memref<40960xf32, #tpu.memory_space<vmem>>) target(%dma_start3A_157 : memref<40960xf32, #tpu.memory_space<hbm>>) target_semaphore(%run_scoped3A : memref<!tpu.dma_semaphore, #tpu.memory_space<semaphore_mem>>)
      %dma_wait3A_158 = tpu.memref_slice %arg6[%mul3A_153] : memref<1310720xf32, #tpu.memory_space<hbm>> -> memref<40960xf32, #tpu.memory_space<hbm>>
      %dma_wait3A_159 = tpu.memref_slice %arg6[%mul3A_153] : memref<1310720xf32, #tpu.memory_space<hbm>> -> memref<40960xf32, #tpu.memory_space<hbm>>
      tpu.wait_dma2 semaphore(%run_scoped3A : memref<!tpu.dma_semaphore, #tpu.memory_space<semaphore_mem>>) src(%arg14 : memref<40960xf32, #tpu.memory_space<vmem>>) dst(%dma_wait3A_159 : memref<40960xf32, #tpu.memory_space<hbm>>)
      tpu.yield
    }) : () -> ()
    %mul3A_154 = arith.constant 128 : i32
    %mul3A_155 = arith.muli %mul3A_2, %mul3A_154 : i32
    "tpu.region"() ({
      %run_scoped3A = tpu.sem_alloc : memref<!tpu.dma_semaphore, #tpu.memory_space<semaphore_mem>>
      %dma_start3A_156 = tpu.memref_slice %arg7[%mul3A_155] : memref<1310720xf32, #tpu.memory_space<hbm>> -> memref<40960xf32, #tpu.memory_space<hbm>>
      %dma_start3A_157 = tpu.memref_slice %arg7[%mul3A_155] : memref<1310720xf32, #tpu.memory_space<hbm>> -> memref<40960xf32, #tpu.memory_space<hbm>>
      tpu.enqueue_dma source(%arg15 : memref<40960xf32, #tpu.memory_space<vmem>>) target(%dma_start3A_157 : memref<40960xf32, #tpu.memory_space<hbm>>) target_semaphore(%run_scoped3A : memref<!tpu.dma_semaphore, #tpu.memory_space<semaphore_mem>>)
      %dma_wait3A_158 = tpu.memref_slice %arg7[%mul3A_155] : memref<1310720xf32, #tpu.memory_space<hbm>> -> memref<40960xf32, #tpu.memory_space<hbm>>
      %dma_wait3A_159 = tpu.memref_slice %arg7[%mul3A_155] : memref<1310720xf32, #tpu.memory_space<hbm>> -> memref<40960xf32, #tpu.memory_space<hbm>>
      tpu.wait_dma2 semaphore(%run_scoped3A : memref<!tpu.dma_semaphore, #tpu.memory_space<semaphore_mem>>) src(%arg15 : memref<40960xf32, #tpu.memory_space<vmem>>) dst(%dma_wait3A_159 : memref<40960xf32, #tpu.memory_space<hbm>>)
      tpu.yield
    }) : () -> ()
    return
  }
}

module attributes {stable_mosaic.version = 14 : i64} {
  func.func @_mm_stats_body(%arg0: i32, %arg1: memref<8000x128xf32, #tpu.memory_space<vmem>>, %arg2: memref<128x128xf32, #tpu.memory_space<vmem>>, %arg3: memref<1x128xf32, #tpu.memory_space<vmem>>, %arg4: memref<1x128xf32, #tpu.memory_space<vmem>>, %arg5: memref<8000x128xf32, #tpu.memory_space<vmem>>, %arg6: memref<2x128xf32, #tpu.memory_space<vmem>>, %arg7: memref<1x128xf32, #tpu.memory_space<vmem>>, %arg8: memref<1x128xf32, #tpu.memory_space<vmem>>) attributes {dimension_semantics = [#tpu.dimension_semantics<arbitrary>], iteration_bounds = array<i64: 40>, scalar_prefetch = 0 : i64, scratch_operands = 2 : i64, tpu.core_type = #tpu.core_type<tc>, window_params = [{transform_indices = @transform_0, window_bounds = array<i64: 8000, 128>}, {pipeline_mode = #tpu.pipeline_mode<synchronous>, transform_indices = @transform_1, window_bounds = array<i64: 128, 128>}, {pipeline_mode = #tpu.pipeline_mode<synchronous>, transform_indices = @transform_2, window_bounds = array<i64: 1, 128>}, {pipeline_mode = #tpu.pipeline_mode<synchronous>, transform_indices = @transform_3, window_bounds = array<i64: 1, 128>}, {transform_indices = @transform_4, window_bounds = array<i64: 8000, 128>}, {pipeline_mode = #tpu.pipeline_mode<synchronous>, transform_indices = @transform_5, window_bounds = array<i64: 2, 128>}]} {
    %get3A = arith.constant 0 : index
    %get3A_0 = arith.constant 0 : index
    %get3A_1 = vector.load %arg1[%get3A, %get3A_0] : memref<8000x128xf32, #tpu.memory_space<vmem>>, vector<8000x128xf32>
    %get3A_2 = arith.constant 0 : index
    %get3A_3 = arith.constant 0 : index
    %get3A_4 = vector.load %arg2[%get3A_2, %get3A_3] : memref<128x128xf32, #tpu.memory_space<vmem>>, vector<128x128xf32>
    %dot_general3A = arith.constant dense<0.000000e+00> : vector<8000x128xf32>
    %dot_general3A_5 = tpu.matmul %get3A_1, %get3A_4, %dot_general3A {dimension_numbers = #tpu.dot_dimension_numbers<[1], [0], [0], [1], [0, 0, 1, 1], [], []>, transpose_lhs_hint = false} : vector<8000x128xf32>, vector<128x128xf32>, vector<8000x128xf32> -> vector<8000x128xf32>
    %swap3A = arith.constant 0 : index
    %swap3A_6 = arith.constant 0 : index
    %swap3A_7 = vector.load %arg5[%swap3A, %swap3A_6] : memref<8000x128xf32, #tpu.memory_space<vmem>>, vector<8000x128xf32>
    tpu.vector_store %arg5[%swap3A, %swap3A_6], %dot_general3A_5 {strides = array<i32>} : memref<8000x128xf32, #tpu.memory_space<vmem>>, vector<8000x128xf32>,
    %eq3A = arith.constant 0 : i32
    %eq3A_8 = arith.cmpi eq, %arg0, %eq3A : i32
    %convert_element_type3A = arith.extui %eq3A_8 : i1 to i32
    %cond3A = arith.constant 0 : i32
    %cond3A_9 = arith.cmpi ne, %convert_element_type3A, %cond3A : i32
    scf.if %cond3A_9 {
      %broadcast_in_dim3A_32 = arith.constant 0.000000e+00 : f32
      %broadcast_in_dim3A_33 = vector.broadcast %broadcast_in_dim3A_32 : f32 to vector<1x128xf32>
      %swap3A_34 = arith.constant 0 : index
      %swap3A_35 = arith.constant 0 : index
      %swap3A_36 = vector.load %arg7[%swap3A_34, %swap3A_35] : memref<1x128xf32, #tpu.memory_space<vmem>>, vector<1x128xf32>
      tpu.vector_store %arg7[%swap3A_34, %swap3A_35], %broadcast_in_dim3A_33 {strides = array<i32>} : memref<1x128xf32, #tpu.memory_space<vmem>>, vector<1x128xf32>,
      %broadcast_in_dim3A_37 = arith.constant 0.000000e+00 : f32
      %broadcast_in_dim3A_38 = vector.broadcast %broadcast_in_dim3A_37 : f32 to vector<1x128xf32>
      %swap3A_39 = arith.constant 0 : index
      %swap3A_40 = arith.constant 0 : index
      %swap3A_41 = vector.load %arg8[%swap3A_39, %swap3A_40] : memref<1x128xf32, #tpu.memory_space<vmem>>, vector<1x128xf32>
      tpu.vector_store %arg8[%swap3A_39, %swap3A_40], %broadcast_in_dim3A_38 {strides = array<i32>} : memref<1x128xf32, #tpu.memory_space<vmem>>, vector<1x128xf32>,
    } else {
    }
    %get3A_10 = arith.constant 0 : index
    %get3A_11 = arith.constant 0 : index
    %get3A_12 = vector.load %arg7[%get3A_10, %get3A_11] : memref<1x128xf32, #tpu.memory_space<vmem>>, vector<1x128xf32>
    %reduce_sum3A = arith.constant dense<0.000000e+00> : vector<128xf32>
    %reduce_sum3A_13 = vector.multi_reduction <add>, %dot_general3A_5, %reduce_sum3A [0] : vector<8000x128xf32> to vector<128xf32>
    %broadcast_in_dim3A = vector.shape_cast %reduce_sum3A_13 : vector<128xf32> to vector<1x128xf32>
    %add3A = arith.addf %get3A_12, %broadcast_in_dim3A : vector<1x128xf32>
    %swap3A_14 = arith.constant 0 : index
    %swap3A_15 = arith.constant 0 : index
    %swap3A_16 = vector.load %arg7[%swap3A_14, %swap3A_15] : memref<1x128xf32, #tpu.memory_space<vmem>>, vector<1x128xf32>
    tpu.vector_store %arg7[%swap3A_14, %swap3A_15], %add3A {strides = array<i32>} : memref<1x128xf32, #tpu.memory_space<vmem>>, vector<1x128xf32>,
    %get3A_17 = arith.constant 0 : index
    %get3A_18 = arith.constant 0 : index
    %get3A_19 = vector.load %arg8[%get3A_17, %get3A_18] : memref<1x128xf32, #tpu.memory_space<vmem>>, vector<1x128xf32>
    %mul3A = arith.mulf %dot_general3A_5, %dot_general3A_5 : vector<8000x128xf32>
    %reduce_sum3A_20 = arith.constant dense<0.000000e+00> : vector<128xf32>
    %reduce_sum3A_21 = vector.multi_reduction <add>, %mul3A, %reduce_sum3A_20 [0] : vector<8000x128xf32> to vector<128xf32>
    %broadcast_in_dim3A_22 = vector.shape_cast %reduce_sum3A_21 : vector<128xf32> to vector<1x128xf32>
    %add3A_23 = arith.addf %get3A_19, %broadcast_in_dim3A_22 : vector<1x128xf32>
    %swap3A_24 = arith.constant 0 : index
    %swap3A_25 = arith.constant 0 : index
    %swap3A_26 = vector.load %arg8[%swap3A_24, %swap3A_25] : memref<1x128xf32, #tpu.memory_space<vmem>>, vector<1x128xf32>
    tpu.vector_store %arg8[%swap3A_24, %swap3A_25], %add3A_23 {strides = array<i32>} : memref<1x128xf32, #tpu.memory_space<vmem>>, vector<1x128xf32>,
    %eq3A_27 = arith.constant 39 : i32
    %eq3A_28 = arith.cmpi eq, %arg0, %eq3A_27 : i32
    %convert_element_type3A_29 = arith.extui %eq3A_28 : i1 to i32
    %cond3A_30 = arith.constant 0 : i32
    %cond3A_31 = arith.cmpi ne, %convert_element_type3A_29, %cond3A_30 : i32
    scf.if %cond3A_31 {
      %get3A_32 = arith.constant 0 : index
      %get3A_33 = arith.constant 0 : index
      %get3A_34 = vector.load %arg7[%get3A_32, %get3A_33] : memref<1x128xf32, #tpu.memory_space<vmem>>, vector<1x128xf32>
      %div3A = arith.constant 3.200000e+05 : f32
      %div3A_35 = vector.broadcast %div3A : f32 to vector<1x128xf32>
      %div3A_36 = arith.divf %get3A_34, %div3A_35 : vector<1x128xf32>
      %get3A_37 = arith.constant 0 : index
      %get3A_38 = arith.constant 0 : index
      %get3A_39 = vector.load %arg8[%get3A_37, %get3A_38] : memref<1x128xf32, #tpu.memory_space<vmem>>, vector<1x128xf32>
      %div3A_40 = arith.constant 3.200000e+05 : f32
      %div3A_41 = vector.broadcast %div3A_40 : f32 to vector<1x128xf32>
      %div3A_42 = arith.divf %get3A_39, %div3A_41 : vector<1x128xf32>
      %mul3A_43 = arith.mulf %div3A_36, %div3A_36 : vector<1x128xf32>
      %sub3A = arith.subf %div3A_42, %mul3A_43 : vector<1x128xf32>
      %get3A_44 = arith.constant 0 : index
      %get3A_45 = arith.constant 0 : index
      %get3A_46 = vector.load %arg3[%get3A_44, %get3A_45] : memref<1x128xf32, #tpu.memory_space<vmem>>, vector<1x128xf32>
      %add3A_47 = arith.constant 1.000000e-03 : f32
      %add3A_48 = vector.broadcast %add3A_47 : f32 to vector<1x128xf32>
      %add3A_49 = arith.addf %sub3A, %add3A_48 : vector<1x128xf32>
      %rsqrt3A = math.rsqrt %add3A_49 : vector<1x128xf32>
      %mul3A_50 = arith.mulf %get3A_46, %rsqrt3A : vector<1x128xf32>
      %get3A_51 = arith.constant 0 : index
      %get3A_52 = arith.constant 0 : index
      %get3A_53 = vector.load %arg4[%get3A_51, %get3A_52] : memref<1x128xf32, #tpu.memory_space<vmem>>, vector<1x128xf32>
      %mul3A_54 = arith.mulf %mul3A_50, %div3A_36 : vector<1x128xf32>
      %sub3A_55 = arith.subf %get3A_53, %mul3A_54 : vector<1x128xf32>
      %concatenate3A = tpu.concatenate %mul3A_50, %sub3A_55 in 0 : vector<1x128xf32>, vector<1x128xf32> -> vector<2x128xf32>
      %swap3A_56 = arith.constant 0 : index
      %swap3A_57 = arith.constant 0 : index
      %swap3A_58 = vector.load %arg6[%swap3A_56, %swap3A_57] : memref<2x128xf32, #tpu.memory_space<vmem>>, vector<2x128xf32>
      tpu.vector_store %arg6[%swap3A_56, %swap3A_57], %concatenate3A {strides = array<i32>} : memref<2x128xf32, #tpu.memory_space<vmem>>, vector<2x128xf32>,
    } else {
    }
    return
  }
  func.func @transform_0(%arg0: i32) -> (i32, i32) {
    %c0_i32 = arith.constant 0 : i32
    %c0_i32_0 = arith.constant 0 : i32
    return %arg0, %c0_i32 : i32, i32
  }
  func.func @transform_1(%arg0: i32) -> (i32, i32) {
    %c0_i32 = arith.constant 0 : i32
    %c0_i32_0 = arith.constant 0 : i32
    %c0_i32_1 = arith.constant 0 : i32
    return %c0_i32, %c0_i32_0 : i32, i32
  }
  func.func @transform_2(%arg0: i32) -> (i32, i32) {
    %c0_i32 = arith.constant 0 : i32
    %c0_i32_0 = arith.constant 0 : i32
    %c0_i32_1 = arith.constant 0 : i32
    return %c0_i32, %c0_i32_0 : i32, i32
  }
  func.func @transform_3(%arg0: i32) -> (i32, i32) {
    %c0_i32 = arith.constant 0 : i32
    %c0_i32_0 = arith.constant 0 : i32
    %c0_i32_1 = arith.constant 0 : i32
    return %c0_i32, %c0_i32_0 : i32, i32
  }
  func.func @transform_4(%arg0: i32) -> (i32, i32) {
    %c0_i32 = arith.constant 0 : i32
    %c0_i32_0 = arith.constant 0 : i32
    return %arg0, %c0_i32 : i32, i32
  }
  func.func @transform_5(%arg0: i32) -> (i32, i32) {
    %c0_i32 = arith.constant 0 : i32
    %c0_i32_0 = arith.constant 0 : i32
    %c0_i32_1 = arith.constant 0 : i32
    return %c0_i32, %c0_i32_0 : i32, i32
  }
}

module attributes {stable_mosaic.version = 14 : i64} {
  func.func @_tail_body(%arg0: memref<10000x128xf32, #tpu.memory_space<vmem>>, %arg1: memref<10000x128xf32, #tpu.memory_space<vmem>>, %arg2: memref<128x128xf32, #tpu.memory_space<vmem>>, %arg3: memref<128x128xf32, #tpu.memory_space<vmem>>, %arg4: memref<1x128xf32, #tpu.memory_space<vmem>>, %arg5: memref<1x128xf32, #tpu.memory_space<vmem>>, %arg6: memref<10000x128xf32, #tpu.memory_space<vmem>>) attributes {dimension_semantics = [], scalar_prefetch = 0 : i64, scratch_operands = 0 : i64, tpu.core_type = #tpu.core_type<tc>} {
    %get3A = arith.constant 0 : index
    %get3A_0 = arith.constant 0 : index
    %get3A_1 = vector.load %arg0[%get3A, %get3A_0] : memref<10000x128xf32, #tpu.memory_space<vmem>>, vector<10000x128xf32>
    %get3A_2 = arith.constant 0 : index
    %get3A_3 = arith.constant 0 : index
    %get3A_4 = vector.load %arg2[%get3A_2, %get3A_3] : memref<128x128xf32, #tpu.memory_space<vmem>>, vector<128x128xf32>
    %dot_general3A = arith.constant dense<0.000000e+00> : vector<10000x128xf32>
    %dot_general3A_5 = tpu.matmul %get3A_1, %get3A_4, %dot_general3A {dimension_numbers = #tpu.dot_dimension_numbers<[1], [0], [0], [1], [0, 0, 1, 1], [], []>, transpose_lhs_hint = false} : vector<10000x128xf32>, vector<128x128xf32>, vector<10000x128xf32> -> vector<10000x128xf32>
    %get3A_6 = arith.constant 0 : index
    %get3A_7 = arith.constant 0 : index
    %get3A_8 = vector.load %arg1[%get3A_6, %get3A_7] : memref<10000x128xf32, #tpu.memory_space<vmem>>, vector<10000x128xf32>
    %get3A_9 = arith.constant 0 : index
    %get3A_10 = arith.constant 0 : index
    %get3A_11 = vector.load %arg3[%get3A_9, %get3A_10] : memref<128x128xf32, #tpu.memory_space<vmem>>, vector<128x128xf32>
    %dot_general3A_12 = arith.constant dense<0.000000e+00> : vector<10000x128xf32>
    %dot_general3A_13 = tpu.matmul %get3A_8, %get3A_11, %dot_general3A_12 {dimension_numbers = #tpu.dot_dimension_numbers<[1], [0], [0], [1], [0, 0, 1, 1], [], []>, transpose_lhs_hint = false} : vector<10000x128xf32>, vector<128x128xf32>, vector<10000x128xf32> -> vector<10000x128xf32>
    %add3A = arith.addf %dot_general3A_5, %dot_general3A_13 : vector<10000x128xf32>
    %reduce_sum3A = arith.constant dense<0.000000e+00> : vector<128xf32>
    %reduce_sum3A_14 = vector.multi_reduction <add>, %add3A, %reduce_sum3A [0] : vector<10000x128xf32> to vector<128xf32>
    %broadcast_in_dim3A = vector.shape_cast %reduce_sum3A_14 : vector<128xf32> to vector<1x128xf32>
    %div3A = arith.constant 1.000000e+04 : f32
    %div3A_15 = vector.broadcast %div3A : f32 to vector<1x128xf32>
    %div3A_16 = arith.divf %broadcast_in_dim3A, %div3A_15 : vector<1x128xf32>
    %sub3A = vector.broadcast %div3A_16 : vector<1x128xf32> to vector<10000x128xf32>
    %sub3A_17 = arith.subf %add3A, %sub3A : vector<10000x128xf32>
    %mul3A = arith.mulf %sub3A_17, %sub3A_17 : vector<10000x128xf32>
    %reduce_sum3A_18 = arith.constant dense<0.000000e+00> : vector<128xf32>
    %reduce_sum3A_19 = vector.multi_reduction <add>, %mul3A, %reduce_sum3A_18 [0] : vector<10000x128xf32> to vector<128xf32>
    %broadcast_in_dim3A_20 = vector.shape_cast %reduce_sum3A_19 : vector<128xf32> to vector<1x128xf32>
    %div3A_21 = arith.constant 1.000000e+04 : f32
    %div3A_22 = vector.broadcast %div3A_21 : f32 to vector<1x128xf32>
    %div3A_23 = arith.divf %broadcast_in_dim3A_20, %div3A_22 : vector<1x128xf32>
    %get3A_24 = arith.constant 0 : index
    %get3A_25 = arith.constant 0 : index
    %get3A_26 = vector.load %arg4[%get3A_24, %get3A_25] : memref<1x128xf32, #tpu.memory_space<vmem>>, vector<1x128xf32>
    %mul3A_27 = vector.broadcast %get3A_26 : vector<1x128xf32> to vector<10000x128xf32>
    %mul3A_28 = arith.mulf %mul3A_27, %sub3A_17 : vector<10000x128xf32>
    %add3A_29 = arith.constant 1.000000e-03 : f32
    %add3A_30 = vector.broadcast %add3A_29 : f32 to vector<1x128xf32>
    %add3A_31 = arith.addf %div3A_23, %add3A_30 : vector<1x128xf32>
    %rsqrt3A = math.rsqrt %add3A_31 : vector<1x128xf32>
    %mul3A_32 = vector.broadcast %rsqrt3A : vector<1x128xf32> to vector<10000x128xf32>
    %mul3A_33 = arith.mulf %mul3A_28, %mul3A_32 : vector<10000x128xf32>
    %get3A_34 = arith.constant 0 : index
    %get3A_35 = arith.constant 0 : index
    %get3A_36 = vector.load %arg5[%get3A_34, %get3A_35] : memref<1x128xf32, #tpu.memory_space<vmem>>, vector<1x128xf32>
    %add3A_37 = vector.broadcast %get3A_36 : vector<1x128xf32> to vector<10000x128xf32>
    %add3A_38 = arith.addf %mul3A_33, %add3A_37 : vector<10000x128xf32>
    %max3A = arith.constant 0.000000e+00 : f32
    %max3A_39 = vector.broadcast %max3A : f32 to vector<10000x128xf32>
    %max3A_40 = arith.maximumf %add3A_38, %max3A_39 : vector<10000x128xf32>
    %swap3A = arith.constant 0 : index
    %swap3A_41 = arith.constant 0 : index
    %swap3A_42 = vector.load %arg6[%swap3A, %swap3A_41] : memref<10000x128xf32, #tpu.memory_space<vmem>>, vector<10000x128xf32>
    tpu.vector_store %arg6[%swap3A, %swap3A_41], %max3A_40 {strides = array<i32>} : memref<10000x128xf32, #tpu.memory_space<vmem>>, vector<10000x128xf32>,
    return
  }
}

</mosaic_0001>

<sc_bundles>
// kernel: kernel.5.cloned.1.call-start
scs
__scs_entry_jumppad:
0x0: {  	(pc) =	sbr.rel $0x88, $3  }
0x1: {  	(tag) =	ssettag $0x0;
	lr =	simm.s32 $0x1  }
0x2: {  	[smem:$0x3F99] =	sst lr;
	_ =	strace $0xD0000000  }
0x3: {  	_ = 	snop  }
0x4: {  	_ = 	snop  }
0x5: {  	_ = 	snop  }
0x6: {  	_ = 	snop  }
0x7: {  	_ = 	snop  }
__scs_overlays_trampoline_lowered:
0x8: {  	[smem:$0x3FA8] =	sst s0  }
0x9: {  	[smem:$0x3FA9] =	sst s1  }
0xa: {  	[smem:$0x3FAA] =	sst s2  }
0xb: {  	[smem:$0x3FAB] =	sst s3  }
0xc: {  	[smem:$0x3FAC] =	sst s4  }
0xd: {  	[smem:$0x3FAD] =	sst s5  }
0xe: {  	[smem:$0x3FAE] =	sst s6  }
0xf: {  	[smem:$0x3FAF] =	sst s7  }
0x10: {  	[smem:$0x3FB0] =	sst s8  }
0x11: {  	[smem:$0x3FB1] =	sst s9;
	s0 =	simm.s32 @!p0 $0x0  }
0x12: {  	s1 =	sld [smem:$0x3F97];
	s0 =	simm.s32 @p0 $0x1  }
0x13: {  	[smem:$0x3FB2] =	sst s0;
	s0 =	simm.s32 @!p1 $0x0  }
0x14: {  	s2 =	sld [smem:$0x3F96];
	s0 =	simm.s32 @p1 $0x1  }
0x15: {  	[smem:$0x3FB3] =	sst s0;
	s0 =	simm.s32 @!p2 $0x0  }
0x16: {  	s3 =	sld [smem:$0x3FDB];
	s0 =	simm.s32 @p2 $0x1  }
0x17: {  	s4 =	simm.s32 $0x1BF5;
	[smem:$0x3FB5] =	sst s0  }
0x18: {  	s0 =	sld [smem:$0x3F98];
	_ =	swait.ge [sflag:s4], $0x0  }
0x19: {  	s7 =	sld [smem:$0x3F99]  }
0x1a: {  	s8 =	sadd.s32 $0xFFFFE003, lr  }
0x1b: {  	s9 =	sadd.s32 $0xFFFFFEF7, lr;
	s5 =	simm.s32 $0xFFFFFFFF;
	p2 =	slt.u32 s8, $0xFFFFF086  }
0x1c: {  	p1 =	slt.u32 s9, $0xF7A;
	s5 =	simm.s32 @!p2 $0x0  }
0x1d: {  	s5 =	simm.s32 @p1 $0x1;
	p0 =	seq.s32 s7, s2  }
0x1e: {  	s7 =	smul.u32 @!p0 $0xF7A, s2;
	p2 =	seq.s32 @!p0 s5, $0x0  }
0x1f: {  	s9 =	smul.u32 $0xF7A, s1;
	s8 =	simm.s32 @!p0 $0x1BF5;
	p2 =	por !p2, p0  }
0x20: {  	[sflag:s8] =	ssyncset.s32 @!p0 $0xFFFFF086;
	s6 =	sadd.s32 @!p0 s3, s7;
	s7 =	simm.s32 @!p0 $0x108  }
0x21: {  	s3 =	sadd.s32 s3, s9;
	s6 =	sadd.s32 @!p0 $0x88, s6;
	s7 =	simm.s32 @p2 $0x1082  }
0x22: {  	[simem:s7], [sflag:s8] =	dma.local @!p0 [hbm:s6], $0xF7A  }
0x23: {  	s9 =	sor.u32 $0xD0000000, s2;
	s6 =	simm.s32 $0x108;
	_ =	swait.ge @!p0 [sflag:s8], $0x0  }
0x24: {  	s3 =	sadd.s32 $0x88, s3;
	s6 =	simm.s32 @!p1 $0x1082;
	[sflag:s4] =	ssyncset.s32 $0xFFFFF086  }
0x25: {  	[simem:s6], [sflag:s4] =	dma.local [hbm:s3], $0xF7A  }
0x26: {  	[smem:$0x3F99] =	sst s1;
	(tag) =	ssettag s2;
	_ =	strace s9  }
0x27: {  	s1 =	sld [smem:$0x3FA9]  }
0x28: {  	s2 =	sld [smem:$0x3FAA]  }
0x29: {  	s4 =	sld [smem:$0x3FAC]  }
0x2a: {  	p0 =	seq.s32 s5, $0x0;
	s5 =	sld [smem:$0x3FAD]  }
0x2b: {  	s6 =	sld [smem:$0x3FAE]  }
0x2c: {  	s7 =	sld [smem:$0x3FAF]  }
0x2d: {  	s3 =	simm.s32 $0x108;
	s8 =	sld [smem:$0x3FB0]  }
0x2e: {  	s3 =	simm.s32 @!p0 $0x1082;
	s9 =	sld [smem:$0x3FB1]  }
0x2f: {  	lr =	sadd.s32 s0, s3;
	s0 =	sld [smem:$0x3FA8]  }
0x30: {  	s3 =	sld [smem:$0x3FAB]  }
0x31: {  	[smem:$0x3FB4] =	sst s10  }
0x32: {  	s10 =	sld [smem:$0x3FB2];
	_ =	sdelay $0x3  }
0x33: {  	p0 =	seq.s32 s10, $0x1;
	s10 =	sld [smem:$0x3FB4];
	_ =	sdelay $0x3  }
0x34: {  	[smem:$0x3FB4] =	sst s10  }
0x35: {  	s10 =	sld [smem:$0x3FB3];
	_ =	sdelay $0x3  }
0x36: {  	p1 =	seq.s32 s10, $0x1;
	s10 =	sld [smem:$0x3FB4];
	_ =	sdelay $0x3  }
0x37: {  	[smem:$0x3FB4] =	sst s10  }
0x38: {  	s10 =	sld [smem:$0x3FB5]  }
0x39: {  	_ = 	snop;
	(pc) =	sbr.ind lr, $3  }
0x3a: {  	_ = 	snop  }
0x3b: {  	_ = 	snop  }
0x3c: {  	p2 =	seq.s32 s10, $0x1;
	s10 =	sld [smem:$0x3FB4]  }
0x3d: {  	_ =	shalt  }
0x3e: {  	_ =	shalt  }
0x3f: {  	_ =	shalt  }
0x40: {  	_ =	shalt  }
0x41: {  	_ =	shalt  }
0x42: {  	_ =	shalt  }
0x43: {  	_ =	shalt  }
0x44: {  	_ =	shalt  }
0x45: {  	_ =	shalt  }
0x46: {  	_ =	shalt  }
0x47: {  	_ =	shalt  }
0x48: {  	_ =	shalt  }
0x49: {  	_ =	shalt  }
0x4a: {  	_ =	shalt  }
0x4b: {  	_ =	shalt  }
0x4c: {  	_ =	shalt  }
0x4d: {  	_ =	shalt  }
0x4e: {  	_ =	shalt  }
0x4f: {  	_ =	shalt  }
0x50: {  	_ =	shalt  }
0x51: {  	_ =	shalt  }
0x52: {  	_ =	shalt  }
0x53: {  	_ =	shalt  }
0x54: {  	_ =	shalt  }
0x55: {  	_ =	shalt  }
0x56: {  	_ =	shalt  }
0x57: {  	_ =	shalt  }
0x58: {  	_ =	shalt  }
0x59: {  	_ =	shalt  }
0x5a: {  	_ =	shalt  }
0x5b: {  	_ =	shalt  }
0x5c: {  	_ =	shalt  }
0x5d: {  	_ =	shalt  }
0x5e: {  	_ =	shalt  }
0x5f: {  	_ =	shalt  }
0x60: {  	_ =	shalt  }
0x61: {  	_ =	shalt  }
0x62: {  	_ =	shalt  }
0x63: {  	_ =	shalt  }
0x64: {  	_ =	shalt  }
0x65: {  	_ =	shalt  }
0x66: {  	_ =	shalt  }
0x67: {  	_ =	shalt  }
0x68: {  	_ =	shalt  }
0x69: {  	_ =	shalt  }
0x6a: {  	_ =	shalt  }
0x6b: {  	_ =	shalt  }
0x6c: {  	_ =	shalt  }
0x6d: {  	_ =	shalt  }
0x6e: {  	_ =	shalt  }
0x6f: {  	_ =	shalt  }
0x70: {  	_ =	shalt  }
0x71: {  	_ =	shalt  }
0x72: {  	_ =	shalt  }
0x73: {  	_ =	shalt  }
0x74: {  	_ =	shalt  }
0x75: {  	_ =	shalt  }
0x76: {  	_ =	shalt  }
0x77: {  	_ =	shalt  }
0x78: {  	_ =	shalt  }
0x79: {  	_ =	shalt  }
0x7a: {  	_ =	shalt  }
0x7b: {  	_ =	shalt  }
0x7c: {  	_ =	shalt  }
0x7d: {  	_ =	shalt  }
0x7e: {  	_ =	shalt  }
0x7f: {  	_ =	shalt  }
0x80: {  	_ =	shalt  }
0x81: {  	_ =	shalt  }
0x82: {  	_ =	shalt  }
0x83: {  	_ =	shalt  }
0x84: {  	_ =	shalt  }
0x85: {  	_ =	shalt  }
0x86: {  	_ =	shalt  }
0x87: {  	_ =	shalt  }
.Lfunc_end0:
.L_simem_size_0:
called_computation_lowered:
.L_overlay_start_0:
0x88: {  	s2 =	sld [smem:$0x3FD9]  }
0x89: {  	s3 =	sld [smem:$0x3FFE];
	_ =	sdelay $0x1  }
0x8a: {  	s1 =	srdreg.scid  }
0x8b: {  	s0 =	sand.u32 $0x1, s1  }
0x8c: {  	s17 =	sshll.u32 s0, $0xA;
	s2 =	sadd.s32 s3, s2  }
0x8d: {  	s2 =	sadd.s32 s2, s17  }
0x8e: {  	[smem:$0x3FC0] =	sst s2  }
0x8f: {  	_ = 	snop  }
0x90: {  	s2 =	sld [smem:$0x3FC8]  }
0x91: {  	s18 =	sld [smem:$0x3FD0];
	(tm) =	ssettm $0x1  }
0x92: {  	s4 =	sld [smem:$0x3FFB];
	_ =	sdelay $0x3  }
0x93: {  	_ =	strace s4  }
0x94: {  	s4 =	sld [smem:$0x3FFC];
	_ =	sdelay $0x3  }
0x95: {  	_ =	strace s4  }
0x96: {  	s4 =	sld [smem:$0x3FFD];
	_ =	sdelay $0x3  }
0x97: {  	_ =	strace s4  }
0x98: {  	_ =	strace $0x8FFFFFFF  }
0x99: {  	s19 =	sld [smem:$0x3FDB];
	_ =	sdelay $0x1  }
0x9a: {  	s5 =	simm.s32 $_scs_section_size  }
0x9b: {  	s6 =	simm.s32 $_size__tile_overlayer_lowered;
	s7 =	simm.s32 $_tile_overlayer_lowered  }
0x9c: {  	s22 =	simm.s32 $0x1BFF;
	s21 =	sshll.u32 s7, $0x1;
	s4 =	sadd.s32 s5, s19  }
0x9d: {  	s8 =	simm.s32 $0x0;
	s20 =	sshll.u32 s6, $0x1;
	s6 =	sadd.s32 s21, s4  }
0x9e: {  	[timem:s8], [sflag:s22] =	dma.local [hbm:s6], s20  }
0x9f: {  	_ =	swait.ge [sflag:s22], s20  }
0xa0: {  	s5 =	ssub.s32 $0x0, s20;
	[sflag:s22] =	ssyncset.done $0x0  }
0xa1: {  	[sflag:s22] =	ssyncadd.s32 s5;
	_ =	sdelay $0x1  }
0xa2: {  	s23 =	simm.s32 $0x1B8B  }
0xa3: {  	_ =	swait.ge [sflag:s23], $0x1  }
0xa4: {  	[sflag:s23] =	ssyncset.done $0x0  }
0xa5: {  	s25 =	simm.s32 $0x1B8E;
	s24 =	sld [smem:$0x3FFE];
	[sflag:s23] =	ssyncadd.s32 $0xFFFFFFFF  }
0xa6: {  	s26 =	simm.s32 $execute0_lowered;
	[smem:$0x3FD2] =	sst s25  }
0xa7: {  	s6 =	sshll.u32 s26, $0x1;
	_ =	strace $0x80000046;
	[dreg:$0x1] =	wrdreg $0xFFFFFFFF  }
0xa8: {  	s28 =	simm.s32 $_size_execute0_lowered;
	s4 =	sadd.s32 s4, s6;
	[dreg:$0x0] =	wrdreg $0x0  }
0xa9: {  	s6 =	sshll.u32 s28, $0x1;
	[dreg:$0x2] =	wrdreg s4  }
0xaa: {  	[dreg:$0x3] =	wrdreg s6  }
0xab: {  	[dreg:$0x4] =	wrdreg $0xC0  }
0xac: {  	_ =	task [dreg:s8], $0x5FFFF  }
0xad: {  	[dreg:$0x1] =	wrdreg $0xFFFFFFFF  }
0xae: {  	[dreg:$0x0] =	wrdreg $0x60  }
0xaf: {  	[dreg:$0x2] =	wrdreg s24  }
0xb0: {  	[dreg:$0x3] =	wrdreg s2  }
0xb1: {  	[dreg:$0x4] =	wrdreg s18  }
0xb2: {  	[dreg:$0x5] =	wrdreg $0x9  }
0xb3: {  	_ =	task.clear_ibuf [dreg:s8], $0x6FFFF;
	_ =	strace $0x90000046  }
0xb4: {  	s29 =	simm.s32 $0x9;
	_ =	strace $0x80000048  }
0xb5: {  	_ =	swait.ge [sflag:s29], $0x1  }
0xb6: {  	[sflag:s29] =	ssyncadd.s32 $0xFFFFFFFF  }
0xb7: {  	_ =	strace $0x90000048  }
0xb8: {  	_ =	sfence  }
0xb9: {  	s30 =	sld [smem:$0x0];
	_ =	sdelay $0x2  }
0xba: {  	s31 =	sshll.u32 s1, $0xD;
	s1 =	sshrl.u32 s1, $0x2  }
0xbb: {  	s3 =	sand.u32 $0x4000, s31;
	s1 =	sadd.s32 s1, s30  }
0xbc: {  	s0 =	sor.u32 s3, s0;
	s1 =	sshll.u32 s1, $0x11  }
0xbd: {  	s0 =	sor.u32 s1, s0  }
0xbe: {  	s0 =	sadd.s32 $0x8F2B, s0  }
0xbf: {  	[sflag:s0] =	ssyncadd.remote.s32 $0x1  }
0xc0: {  	_ =	sfence.sel $0xFFFF  }
0xc1: {  	[dreg:$0x0] =	wrdreg $0xFFFFFFFF;
	(pc) =	sbr.abs _section_cstart, $3  }
0xc2: {  	[dreg:$0x1] =	wrdreg $0xFFFFFFFF  }
0xc3: {  	_ =	task.clear_ibuf [dreg:s8], $0x2FFFF;
	_ =	strace $0x9FFFFFFF  }
0xc4: {  	(tm) =	ssettm $0x7FFFFFFF  }
0xc5: {  	_ =	shalt  }
tec
execute0_lowered:
.L_overlay_start_1:
0x0: {  	(tag) =	ssettag $0x1  }
0x1: {  	s0 =	rddreg [dreg:$0x0]  }
0x2: {  	s2 =	rddreg [dreg:$0x1]  }
0x3: {  	s1 =	srdreg.scid;
	s3 =	stileid.u32  }
0x4: {  	s4 =	simm.s32 $0x0;
	s14 =	simm.s32 $0x1;
	s15 =	simm.s32 $0x180  }
0x5: {  	s16 =	simm.s32 $0xA180;
	s17 =	simm.s32 $0x5180;
	s18 =	simm.s32 $0xA280  }
0x6: {  	s19 =	simm.s32 $0x3;
	s20 =	simm.s32 $0x2;
	s1 =	sand.u32 $0x1, s1  }
0x7: {  	s3 =	sshll.u32 s3, $0x1;
	[smem:$0x7FF] =	sst s4;
	s6 =	sadd.s32 $0x1600, s0  }
0x8: {  	s7 =	sadd.s32 $0x1400, s0;
	s5 =	sor.u32 s1, s3;
	s1 =	ssub.s32 $0x2, s1  }
0x9: {  	_ =	strace $0x80000047;
	s3 =	smul.u32 $0x1400, s5;
	s29 =	sshrl.u32 s1, $0x1  }
.Ltmp0:
0xa: {  	[dreg:$0x5] =	wrdreg s7;
	s1 =	ssub.s32 s1, s29;
	(pc) =	sbr.rel .LBB2_1-.Ltmp0, $4  }
0xb: {  	[dreg:$0x4] =	wrdreg s5;
	s0 =	sadd.s32 s3, s0;
	s31 =	smax.u32 s1, $0x1  }
0xc: {  	s21 =	simm.s32 $0x4;
	s30 =	sadd.s32 $0x4E3600, s0;
	[dreg:$0x8] =	wrdreg s31  }
0xd: {  	s24 =	simm.s32 $0x0;
	s0 =	sadd.s32 $0x50B600, s0;
	[dreg:$0x6] =	wrdreg s30  }
0xe: {  	v0 =	vimm.f32 $0.0e+00;
	s8 =	smul.u32 $0x140, s5;
	s1 =	simm.s32 $0x5;
	[dreg:$0x7] =	wrdreg s0  }
.LBB2_4:
0xf: {  	v17 =	vimm.f32 $0.0e+00  }
0x10: {  	v18 =	vimm.f32 $0.0e+00;
	v20 =	vimm.f32 $0.0e+00;
	v28 =	vimm.f32 $0.0e+00  }
0x11: {  	v29 =	vimm.f32 $0.0e+00;
	v26 =	vimm.f32 $0.0e+00;
	v24 =	vimm.f32 $0.0e+00  }
0x12: {  	v32 =	vimm.f32 $0.0e+00;
	v22 =	vimm.f32 $0.0e+00;
	v19 =	vimm.f32 $0.0e+00  }
0x13: {  	v30 =	vimm.f32 $0.0e+00;
	v27 =	vimm.f32 $0.0e+00;
	v21 =	vimm.f32 $0.0e+00  }
0x14: {  	s10 =	simm.s32 $0xFFFFFFFF;
	v25 =	vimm.f32 $0.0e+00;
	v23 =	vimm.f32 $0.0e+00;
	v31 =	vimm.f32 $0.0e+00  }
.LBB2_15:
0x15: {  	_ =	swait.ge [sflag:s14], $0x5000  }
0x16: {  	[sflag:s14] =	ssyncset.done $0x0  }
0x17: {  	[sflag:s14] =	ssyncadd.s32 $0xFFFFB000  }
0x18: {  	p0 =	slt.s32 s10, $0x0;
	_ =	swait.ge [sflag:s19], $0xA0  }
0x19: {  	s0 =	ssub.s32 @!p0 s10, s8;
	[sflag:s19] =	ssyncset.done $0x0  }
0x1a: {  	s0 =	sshll.u32 @!p0 s0, $0x7;
	[sflag:s19] =	ssyncadd.s32 $0xFFFFFF60  }
0x1b: {  	[tilespmem:s0+$0x14380] =	vst @!p0 v17  }
0x1c: {  	[tilespmem:s0+$0xA380] =	vst @!p0 v22  }
0x1d: {  	[tilespmem:s0+$0x14390] =	vst @!p0 v18  }
0x1e: {  	[tilespmem:s0+$0xA390] =	vst @!p0 v19  }
0x1f: {  	[tilespmem:s0+$0x143A0] =	vst @!p0 v20  }
0x20: {  	[tilespmem:s0+$0xA3A0] =	vst @!p0 v30  }
0x21: {  	[tilespmem:s0+$0x143B0] =	vst @!p0 v28  }
0x22: {  	[tilespmem:s0+$0xA3B0] =	vst @!p0 v27  }
0x23: {  	[tilespmem:s0+$0x143C0] =	vst @!p0 v29  }
0x24: {  	[tilespmem:s0+$0xA3C0] =	vst @!p0 v21  }
0x25: {  	[tilespmem:s0+$0x143D0] =	vst @!p0 v26  }
0x26: {  	[tilespmem:s0+$0xA3D0] =	vst @!p0 v25  }
0x27: {  	[tilespmem:s0+$0x143E0] =	vst @!p0 v24  }
0x28: {  	[tilespmem:s0+$0xA3E0] =	vst @!p0 v23  }
0x29: {  	[tilespmem:s0+$0x143F0] =	vst @!p0 v32  }
0x2a: {  	s1 =	simm.s32 $0xA380;
	s29 =	rddreg [dreg:$0x6];
	[tilespmem:s0+$0xA3F0] =	vst @!p0 v31  }
0x2b: {  	[hbm4b:s29+s4] =	stream.linear.scatter [tilespmem:s1], [sflag:$0x5], $0xA000, $0x38;
	[tilespmem:$0x1E380] =	vst v63  }
0x2c: {  	s1 =	simm.s32 $0x5  }
0x2d: {  	_ =	swait.ge [sflag:s1], $0xA000  }
0x2e: {  	[sflag:s1] =	ssyncset.done $0x0  }
0x2f: {  	s3 =	simm.s32 $0x14380;
	s30 =	rddreg [dreg:$0x7];
	[sflag:s1] =	ssyncadd.s32 $0xFFFF6000  }
0x30: {  	[hbm4b:s30+s4] =	stream.linear.scatter [tilespmem:s3], [sflag:$0x5], $0xA000, $0x38;
	[tilespmem:$0x1E380] =	vst v63  }
0x31: {  	_ =	swait.ge [sflag:s1], $0xA000  }
0x32: {  	s24 =	sadd.s32 $0x1, s24;
	s31 =	rddreg [dreg:$0x8]  }
0x33: {  	p0 =	sne.s32 s24, s31  }
.Ltmp1:
0x34: {  	_ = 	snop;
	(pc) =	sbr.rel @!p0 .LBB2_16-.Ltmp1, $3  }
0x35: {  	_ =	sdelay $0x1  }
0x36: {  	[sflag:s1] =	ssyncset.done $0x0  }
0x37: {  	[sflag:s1] =	ssyncadd.s32 $0xFFFF6000  }
.LBB2_1:
0x38: {  	s0 =	rddreg [dreg:$0x5]  }
0x39: {  	[tilespmem:s4], [sflag:$0x5] =	stream.linear.gather [hbm4b:s0+s4], $0x80, $0x38;
	[tilespmem:$0x1E380] =	vst v63  }
0x3a: {  	_ =	swait.ge [sflag:s1], $0x80  }
0x3b: {  	[sflag:s1] =	ssyncset.done $0x0  }
0x3c: {  	[sflag:s1] =	ssyncadd.s32 $0xFFFFFF80  }
0x3d: {  	s3 =	simm.s32 $0x80;
	s25 =	rddreg [dreg:$0x2]  }
0x3e: {  	[tilespmem:s3], [sflag:$0x5] =	stream.linear.gather [hbm4b:s25+s4], $0x100, $0x38;
	[tilespmem:$0x1E380] =	vst v63  }
0x3f: {  	_ =	swait.ge [sflag:s1], $0x100  }
0x40: {  	[sflag:s1] =	ssyncset.done $0x0  }
0x41: {  	s26 =	rddreg [dreg:$0x4];
	[sflag:s1] =	ssyncadd.s32 $0xFFFFFF00  }
0x42: {  	v1 =	vld [tilespmem:s26+$0x0];
	_ =	sdelay $0x4  }
0x43: {  	(v2sf) =	vpush v1, $0x0;
	_ =	sdelay $0xe  }
0x44: {  	s25 =	spop (v2sf)  }
0x45: {  	s28 =	smulhi.u32 $0x66666667, s25;
	s29 =	sshra.s32 s25, $0x1F  }
0x46: {  	s1 =	smul.u32 $0x66666667, s29;
	_ =	sdelay $0x1  }
0x47: {  	s0 =	sadd.s32 s1, s28  }
0x48: {  	s1 =	sshrl.u32 s0, $0x1F;
	s0 =	sshra.s32 s0, $0x6  }
0x49: {  	s0 =	sadd.s32 s1, s0  }
0x4a: {  	s1 =	smul.u32 $0xFFFFFF60, s0  }
0x4b: {  	s30 =	ssub.s32 $0x0, s25  }
0x4c: {  	p0 =	slt.s32 s25, $0x1;
	p1 =	sne.s32 s1, s30  }
0x4d: {  	p0 =	por !p0, !p1  }
0x4e: {  	s1 =	simm.s32 $0x1;
	p0 =	por !p0, !p0  }
0x4f: {  	s1 =	simm.s32 @!p0 $0x0  }
0x50: {  	s26 =	ssub.s32 s0, s1  }
0x51: {  	s0 =	smul.u32 $0xA0, s26;
	_ =	sdelay $0x1  }
0x52: {  	p0 =	slt.s32 s0, $0x4E160;
	s1 =	smov.u32 s0  }
0x53: {  	s1 =	simm.s32 @!p0 $0x4E160  }
0x54: {  	s31 =	sshll.u32 s1, $0x4  }
0x55: {  	s1 =	sshrl.u32 s1, $0x3;
	s3 =	sadd.s32 s6, s31  }
0x56: {  	[tilespmem:s15], [sflag:$0x1] =	stream.linear.gather [hbm4b:s3+s4], $0x5000, $0x38;
	[tilespmem:$0x1E380] =	vst v63  }
0x57: {  	s1 =	sadd.s32 s2, s1  }
0x58: {  	[tilespmem:s16], [sflag:$0x3] =	stream.linear.gather [hbm4b:s1+s4], $0xA0, $0x38;
	[tilespmem:$0x1E380] =	vst v63  }
0x59: {  	s3 =	simm.s32 $0x200;
	s1 =	simm.s32 $0x0  }
.LBB2_2:
0x5a: {  	p0 =	sne.s32 s3, $0x27E00;
	[tilespmem:s1+$0x143F0] =	vst v0  }
0x5b: {  	[tilespmem:s1+$0xA380] =	vst v0  }
0x5c: {  	[tilespmem:s1+$0x14380] =	vst v0  }
0x5d: {  	[tilespmem:s1+$0xA390] =	vst v0  }
0x5e: {  	[tilespmem:s1+$0x14390] =	vst v0  }
0x5f: {  	[tilespmem:s1+$0xA3A0] =	vst v0  }
0x60: {  	[tilespmem:s1+$0x143A0] =	vst v0  }
0x61: {  	[tilespmem:s1+$0xA3B0] =	vst v0  }
0x62: {  	[tilespmem:s1+$0x143B0] =	vst v0  }
0x63: {  	[tilespmem:s1+$0xA3C0] =	vst v0  }
0x64: {  	[tilespmem:s1+$0x143C0] =	vst v0  }
.Ltmp2:
0x65: {  	[tilespmem:s1+$0xA3D0] =	vst v0;
	(pc) =	sbr.rel @p0 .LBB2_2-.Ltmp2, $4  }
0x66: {  	[tilespmem:s1+$0x143D0] =	vst v0  }
0x67: {  	[tilespmem:s1+$0xA3E0] =	vst v0  }
0x68: {  	[tilespmem:s1+$0x143E0] =	vst v0  }
0x69: {  	[tilespmem:s1+$0xA3F0] =	vst v0;
	s1 =	sshra.s32 s3, $0x2;
	s3 =	sadd.s32 $0x200, s3  }
0x6a: {  	(v2sf) =	vpush v1, $0x1;
	_ =	sdelay $0xe  }
0x6b: {  	s28 =	spop (v2sf)  }
0x6c: {  	s3 =	sadd.s32 $0x9F, s28  }
0x6d: {  	s5 =	smulhi.u32 $0x66666667, s3;
	s7 =	sshra.s32 s3, $0x1F  }
0x6e: {  	s7 =	smul.u32 $0x66666667, s7;
	_ =	sdelay $0x1  }
0x6f: {  	s5 =	sadd.s32 s7, s5  }
0x70: {  	s7 =	sshrl.u32 s5, $0x1F;
	s5 =	sshra.s32 s5, $0x6  }
0x71: {  	s5 =	sadd.s32 s7, s5  }
0x72: {  	s7 =	smul.u32 $0xFFFFFF60, s5  }
0x73: {  	s9 =	ssub.s32 $0xFFFFFF61, s28  }
0x74: {  	p0 =	slt.s32 s3, $0x1;
	p1 =	sne.s32 s7, s9  }
0x75: {  	p0 =	por !p0, !p1  }
0x76: {  	s3 =	simm.s32 $0x1;
	p0 =	por !p0, !p0  }
0x77: {  	[tilespmem:s1+$0x143F0] =	vst v0;
	s3 =	simm.s32 @!p0 $0x0  }
0x78: {  	[tilespmem:s1+$0xA380] =	vst v0;
	s3 =	ssub.s32 s5, s3  }
0x79: {  	[tilespmem:s1+$0x14380] =	vst v0;
	s3 =	ssub.s32 s3, s26  }
0x7a: {  	[tilespmem:s1+$0xA390] =	vst v0;
	s23 =	sadd.s32 $0x1, s3  }
0x7b: {  	[tilespmem:s1+$0x14390] =	vst v0;
	s30 =	sand.u32 $0x1, s23  }
0x7c: {  	[tilespmem:s1+$0xA3A0] =	vst v0;
	p5 =	slt.s32 s3, $0x0;
	p6 =	seq.s32 s30, $0x1  }
0x7d: {  	[tilespmem:s1+$0x143A0] =	vst v0;
	s31 =	sshrl.u32 s23, $0x1F;
	p0 =	por !p5, !p6  }
0x7e: {  	[tilespmem:s1+$0xA3B0] =	vst v0;
	s5 =	simm.s32 $0x1;
	s3 =	sadd.s32 s31, s23;
	p0 =	por !p0, !p0  }
0x7f: {  	[tilespmem:s1+$0x143B0] =	vst v0;
	s3 =	sshra.s32 s3, $0x1;
	s5 =	simm.s32 @!p0 $0x0  }
0x80: {  	[tilespmem:s1+$0xA3C0] =	vst v0;
	s29 =	ssub.s32 s3, s5  }
0x81: {  	[tilespmem:s1+$0x143C0] =	vst v0;
	p0 =	slt.s32 s29, $0x1  }
.Ltmp3:
0x82: {  	[tilespmem:s1+$0xA3D0] =	vst v0;
	(pc) =	sbr.rel @p0 .LBB2_4-.Ltmp3, $4  }
0x83: {  	[tilespmem:s1+$0x143D0] =	vst v0  }
0x84: {  	[tilespmem:s1+$0xA3E0] =	vst v0  }
0x85: {  	[tilespmem:s1+$0x143E0] =	vst v0  }
0x86: {  	[tilespmem:s1+$0xA3F0] =	vst v0  }
0x87: {  	v1 =	vld [tilespmem:$0x80]  }
0x88: {  	v2 =	vld [tilespmem:$0x90]  }
0x89: {  	v3 =	vld [tilespmem:$0xA0]  }
0x8a: {  	v4 =	vld [tilespmem:$0xB0]  }
0x8b: {  	v5 =	vld [tilespmem:$0xC0]  }
0x8c: {  	v6 =	vld [tilespmem:$0xD0]  }
0x8d: {  	v7 =	vld [tilespmem:$0xE0]  }
0x8e: {  	v8 =	vld [tilespmem:$0xF0]  }
0x8f: {  	v9 =	vld [tilespmem:$0x100]  }
0x90: {  	v10 =	vld [tilespmem:$0x110]  }
0x91: {  	v11 =	vld [tilespmem:$0x120];
	v31 =	vimm.f32 $0.0e+00  }
.Ltmp4:
0x92: {  	v12 =	vld [tilespmem:$0x130];
	v23 =	vimm.f32 $0.0e+00;
	v25 =	vimm.f32 $0.0e+00;
	v21 =	vimm.f32 $0.0e+00;
	(pc) =	sbr.rel .LBB2_6-.Ltmp4, $4  }
0x93: {  	v13 =	vld [tilespmem:$0x140];
	v27 =	vimm.f32 $0.0e+00;
	v30 =	vimm.f32 $0.0e+00;
	v19 =	vimm.f32 $0.0e+00  }
0x94: {  	v14 =	vld [tilespmem:$0x150];
	v22 =	vimm.f32 $0.0e+00;
	v32 =	vimm.f32 $0.0e+00;
	v24 =	vimm.f32 $0.0e+00  }
0x95: {  	v15 =	vld [tilespmem:$0x160];
	s30 =	ssub.s32 s25, s0;
	v26 =	vimm.f32 $0.0e+00;
	v29 =	vimm.f32 $0.0e+00;
	v28 =	vimm.f32 $0.0e+00  }
0x96: {  	v16 =	vld [tilespmem:$0x170];
	s1 =	simm.s32 $0x0;
	s10 =	simm.s32 $0xFFFFFFFF;
	v20 =	vimm.f32 $0.0e+00;
	v18 =	vimm.f32 $0.0e+00;
	v17 =	vimm.f32 $0.0e+00;
	s31 =	sadd.s32 $0xFFFFFF60, s30  }
.LBB2_13:
0x97: {  	[tilespmem:s12+$0xA390] =	vst @!p1 v19  }
0x98: {  	[tilespmem:s12+$0x14390] =	vst @!p1 v18  }
0x99: {  	[tilespmem:s12+$0xA380] =	vst @!p1 v22  }
0x9a: {  	[tilespmem:s12+$0x143A0] =	vst @!p1 v20  }
0x9b: {  	[tilespmem:s12+$0x14380] =	vst @!p1 v17  }
0x9c: {  	v31 =	vmul.f32 s11, v31;
	v30 =	vmul.f32 s11, v30;
	v33 =	vld [tilespmem:s0+$0xFFFFFFC0]  }
0x9d: {  	v27 =	vmul.f32 s11, v27;
	v25 =	vmul.f32 s11, v25;
	v34 =	vld [tilespmem:s0+$0xFFFFFFD0]  }
0x9e: {  	v23 =	vmul.f32 s11, v23;
	v22 =	vmul.f32 s11, v22;
	v35 =	vld [tilespmem:s0+$0xFFFFFFE0]  }
0x9f: {  	v21 =	vmul.f32 s11, v21;
	v19 =	vmul.f32 s11, v19;
	v36 =	vld [tilespmem:s0+$0xFFFFFFF0]  }
0xa0: {  	v18 =	vmul.f32 s11, v18;
	v32 =	vmul.f32 s11, v32;
	v37 =	vld [tilespmem:s0+$0x0]  }
0xa1: {  	v29 =	vmul.f32 s11, v29;
	v28 =	vmul.f32 s11, v28;
	v38 =	vld [tilespmem:s0+$0x10]  }
0xa2: {  	v26 =	vmul.f32 s11, v26;
	v24 =	vmul.f32 s11, v24;
	v40 =	vld [tilespmem:s0+$0x30]  }
0xa3: {  	v20 =	vmul.f32 s11, v20;
	v17 =	vmul.f32 s11, v17;
	v39 =	vld [tilespmem:s0+$0x20]  }
0xa4: {  	v33 =	vmul.f32 v33, v1;
	v34 =	vmul.f32 v34, v2  }
0xa5: {  	v35 =	vmul.f32 v35, v3;
	v36 =	vmul.f32 v36, v4  }
0xa6: {  	v37 =	vmul.f32 v37, v5;
	v38 =	vmul.f32 v38, v6;
	v33 =	vadd.f32 v33, v9  }
0xa7: {  	v60 =	vmul.f32 v40, v8;
	v34 =	vadd.f32 v34, v10;
	v35 =	vadd.f32 v35, v11  }
0xa8: {  	v59 =	vmul.f32 v39, v7;
	v37 =	vadd.f32 v37, v13;
	v38 =	vadd.f32 v38, v14  }
0xa9: {  	v36 =	vadd.f32 v36, v12;
	v62 =	vadd.f32 v60, v16;
	v33 =	vmax.f32 v33, $0.0e+00  }
0xaa: {  	v34 =	vmax.f32 v34, $0.0e+00;
	v35 =	vmax.f32 v35, $0.0e+00;
	v37 =	vmax.f32 v37, $0.0e+00  }
0xab: {  	v38 =	vmax.f32 v38, $0.0e+00;
	v61 =	vmax.f32 v36, $0.0e+00;
	v63 =	vmax.f32 v62, $0.0e+00  }
0xac: {  	v17 =	vadd.f32 v33, v17;
	v18 =	vadd.f32 v34, v18;
	v19 =	vmax.f32 v19, v34  }
0xad: {  	v34 =	vadd.f32 v59, v15;
	v20 =	vadd.f32 v35, v20;
	v22 =	vmax.f32 v22, v33  }
0xae: {  	v21 =	vmax.f32 v21, v37;
	v26 =	vadd.f32 v38, v26;
	v25 =	vmax.f32 v25, v38  }
0xaf: {  	v28 =	vadd.f32 v61, v28;
	v27 =	vmax.f32 v27, v61;
	v29 =	vadd.f32 v37, v29  }
0xb0: {  	v30 =	vmax.f32 v30, v35;
	v32 =	vadd.f32 v63, v32;
	v34 =	vmax.f32 v34, $0.0e+00  }
0xb1: {  	s10 =	smov.u32 s9;
	v31 =	vmax.f32 v31, v63;
	v24 =	vadd.f32 v34, v24;
	v23 =	vmax.f32 v23, v34  }
.LBB2_14:
0xb2: {  	s1 =	sadd.s32 $0x1, s1  }
0xb3: {  	p0 =	sne.s32 s1, s29  }
.Ltmp5:
0xb4: {  	_ = 	snop;
	(pc) =	sbr.rel @!p0 .LBB2_15-.Ltmp5, $2  }
0xb5: {  	_ =	sdelay $0x2  }
0xb6: {  	s30 =	sadd.s32 $0xFFFFFEC0, s30;
	s31 =	sadd.s32 $0xFFFFFEC0, s31  }
.LBB2_6:
0xb7: {  	s0 =	sshll.u32 s1, $0x1  }
0xb8: {  	s0 =	sadd.s32 s26, s0  }
0xb9: {  	s3 =	smul.u32 $0xA0, s0;
	_ =	sdelay $0x1  }
0xba: {  	s0 =	sadd.s32 $0xA0, s3  }
0xbb: {  	p0 =	slt.s32 s0, $0x4E160;
	s5 =	smov.u32 s0  }
0xbc: {  	s5 =	simm.s32 @!p0 $0x4E160  }
0xbd: {  	s7 =	sshll.u32 s5, $0x4  }
0xbe: {  	s5 =	sshrl.u32 s5, $0x3;
	s7 =	sadd.s32 s6, s7  }
0xbf: {  	[tilespmem:s17], [sflag:$0x2] =	stream.linear.gather [hbm4b:s7+s4], $0x5000, $0x38;
	[tilespmem:$0x1E380] =	vst v63  }
0xc0: {  	s5 =	sadd.s32 s2, s5  }
0xc1: {  	[tilespmem:s18], [sflag:$0x4] =	stream.linear.gather [hbm4b:s5+s4], $0xA0, $0x38;
	[tilespmem:$0x1E380] =	vst v63  }
0xc2: {  	s13 =	ssub.s32 s25, s3;
	s5 =	ssub.s32 s28, s3  }
0xc3: {  	p0 =	sgt.s32 s13, $0x0;
	p1 =	slt.s32 s5, $0xA0  }
0xc4: {  	s13 =	simm.s32 @!p0 $0x0;
	s5 =	simm.s32 @!p1 $0xA0  }
0xc5: {  	_ =	swait.ge [sflag:s14], $0x5000;
	p0 =	sle.s32 s5, s13  }
.Ltmp6:
0xc6: {  	[sflag:s14] =	ssyncset.done $0x0;
	(pc) =	sbr.rel @p0 .LBB2_10-.Ltmp6, $4  }
0xc7: {  	[sflag:s14] =	ssyncadd.s32 $0xFFFFB000  }
0xc8: {  	_ =	swait.ge [sflag:s19], $0xA0  }
0xc9: {  	[sflag:s19] =	ssyncset.done $0x0  }
0xca: {  	[sflag:s19] =	ssyncadd.s32 $0xFFFFFF60  }
0xcb: {  	p0 =	sgt.s32 s30, $0x0;
	s7 =	smov.u32 s30  }
0xcc: {  	s7 =	simm.s32 @!p0 $0x0  }
0xcd: {  	s9 =	sshll.u32 s7, $0x2  }
0xce: {  	s9 =	sshra.s32 s9, $0x2  }
0xcf: {  	s23 =	sadd.s32 $0xA180, s9  }
0xd0: {  	v33 =	vld [tilespmem:s23+$0x0];
	_ =	sdelay $0x4  }
0xd1: {  	(v2sf) =	vpush v33, $0x0;
	_ =	sdelay $0xe  }
0xd2: {  	p0 =	slt.s32 s10, $0x0;
	s9 =	spop (v2sf)  }
0xd3: {  	p1 =	seq.s32 @!p0 s9, s10  }
0xd4: {  	p1 =	por p1, p0  }
0xd5: {  	s11 =	ssub.s32 @!p1 s10, s8  }
0xd6: {  	s12 =	sshll.u32 @!p1 s11, $0x7  }
0xd7: {  	[tilespmem:s12+$0xA3F0] =	vst @!p1 v31  }
0xd8: {  	[tilespmem:s12+$0x143F0] =	vst @!p1 v32  }
0xd9: {  	[tilespmem:s12+$0xA3E0] =	vst @!p1 v23  }
0xda: {  	s7 =	sshll.u32 s7, $0x9;
	p0 =	sgt.s32 s5, s13;
	[tilespmem:s12+$0x143E0] =	vst @!p1 v24  }
0xdb: {  	s22 =	sshra.s32 s7, $0x2;
	s7 =	sadd.s32 $0x1, s13;
	s13 =	smov.u32 @p0 s5;
	[tilespmem:s12+$0x143D0] =	vst @!p1 v26  }
0xdc: {  	p0 =	slt.u32 s7, s13;
	[tilespmem:s12+$0xA3D0] =	vst @!p1 v25  }
.Ltmp7:
0xdd: {  	[tilespmem:s12+$0xA3C0] =	vst @!p1 v21;
	(pc) =	sbr.rel @!p0 .LBB2_9-.Ltmp7, $4  }
0xde: {  	[tilespmem:s12+$0x143C0] =	vst @!p1 v29  }
0xdf: {  	[tilespmem:s12+$0xA3B0] =	vst @!p1 v27  }
0xe0: {  	s22 =	sadd.s32 $0x1C0, s22;
	p2 =	sne.s32 s9, s10;
	s11 =	simm.f32 $0.0e+00;
	[tilespmem:s12+$0x143B0] =	vst @!p1 v28  }
0xe1: {  	s10 =	smov.u32 s22;
	s11 =	simm.s32 @!p2 $0x3F800000;
	[tilespmem:s12+$0xA3A0] =	vst @!p1 v30  }
.LBB2_8:
0xe2: {  	s7 =	sadd.s32 $0x1, s7;
	[tilespmem:s12+$0x143A0] =	vst @!p1 v20;
	s23 =	sadd.s32 $0x1, s23;
	s10 =	sadd.s32 $0x80, s10  }
0xe3: {  	s5 =	smov.u32 s9;
	p0 =	slt.u32 s7, s13;
	[tilespmem:s12+$0xA390] =	vst @!p1 v19  }
0xe4: {  	[tilespmem:s12+$0x14390] =	vst @!p1 v18  }
0xe5: {  	[tilespmem:s12+$0x14380] =	vst @!p1 v17  }
0xe6: {  	[tilespmem:s12+$0xA380] =	vst @!p1 v22  }
0xe7: {  	v32 =	vmul.f32 s11, v32;
	v31 =	vmul.f32 s11, v31;
	v33 =	vld [tilespmem:s23+$0x0]  }
0xe8: {  	v30 =	vmul.f32 s11, v30;
	v29 =	vmul.f32 s11, v29;
	v34 =	vld [tilespmem:s22+$0xFFFFFFC0]  }
0xe9: {  	v28 =	vmul.f32 s11, v28;
	v27 =	vmul.f32 s11, v27;
	v35 =	vld [tilespmem:s22+$0xFFFFFFD0]  }
0xea: {  	v26 =	vmul.f32 s11, v26;
	v25 =	vmul.f32 s11, v25;
	v36 =	vld [tilespmem:s22+$0xFFFFFFE0]  }
0xeb: {  	v24 =	vmul.f32 s11, v24;
	v23 =	vmul.f32 s11, v23;
	v37 =	vld [tilespmem:s22+$0xFFFFFFF0]  }
0xec: {  	v21 =	vmul.f32 s11, v21;
	v22 =	vmul.f32 s11, v22;
	(v2sf) =	vpush v33, $0x0;
	v33 =	vld [tilespmem:s22+$0x0]  }
0xed: {  	v20 =	vmul.f32 s11, v20;
	v34 =	vmul.f32 v34, v1;
	v38 =	vld [tilespmem:s22+$0x10]  }
0xee: {  	v19 =	vmul.f32 s11, v19;
	v35 =	vmul.f32 v35, v2;
	v39 =	vld [tilespmem:s22+$0x20]  }
0xef: {  	v18 =	vmul.f32 s11, v18;
	v34 =	vadd.f32 v34, v9;
	v36 =	vmul.f32 v36, v3;
	v40 =	vld [tilespmem:s22+$0x30];
	s22 =	smov.u32 s10  }
0xf0: {  	v17 =	vmul.f32 s11, v17;
	v35 =	vadd.f32 v35, v10;
	v37 =	vmul.f32 v37, v4  }
0xf1: {  	v34 =	vmax.f32 v34, $0.0e+00;
	v36 =	vadd.f32 v36, v11;
	v33 =	vmul.f32 v33, v5  }
0xf2: {  	v17 =	vadd.f32 v34, v17;
	v35 =	vmax.f32 v35, $0.0e+00;
	v38 =	vmul.f32 v38, v6  }
0xf3: {  	v18 =	vadd.f32 v35, v18;
	v19 =	vmax.f32 v19, v35;
	v35 =	vmul.f32 v39, v7  }
0xf4: {  	v36 =	vmax.f32 v36, $0.0e+00;
	v33 =	vadd.f32 v33, v13;
	v38 =	vadd.f32 v38, v14  }
0xf5: {  	v37 =	vadd.f32 v37, v12;
	v39 =	vmul.f32 v40, v8;
	v35 =	vadd.f32 v35, v15  }
0xf6: {  	v20 =	vadd.f32 v36, v20;
	v33 =	vmax.f32 v33, $0.0e+00;
	v38 =	vmax.f32 v38, $0.0e+00  }
0xf7: {  	v22 =	vmax.f32 v22, v34;
	v34 =	vmax.f32 v37, $0.0e+00;
	v35 =	vmax.f32 v35, $0.0e+00  }
0xf8: {  	v21 =	vmax.f32 v21, v33;
	v24 =	vadd.f32 v35, v24;
	v23 =	vmax.f32 v23, v35  }
0xf9: {  	v26 =	vadd.f32 v38, v26;
	v25 =	vmax.f32 v25, v38;
	v35 =	vadd.f32 v39, v16  }
0xfa: {  	v28 =	vadd.f32 v34, v28;
	v27 =	vmax.f32 v27, v34;
	v29 =	vadd.f32 v33, v29  }
0xfb: {  	p1 =	slt.s32 s5, $0x0;
	v30 =	vmax.f32 v30, v36;
	v33 =	vmax.f32 v35, $0.0e+00;
	s9 =	spop (v2sf)  }
0xfc: {  	s11 =	simm.f32 $0.0e+00;
	v32 =	vadd.f32 v33, v32;
	v31 =	vmax.f32 v31, v33;
	p2 =	seq.s32 @!p1 s9, s5;
	p3 =	sne.s32 s9, s5  }
0xfd: {  	p1 =	por p2, p1;
	s11 =	simm.s32 @!p3 $0x3F800000  }
0xfe: {  	s5 =	ssub.s32 @!p1 s5, s8  }
0xff: {  	s12 =	sshll.u32 @!p1 s5, $0x7  }
0x100: {  	[tilespmem:s12+$0xA3F0] =	vst @!p1 v31  }
0x101: {  	[tilespmem:s12+$0x143F0] =	vst @!p1 v32  }
0x102: {  	[tilespmem:s12+$0xA3E0] =	vst @!p1 v23  }
0x103: {  	[tilespmem:s12+$0x143E0] =	vst @!p1 v24  }
0x104: {  	[tilespmem:s12+$0x143D0] =	vst @!p1 v26  }
0x105: {  	[tilespmem:s12+$0xA3D0] =	vst @!p1 v25  }
.Ltmp8:
0x106: {  	[tilespmem:s12+$0xA3C0] =	vst @!p1 v21;
	(pc) =	sbr.rel @p0 .LBB2_8-.Ltmp8, $4  }
0x107: {  	[tilespmem:s12+$0x143C0] =	vst @!p1 v29  }
0x108: {  	[tilespmem:s12+$0xA3B0] =	vst @!p1 v27  }
0x109: {  	[tilespmem:s12+$0x143B0] =	vst @!p1 v28  }
0x10a: {  	[tilespmem:s12+$0xA3A0] =	vst @!p1 v30  }
.LBB2_9:
0x10b: {  	[tilespmem:s12+$0xA390] =	vst @!p1 v19  }
0x10c: {  	[tilespmem:s12+$0x14390] =	vst @!p1 v18  }
0x10d: {  	[tilespmem:s12+$0xA380] =	vst @!p1 v22  }
0x10e: {  	[tilespmem:s12+$0x143A0] =	vst @!p1 v20  }
0x10f: {  	[tilespmem:s12+$0x14380] =	vst @!p1 v17  }
0x110: {  	v31 =	vmul.f32 s11, v31;
	v30 =	vmul.f32 s11, v30;
	v33 =	vld [tilespmem:s22+$0xFFFFFFC0]  }
0x111: {  	v27 =	vmul.f32 s11, v27;
	v25 =	vmul.f32 s11, v25;
	v34 =	vld [tilespmem:s22+$0xFFFFFFD0]  }
0x112: {  	v23 =	vmul.f32 s11, v23;
	v22 =	vmul.f32 s11, v22;
	v35 =	vld [tilespmem:s22+$0xFFFFFFE0]  }
0x113: {  	v21 =	vmul.f32 s11, v21;
	v19 =	vmul.f32 s11, v19;
	v36 =	vld [tilespmem:s22+$0xFFFFFFF0]  }
0x114: {  	v18 =	vmul.f32 s11, v18;
	v32 =	vmul.f32 s11, v32;
	v37 =	vld [tilespmem:s22+$0x0]  }
0x115: {  	v29 =	vmul.f32 s11, v29;
	v28 =	vmul.f32 s11, v28;
	v38 =	vld [tilespmem:s22+$0x10]  }
0x116: {  	v26 =	vmul.f32 s11, v26;
	v24 =	vmul.f32 s11, v24;
	v40 =	vld [tilespmem:s22+$0x30]  }
0x117: {  	v20 =	vmul.f32 s11, v20;
	v17 =	vmul.f32 s11, v17;
	v39 =	vld [tilespmem:s22+$0x20]  }
0x118: {  	v33 =	vmul.f32 v33, v1;
	v34 =	vmul.f32 v34, v2  }
0x119: {  	v35 =	vmul.f32 v35, v3;
	v36 =	vmul.f32 v36, v4  }
0x11a: {  	v37 =	vmul.f32 v37, v5;
	v38 =	vmul.f32 v38, v6;
	v33 =	vadd.f32 v33, v9  }
0x11b: {  	v60 =	vmul.f32 v40, v8;
	v34 =	vadd.f32 v34, v10;
	v35 =	vadd.f32 v35, v11  }
0x11c: {  	v59 =	vmul.f32 v39, v7;
	v37 =	vadd.f32 v37, v13;
	v38 =	vadd.f32 v38, v14  }
0x11d: {  	v36 =	vadd.f32 v36, v12;
	v62 =	vadd.f32 v60, v16;
	v33 =	vmax.f32 v33, $0.0e+00  }
0x11e: {  	v34 =	vmax.f32 v34, $0.0e+00;
	v35 =	vmax.f32 v35, $0.0e+00;
	v37 =	vmax.f32 v37, $0.0e+00  }
0x11f: {  	v38 =	vmax.f32 v38, $0.0e+00;
	v61 =	vmax.f32 v36, $0.0e+00;
	v63 =	vmax.f32 v62, $0.0e+00  }
0x120: {  	v17 =	vadd.f32 v33, v17;
	v18 =	vadd.f32 v34, v18;
	v19 =	vmax.f32 v19, v34  }
0x121: {  	v34 =	vadd.f32 v59, v15;
	v20 =	vadd.f32 v35, v20;
	v22 =	vmax.f32 v22, v33  }
0x122: {  	v21 =	vmax.f32 v21, v37;
	v26 =	vadd.f32 v38, v26;
	v25 =	vmax.f32 v25, v38  }
0x123: {  	v28 =	vadd.f32 v61, v28;
	v27 =	vmax.f32 v27, v61;
	v29 =	vadd.f32 v37, v29  }
0x124: {  	v30 =	vmax.f32 v30, v35;
	v32 =	vadd.f32 v63, v32;
	v34 =	vmax.f32 v34, $0.0e+00  }
0x125: {  	s10 =	smov.u32 s9;
	v31 =	vmax.f32 v31, v63;
	v24 =	vadd.f32 v34, v24;
	v23 =	vmax.f32 v23, v34  }
.LBB2_10:
0x126: {  	s3 =	sadd.s32 $0x140, s3  }
0x127: {  	p0 =	slt.s32 s3, $0x4E160  }
0x128: {  	s3 =	simm.s32 @!p0 $0x4E160  }
0x129: {  	s5 =	sshll.u32 s3, $0x4  }
0x12a: {  	s3 =	sshrl.u32 s3, $0x3;
	s5 =	sadd.s32 s6, s5  }
0x12b: {  	[tilespmem:s15], [sflag:$0x1] =	stream.linear.gather [hbm4b:s5+s4], $0x5000, $0x38;
	[tilespmem:$0x1E380] =	vst v63  }
0x12c: {  	s3 =	sadd.s32 s2, s3  }
0x12d: {  	[tilespmem:s16], [sflag:$0x3] =	stream.linear.gather [hbm4b:s3+s4], $0xA0, $0x38;
	[tilespmem:$0x1E380] =	vst v63  }
0x12e: {  	s5 =	ssub.s32 s28, s0;
	s3 =	ssub.s32 s25, s0  }
0x12f: {  	p1 =	slt.s32 s5, $0xA0;
	p0 =	sgt.s32 s3, $0x0  }
0x130: {  	s5 =	simm.s32 @!p1 $0xA0;
	s3 =	simm.s32 @!p0 $0x0  }
0x131: {  	_ =	swait.ge [sflag:s20], $0x5000;
	p0 =	sle.s32 s5, s3  }
.Ltmp9:
0x132: {  	[sflag:s20] =	ssyncset.done $0x0;
	(pc) =	sbr.rel @p0 .LBB2_14-.Ltmp9, $4  }
0x133: {  	[sflag:s20] =	ssyncadd.s32 $0xFFFFB000  }
0x134: {  	_ =	swait.ge [sflag:s21], $0xA0  }
0x135: {  	[sflag:s21] =	ssyncset.done $0x0  }
0x136: {  	[sflag:s21] =	ssyncadd.s32 $0xFFFFFF60  }
0x137: {  	p0 =	sgt.s32 s31, $0x0;
	s0 =	smov.u32 s31  }
0x138: {  	s0 =	simm.s32 @!p0 $0x0  }
0x139: {  	s7 =	sshll.u32 s0, $0x2  }
0x13a: {  	s7 =	sshra.s32 s7, $0x2  }
0x13b: {  	s13 =	sadd.s32 $0xA280, s7  }
0x13c: {  	v33 =	vld [tilespmem:s13+$0x0];
	_ =	sdelay $0x4  }
0x13d: {  	(v2sf) =	vpush v33, $0x0;
	_ =	sdelay $0xe  }
0x13e: {  	p0 =	slt.s32 s10, $0x0;
	s9 =	spop (v2sf)  }
0x13f: {  	p1 =	seq.s32 @!p0 s9, s10  }
0x140: {  	p1 =	por p1, p0  }
0x141: {  	s7 =	ssub.s32 @!p1 s10, s8  }
0x142: {  	s12 =	sshll.u32 @!p1 s7, $0x7  }
0x143: {  	[tilespmem:s12+$0xA3F0] =	vst @!p1 v31  }
0x144: {  	[tilespmem:s12+$0x143F0] =	vst @!p1 v32  }
0x145: {  	[tilespmem:s12+$0xA3E0] =	vst @!p1 v23  }
0x146: {  	p0 =	sgt.s32 s5, s3;
	[tilespmem:s12+$0x143E0] =	vst @!p1 v24  }
0x147: {  	s7 =	sadd.s32 $0x1, s3;
	s3 =	smov.u32 @p0 s5;
	[tilespmem:s12+$0x143D0] =	vst @!p1 v26  }
0x148: {  	[tilespmem:s12+$0xA3D0] =	vst @!p1 v25;
	p0 =	slt.u32 s7, s3  }
.Ltmp10:
0x149: {  	[tilespmem:s12+$0xA3C0] =	vst @!p1 v21;
	(pc) =	sbr.rel @!p0 .LBB2_13-.Ltmp10, $4  }
0x14a: {  	s0 =	sshll.u32 s0, $0x9;
	[tilespmem:s12+$0x143C0] =	vst @!p1 v29  }
0x14b: {  	s0 =	sshra.s32 s0, $0x2;
	[tilespmem:s12+$0xA3B0] =	vst @!p1 v27  }
0x14c: {  	s11 =	simm.f32 $0.0e+00;
	s0 =	sadd.s32 $0x51C0, s0;
	p2 =	sne.s32 s9, s10;
	[tilespmem:s12+$0x143B0] =	vst @!p1 v28  }
0x14d: {  	s11 =	simm.s32 @!p2 $0x3F800000;
	s10 =	smov.u32 s0;
	[tilespmem:s12+$0xA3A0] =	vst @!p1 v30  }
.LBB2_12:
0x14e: {  	s7 =	sadd.s32 $0x1, s7;
	[tilespmem:s12+$0x143A0] =	vst @!p1 v20;
	s13 =	sadd.s32 $0x1, s13;
	s10 =	sadd.s32 $0x80, s10  }
0x14f: {  	s5 =	smov.u32 s9;
	p0 =	slt.u32 s7, s3;
	[tilespmem:s12+$0xA390] =	vst @!p1 v19  }
0x150: {  	[tilespmem:s12+$0x14390] =	vst @!p1 v18  }
0x151: {  	[tilespmem:s12+$0x14380] =	vst @!p1 v17  }
0x152: {  	[tilespmem:s12+$0xA380] =	vst @!p1 v22  }
0x153: {  	v32 =	vmul.f32 s11, v32;
	v31 =	vmul.f32 s11, v31;
	v33 =	vld [tilespmem:s13+$0x0]  }
0x154: {  	v30 =	vmul.f32 s11, v30;
	v29 =	vmul.f32 s11, v29;
	v34 =	vld [tilespmem:s0+$0xFFFFFFC0]  }
0x155: {  	v28 =	vmul.f32 s11, v28;
	v27 =	vmul.f32 s11, v27;
	v35 =	vld [tilespmem:s0+$0xFFFFFFD0]  }
0x156: {  	v26 =	vmul.f32 s11, v26;
	v25 =	vmul.f32 s11, v25;
	v36 =	vld [tilespmem:s0+$0xFFFFFFE0]  }
0x157: {  	v24 =	vmul.f32 s11, v24;
	v23 =	vmul.f32 s11, v23;
	v37 =	vld [tilespmem:s0+$0xFFFFFFF0]  }
0x158: {  	v21 =	vmul.f32 s11, v21;
	v22 =	vmul.f32 s11, v22;
	(v2sf) =	vpush v33, $0x0;
	v33 =	vld [tilespmem:s0+$0x0]  }
0x159: {  	v20 =	vmul.f32 s11, v20;
	v34 =	vmul.f32 v34, v1;
	v38 =	vld [tilespmem:s0+$0x10]  }
0x15a: {  	v19 =	vmul.f32 s11, v19;
	v35 =	vmul.f32 v35, v2;
	v39 =	vld [tilespmem:s0+$0x20]  }
0x15b: {  	v18 =	vmul.f32 s11, v18;
	v34 =	vadd.f32 v34, v9;
	v36 =	vmul.f32 v36, v3;
	v40 =	vld [tilespmem:s0+$0x30];
	s0 =	smov.u32 s10  }
0x15c: {  	v17 =	vmul.f32 s11, v17;
	v35 =	vadd.f32 v35, v10;
	v37 =	vmul.f32 v37, v4  }
0x15d: {  	v34 =	vmax.f32 v34, $0.0e+00;
	v36 =	vadd.f32 v36, v11;
	v33 =	vmul.f32 v33, v5  }
0x15e: {  	v17 =	vadd.f32 v34, v17;
	v35 =	vmax.f32 v35, $0.0e+00;
	v38 =	vmul.f32 v38, v6  }
0x15f: {  	v18 =	vadd.f32 v35, v18;
	v19 =	vmax.f32 v19, v35;
	v35 =	vmul.f32 v39, v7  }
0x160: {  	v36 =	vmax.f32 v36, $0.0e+00;
	v33 =	vadd.f32 v33, v13;
	v38 =	vadd.f32 v38, v14  }
0x161: {  	v37 =	vadd.f32 v37, v12;
	v39 =	vmul.f32 v40, v8;
	v35 =	vadd.f32 v35, v15  }
0x162: {  	v20 =	vadd.f32 v36, v20;
	v33 =	vmax.f32 v33, $0.0e+00;
	v38 =	vmax.f32 v38, $0.0e+00  }
0x163: {  	v22 =	vmax.f32 v22, v34;
	v34 =	vmax.f32 v37, $0.0e+00;
	v35 =	vmax.f32 v35, $0.0e+00  }
0x164: {  	v21 =	vmax.f32 v21, v33;
	v24 =	vadd.f32 v35, v24;
	v23 =	vmax.f32 v23, v35  }
0x165: {  	v26 =	vadd.f32 v38, v26;
	v25 =	vmax.f32 v25, v38;
	v35 =	vadd.f32 v39, v16  }
0x166: {  	v28 =	vadd.f32 v34, v28;
	v27 =	vmax.f32 v27, v34;
	v29 =	vadd.f32 v33, v29  }
0x167: {  	p1 =	slt.s32 s5, $0x0;
	v30 =	vmax.f32 v30, v36;
	v33 =	vmax.f32 v35, $0.0e+00;
	s9 =	spop (v2sf)  }
0x168: {  	s11 =	simm.f32 $0.0e+00;
	v32 =	vadd.f32 v33, v32;
	v31 =	vmax.f32 v31, v33;
	p2 =	seq.s32 @!p1 s9, s5;
	p3 =	sne.s32 s9, s5  }
0x169: {  	p1 =	por p2, p1;
	s11 =	simm.s32 @!p3 $0x3F800000  }
0x16a: {  	s5 =	ssub.s32 @!p1 s5, s8  }
0x16b: {  	s12 =	sshll.u32 @!p1 s5, $0x7  }
0x16c: {  	[tilespmem:s12+$0xA3F0] =	vst @!p1 v31  }
0x16d: {  	[tilespmem:s12+$0x143F0] =	vst @!p1 v32  }
0x16e: {  	[tilespmem:s12+$0xA3E0] =	vst @!p1 v23  }
0x16f: {  	[tilespmem:s12+$0x143E0] =	vst @!p1 v24  }
0x170: {  	[tilespmem:s12+$0x143D0] =	vst @!p1 v26  }
0x171: {  	[tilespmem:s12+$0xA3D0] =	vst @!p1 v25  }
.Ltmp11:
0x172: {  	[tilespmem:s12+$0xA3C0] =	vst @!p1 v21;
	(pc) =	sbr.rel @p0 .LBB2_12-.Ltmp11, $4  }
0x173: {  	[tilespmem:s12+$0x143C0] =	vst @!p1 v29  }
0x174: {  	[tilespmem:s12+$0xA3B0] =	vst @!p1 v27  }
0x175: {  	[tilespmem:s12+$0x143B0] =	vst @!p1 v28  }
0x176: {  	[tilespmem:s12+$0xA3A0] =	vst @!p1 v30  }
.Ltmp12:
0x177: {  	_ = 	snop;
	(pc) =	sbr.rel .LBB2_13-.Ltmp12, $1  }
0x178: {  	_ =	sdelay $0x3  }
.LBB2_16:
0x179: {  	_ =	sfence.sel $0x180000  }
0x17a: {  	[bflag:$0x0] =	sbarrier.arrive $0xFFFF  }
0x17b: {  	_ =	strace $0x90000047  }
0x17c: {  	s0 =	stileid.u32;
	[bflag:$0x2] =	sbarrier.arrive $0xFFFF  }
0x17d: {  	p0 =	sne.s32 s0, $0x0;
	s0 =	rddreg [dreg:$0x3]  }
0x17e: {  	s0 =	sadd.s32 @!p0 $0x100000, s0  }
0x17f: {  	[sflag:s0] =	ssyncadd.tile.s32 @!p0 $0x1;
	_ =	shalt  }
.Lfunc_end2:
_tile_overlayer_lowered:
.L_overlay_start_2:
0x180: {  	(tag) =	ssettag $0x2  }
0x181: {  	s0 =	rddreg [dreg:$0x0];
	s2 =	stileid.u32  }
0x182: {  	s1 =	rddreg [dreg:$0x1];
	p0 =	sne.s32 s2, $0x0  }
0x183: {  	s3 =	rddreg [dreg:$0x2];
	[bflag:$0x3] =	sbarrier.arrive $0xFFFF;
	s2 =	simm.s32 @!p0 $0x1C05  }
0x184: {  	[timem:s3], [sflag:s2] =	dma.local @!p0 [hbm:s0], s1  }
0x185: {  	s0 =	simm.s32 @!p0 $0x5  }
0x186: {  	_ =	swait.ge @!p0 [sflag:s0], s1  }
0x187: {  	s1 =	ssub.s32 @!p0 $0x0, s1;
	[sflag:s0] =	ssyncset.done @!p0 $0x0  }
0x188: {  	[sflag:s0] =	ssyncadd.s32 @!p0 s1  }
0x189: {  	[bflag:$0x3] =	sbarrier.arrive $0xFFFF  }
0x18a: {  	_ =	shalt  }

</sc_bundles>
